<compile_context>
chip_gen: v7x
topology: tpu7x:2x2x1
jax: 0.10.2.dev20260603
libtpu: 0.0.44.dev20260713+nightly
codegen_flags: <defaults>
</compile_context>

<pallas_src>
import functools

import jax
import jax.numpy as jnp
from jax import lax
from jax.experimental import pallas as pl
from jax.experimental.pallas import tpu as pltpu
from jax.experimental.pallas import tpu_sc as plsc

N = 10000
NPAD = 10112
D = 128
E = 320000
G = 16
NC = 2
NS = 16
NW = NC * NS
BLK = 128
NBLK = 80
TOTAL_BLKS = NW * NBLK
EPAD = TOTAL_BLKS * BLK
Q = 2560
LBLKS = 24
LCAP = LBLKS * BLK
ACC_ROWS = Q + BLK
ACC_RPS = ACC_ROWS // NS
OUT_RPS = Q // NS
H_RPS = NPAD // NS

_sc_mesh = plsc.VectorSubcoreMesh(core_axis_name="c", subcore_axis_name="s")
_f32 = jnp.float32


@functools.partial(
    pl.kernel,
    out_type=[
        jax.ShapeDtypeStruct((NW, NPAD), _f32),
        jax.ShapeDtypeStruct((NW, 4 * LCAP), jnp.int32),
        jax.ShapeDtypeStruct((NW, 4 * LCAP), jnp.int32),
    ],
    mesh=_sc_mesh,
    scratch_types=[
        pltpu.VMEM((NBLK, BLK), jnp.int32),
        pltpu.VMEM((NBLK, BLK), jnp.int32),
        pltpu.VMEM((NPAD,), _f32),
        pltpu.VMEM((4 * LCAP,), jnp.int32),
        pltpu.VMEM((4 * LCAP,), jnp.int32),
    ],
    compiler_params=pltpu.CompilerParams(needs_layout_passes=False),
)
def _part_kernel(src_hbm, dst_hbm, deg_hbm, srcl_hbm, dstl_hbm,
                 src_v, dst_v, deg_v, osrc_v, odst_v):
    cid = lax.axis_index("c")
    sid = lax.axis_index("s")
    wid = cid * NS + sid
    pltpu.sync_copy(src_hbm.at[pl.ds(wid * NBLK, NBLK)], src_v)
    pltpu.sync_copy(dst_hbm.at[pl.ds(wid * NBLK, NBLK)], dst_v)

    zeros16 = jnp.zeros((16,), _f32)
    ones16 = jnp.ones((16,), _f32)

    def zero_body(i, _):
        deg_v[pl.ds(i * 16, 16)] = zeros16
        return ()

    lax.fori_loop(0, NPAD // 16, zero_body, ())

    padsrc = jnp.zeros((16,), jnp.int32)
    paddst = jnp.full((16,), Q, jnp.int32)

    def prefill_body(i, _):
        osrc_v[pl.ds(i * 16, 16)] = padsrc
        odst_v[pl.ds(i * 16, 16)] = paddst
        return ()

    lax.fori_loop(0, 4 * LCAP // 16, prefill_body, ())

    def grp_body(g, cursors):
        blk = g // (BLK // 16)
        k = g % (BLK // 16)
        srcv = src_v[blk, pl.ds(k * 16, 16)]
        dstv = dst_v[blk, pl.ds(k * 16, 16)]
        plsc.addupdate_scatter(deg_v, [dstv], ones16)
        new_cursors = []
        for q in range(4):
            cq = cursors[q]
            mask = (dstv >= q * Q) & (dstv < (q + 1) * Q)
            mi = mask.astype(jnp.int32)
            pos = cq + lax.cumsum(mi, axis=0) - 1
            mask = mask & (pos >= 0) & (pos < 4 * LCAP)
            plsc.store_scatter(osrc_v, [pos], srcv, mask=mask)
            plsc.store_scatter(odst_v, [pos], dstv - q * Q, mask=mask)
            new_cursors.append(cq + jnp.sum(mi))
        return tuple(new_cursors)

    lax.fori_loop(0, NBLK * (BLK // 16), grp_body,
                  tuple(jnp.int32(q * LCAP) for q in range(4)))
    pltpu.sync_copy(deg_v, deg_hbm.at[wid])
    pltpu.sync_copy(osrc_v, srcl_hbm.at[wid])
    pltpu.sync_copy(odst_v, dstl_hbm.at[wid])


@functools.partial(
    pl.kernel,
    out_type=jax.ShapeDtypeStruct((4, Q, D), _f32),
    mesh=_sc_mesh,
    scratch_types=[
        pltpu.VMEM((LBLKS, BLK), jnp.int32),
        pltpu.VMEM((LBLKS, BLK), jnp.int32),
        pltpu.VMEM((BLK, D), _f32),
        pltpu.VMEM_SHARED((NPAD, D), _f32),
        pltpu.VMEM_SHARED((ACC_ROWS, D), _f32),
        pltpu.SemaphoreType.DMA,
    ],
    compiler_params=pltpu.CompilerParams(needs_layout_passes=False),
)
def _agg_kernel(h_hbm, srcl_hbm, dstl_hbm, zeros_hbm, out_hbm,
                src_v, dst_v, rows_v, hsp_sh, acc_sh, sem):
    cid = lax.axis_index("c")
    sid = lax.axis_index("s")

    hlo = sid * H_RPS
    pltpu.sync_copy(h_hbm.at[pl.ds(hlo, H_RPS)], hsp_sh.at[pl.ds(hlo, H_RPS)])

    for p in range(2):
        q = 2 * cid + p
        alo = sid * ACC_RPS
        pltpu.sync_copy(zeros_hbm.at[pl.ds(alo, ACC_RPS)],
                        acc_sh.at[pl.ds(alo, ACC_RPS)])
        plsc.subcore_barrier()

        for sub in range(2):
            w = 2 * sid + sub
            pltpu.sync_copy(srcl_hbm.at[w, q], src_v)
            pltpu.sync_copy(dstl_hbm.at[w, q], dst_v)

            def blk_body(j, _):
                pltpu.async_copy(hsp_sh.at[src_v.at[j]], rows_v, sem).wait()
                pltpu.sync_copy(rows_v, acc_sh.at[dst_v.at[j]], add=True)
                return ()

            lax.fori_loop(0, LBLKS, blk_body, ())

        plsc.subcore_barrier()
        olo = sid * OUT_RPS
        pltpu.sync_copy(acc_sh.at[pl.ds(olo, OUT_RPS)],
                        out_hbm.at[q, pl.ds(olo, OUT_RPS)])
        plsc.subcore_barrier()


def _prescale_body(degT_ref, x_ref, w_ref, dinv_ref, hp_ref):
    deg = jnp.sum(degT_ref[...], axis=1, keepdims=True) + 1.0
    dinv = lax.rsqrt(deg)[:N]
    h = jnp.dot(x_ref[...], w_ref[...], preferred_element_type=_f32)
    dinv_ref[...] = dinv
    hp_ref[0:N] = dinv * h
    hp_ref[N:NPAD] = jnp.zeros((NPAD - N, D), _f32)


def _mid_body(acc_ref, hp_ref, dinv_ref, b_ref, w_ref, out_ref):
    accf = acc_ref[...].reshape(4 * Q, D)
    agg = accf[:N] + hp_ref[0:N]
    dinv = dinv_ref[...]
    h = jnp.maximum(dinv * agg + b_ref[...], 0.0)
    out_ref[0:N] = dinv * jnp.dot(h, w_ref[...], preferred_element_type=_f32)
    out_ref[N:NPAD] = jnp.zeros((NPAD - N, D), _f32)


def _final_body(acc_ref, hp_ref, dinv_ref, b_ref, batch_ref, out_ref):
    accf = acc_ref[...].reshape(4 * Q, D)
    agg = accf[:N] + hp_ref[0:N]
    h = jnp.maximum(dinv_ref[...] * agg + b_ref[...], 0.0)
    gids = lax.broadcasted_iota(jnp.int32, (G, N), 0)
    mask = (batch_ref[...] == gids).astype(_f32)
    sums = jnp.dot(mask, h, preferred_element_type=_f32)
    counts = jnp.sum(mask, axis=1, keepdims=True)
    pooled = sums / jnp.maximum(counts, 1.0)
    m = jnp.max(pooled, axis=1, keepdims=True)
    lse = jnp.log(jnp.sum(jnp.exp(pooled - m), axis=1, keepdims=True)) + m
    out_ref[...] = pooled - lse


_prescale = pl.pallas_call(
    _prescale_body,
    out_shape=[jax.ShapeDtypeStruct((N, 1), _f32),
               jax.ShapeDtypeStruct((NPAD, D), _f32)],
)

_mid = pl.pallas_call(
    _mid_body,
    out_shape=jax.ShapeDtypeStruct((NPAD, D), _f32),
)

_final = pl.pallas_call(
    _final_body,
    out_shape=jax.ShapeDtypeStruct((G, D), _f32),
)


def kernel(x, edge_index, batch, W1, b1, W2, b2):
    src = edge_index[0]
    dst = edge_index[1]
    pad = EPAD - E
    src4 = jnp.concatenate([src, jnp.zeros((pad,), jnp.int32)])
    src4 = src4.reshape(TOTAL_BLKS, BLK)
    dst4 = jnp.concatenate([dst, jnp.full((pad,), N, jnp.int32)])
    dst4 = dst4.reshape(TOTAL_BLKS, BLK)

    degP, srcl, dstl = _part_kernel(src4, dst4)
    degT = degP.T
    srcl = srcl.reshape(NW, 4, LBLKS, BLK)
    dstl = dstl.reshape(NW, 4, LBLKS, BLK)
    dinv, h1p = _prescale(degT, x, W1)

    zeros = jnp.zeros((ACC_ROWS, D), _f32)
    acc1 = _agg_kernel(h1p, srcl, dstl, zeros)
    h2p = _mid(acc1, h1p, dinv, b1.reshape(1, D), W2)
    acc2 = _agg_kernel(h2p, srcl, dstl, zeros)
    out = _final(acc2, h2p, dinv, b2.reshape(1, D), batch.reshape(1, N))
    return out

# --- scband reference (transcript-rebuilt; emitter-appended) ---
"""Pipeline reference for scband-simple-gcn-57372173140576 (READ-ONLY COPY).

The authoritative reference and input builder live on the scoring server;
editing this copy changes nothing except your own understanding.
"""

import jax, jax.numpy as jnp
import numpy as np

N_NODES = 10000
N_EDGES = 320000
D_IN = 128
D_HID = 128
D_OUT = 128
NUM_GRAPHS = 16


def setup_inputs(seed: int = 0) -> dict:
    key = jax.random.key(seed)
    k1, k2, k3, k4, k5 = jax.random.split(key, 5)
    x = jax.random.normal(k1, (N_NODES, D_IN), dtype=jnp.float32)
    edge_index = jax.random.randint(k2, (2, N_EDGES), 0, N_NODES, dtype=jnp.int32)
    batch = jnp.sort(jax.random.randint(k3, (N_NODES,), 0, NUM_GRAPHS, dtype=jnp.int32))
    s1 = 1.0 / np.sqrt(D_IN)
    s2 = 1.0 / np.sqrt(D_HID)
    W1 = jax.random.uniform(k4, (D_IN, D_HID), dtype=jnp.float32, minval=-s1, maxval=s1)
    b1 = jnp.zeros((D_HID,), dtype=jnp.float32)
    W2 = jax.random.uniform(k5, (D_HID, D_OUT), dtype=jnp.float32, minval=-s2, maxval=s2)
    b2 = jnp.zeros((D_OUT,), dtype=jnp.float32)
    return {"x": x, "edge_index": edge_index, "batch": batch, "W1": W1, "b1": b1, "W2": W2, "b2": b2}


def _gcn_conv(x, src, dst, W, b):
    n = x.shape[0]
    loop = jnp.arange(n, dtype=src.dtype)
    s = jnp.concatenate([src, loop])
    d = jnp.concatenate([dst, loop])
    # symmetric normalization with self-loops (deg >= 1)
    deg = jnp.zeros((n,), dtype=x.dtype).at[d].add(1.0)
    dinv = jax.lax.rsqrt(deg)
    norm = dinv[s] * dinv[d]
    h = x @ W
    msg = h[s] * norm[:, None]
    out = jnp.zeros((n, W.shape[1]), dtype=x.dtype).at[d].add(msg)
    return out + b


def reference(x, edge_index, batch, W1, b1, W2, b2):
    src = edge_index[0]
    dst = edge_index[1]
    h = _gcn_conv(x, src, dst, W1, b1)
    h = jax.nn.relu(h)
    # dropout is identity in eval mode
    h = _gcn_conv(h, src, dst, W2, b2)
    h = jax.nn.relu(h)
    # global mean pool over batch segments
    sums = jax.ops.segment_sum(h, batch, num_segments=NUM_GRAPHS)
    counts = jax.ops.segment_sum(jnp.ones((h.shape[0],), dtype=h.dtype), batch, num_segments=NUM_GRAPHS)
    pooled = sums / jnp.maximum(counts, 1.0)[:, None]
    return jax.nn.log_softmax(pooled, axis=1)

if __name__ == "__main__":
    import jax
    _d = setup_inputs()
    print(jax.jit(kernel)(*tuple(_d.values())))

</pallas_src>

<mosaic_0001>
#map = affine_map<(d0, d1) -> (0, 0)>
#map1 = affine_map<(d0, d1) -> (0, 0, 0, 0)>
#map2 = affine_map<(d0, d1) -> (0, 0, 0)>
module attributes {stable_mosaic.version = 14 : i64} {
  func.func @_agg_kernel(%arg0: i32, %arg1: i32, %arg2: memref<10112x128xf32, #tpu.memory_space<hbm>>, %arg3: memref<32x4x24x128xi32, #tpu.memory_space<hbm>>, %arg4: memref<32x4x24x128xi32, #tpu.memory_space<hbm>>, %arg5: memref<2688x128xf32, #tpu.memory_space<hbm>>, %arg6: memref<4x2560x128xf32, #tpu.memory_space<hbm>>, %arg7: memref<24x128xi32, #tpu.memory_space<vmem>>, %arg8: memref<24x128xi32, #tpu.memory_space<vmem>>, %arg9: memref<128x128xf32, #tpu.memory_space<vmem>>, %arg10: memref<10112x128xf32, #tpu.memory_space<vmem_shared>>, %arg11: memref<2688x128xf32, #tpu.memory_space<vmem_shared>>, %arg12: memref<!tpu.dma_semaphore, #tpu.memory_space<semaphore_mem>>) attributes {dimension_semantics = [#tpu.dimension_semantics<core_parallel>, #tpu.dimension_semantics<subcore_parallel>], iteration_bounds = array<i64: 2, 16>, scalar_prefetch = 0 : i64, scratch_operands = 6 : i64, tpu.core_type = #tpu.core_type<sc_vector_subcore>, window_params = [{transform_indices = #map}, {transform_indices = #map1}, {transform_indices = #map1}, {transform_indices = #map}, {transform_indices = #map2}]} {
    %mul3A = arith.constant 632 : i32
    %mul3A_0 = arith.muli %arg1, %mul3A : i32
    "tpu.region"() ({
      %run_scoped3A = tpu.sem_alloc : memref<!tpu.dma_semaphore, #tpu.memory_space<semaphore_mem>>
      %dma_start3A = arith.constant 0 : i32
      %dma_start3A_56 = tpu.memref_slice %arg10[%mul3A_0, %dma_start3A] : memref<10112x128xf32, #tpu.memory_space<vmem_shared>> -> memref<632x128xf32, #tpu.memory_space<vmem_shared>>
      %dma_start3A_57 = arith.constant 0 : i32
      %dma_start3A_58 = tpu.memref_slice %arg2[%mul3A_0, %dma_start3A_57] : memref<10112x128xf32, #tpu.memory_space<hbm>> -> memref<632x128xf32, #tpu.memory_space<hbm>>
      tpu.enqueue_dma source(%dma_start3A_58 : memref<632x128xf32, #tpu.memory_space<hbm>>) target(%dma_start3A_56 : memref<632x128xf32, #tpu.memory_space<vmem_shared>>) target_semaphore(%run_scoped3A : memref<!tpu.dma_semaphore, #tpu.memory_space<semaphore_mem>>)
      %dma_wait3A = arith.constant 0 : i32
      %dma_wait3A_59 = tpu.memref_slice %arg10[%mul3A_0, %dma_wait3A] : memref<10112x128xf32, #tpu.memory_space<vmem_shared>> -> memref<632x128xf32, #tpu.memory_space<vmem_shared>>
      %dma_wait3A_60 = arith.constant 0 : i32
      %dma_wait3A_61 = tpu.memref_slice %arg2[%mul3A_0, %dma_wait3A_60] : memref<10112x128xf32, #tpu.memory_space<hbm>> -> memref<632x128xf32, #tpu.memory_space<hbm>>
      tpu.wait_dma2 semaphore(%run_scoped3A : memref<!tpu.dma_semaphore, #tpu.memory_space<semaphore_mem>>) src(%dma_wait3A_61 : memref<632x128xf32, #tpu.memory_space<hbm>>) dst(%dma_wait3A_59 : memref<632x128xf32, #tpu.memory_space<vmem_shared>>)
      tpu.yield
    }) : () -> ()
    %mul3A_1 = arith.constant 2 : i32
    %mul3A_2 = arith.muli %mul3A_1, %arg0 : i32
    %add3A = arith.constant 0 : i32
    %add3A_3 = arith.addi %mul3A_2, %add3A : i32
    %mul3A_4 = arith.constant 168 : i32
    %mul3A_5 = arith.muli %arg1, %mul3A_4 : i32
    "tpu.region"() ({
      %run_scoped3A = tpu.sem_alloc : memref<!tpu.dma_semaphore, #tpu.memory_space<semaphore_mem>>
      %dma_start3A = arith.constant 0 : i32
      %dma_start3A_56 = tpu.memref_slice %arg11[%mul3A_5, %dma_start3A] : memref<2688x128xf32, #tpu.memory_space<vmem_shared>> -> memref<168x128xf32, #tpu.memory_space<vmem_shared>>
      %dma_start3A_57 = arith.constant 0 : i32
      %dma_start3A_58 = tpu.memref_slice %arg5[%mul3A_5, %dma_start3A_57] : memref<2688x128xf32, #tpu.memory_space<hbm>> -> memref<168x128xf32, #tpu.memory_space<hbm>>
      tpu.enqueue_dma source(%dma_start3A_58 : memref<168x128xf32, #tpu.memory_space<hbm>>) target(%dma_start3A_56 : memref<168x128xf32, #tpu.memory_space<vmem_shared>>) target_semaphore(%run_scoped3A : memref<!tpu.dma_semaphore, #tpu.memory_space<semaphore_mem>>)
      %dma_wait3A = arith.constant 0 : i32
      %dma_wait3A_59 = tpu.memref_slice %arg11[%mul3A_5, %dma_wait3A] : memref<2688x128xf32, #tpu.memory_space<vmem_shared>> -> memref<168x128xf32, #tpu.memory_space<vmem_shared>>
      %dma_wait3A_60 = arith.constant 0 : i32
      %dma_wait3A_61 = tpu.memref_slice %arg5[%mul3A_5, %dma_wait3A_60] : memref<2688x128xf32, #tpu.memory_space<hbm>> -> memref<168x128xf32, #tpu.memory_space<hbm>>
      tpu.wait_dma2 semaphore(%run_scoped3A : memref<!tpu.dma_semaphore, #tpu.memory_space<semaphore_mem>>) src(%dma_wait3A_61 : memref<168x128xf32, #tpu.memory_space<hbm>>) dst(%dma_wait3A_59 : memref<168x128xf32, #tpu.memory_space<vmem_shared>>)
      tpu.yield
    }) : () -> ()
    %barrier3A = arith.constant 0 : index
    tpu.barrier barrier_id(%barrier3A)
    %mul3A_6 = arith.constant 2 : i32
    %mul3A_7 = arith.muli %mul3A_6, %arg1 : i32
    %add3A_8 = arith.constant 0 : i32
    %add3A_9 = arith.addi %mul3A_7, %add3A_8 : i32
    "tpu.region"() ({
      %run_scoped3A = tpu.sem_alloc : memref<!tpu.dma_semaphore, #tpu.memory_space<semaphore_mem>>
      %dma_start3A = arith.constant 0 : i32
      %dma_start3A_56 = arith.constant 0 : i32
      %dma_start3A_57 = tpu.memref_slice %arg3[%add3A_9, %add3A_3, %dma_start3A, %dma_start3A_56] : memref<32x4x24x128xi32, #tpu.memory_space<hbm>> -> memref<1x1x24x128xi32, #tpu.memory_space<hbm>>
      %dma_start3A_58 = tpu.memref_squeeze %dma_start3A_57 : memref<1x1x24x128xi32, #tpu.memory_space<hbm>> -> memref<24x128xi32, #tpu.memory_space<hbm>>
      %dma_start3A_59 = arith.constant 0 : i32
      %dma_start3A_60 = arith.constant 0 : i32
      %dma_start3A_61 = tpu.memref_slice %arg3[%add3A_9, %add3A_3, %dma_start3A_59, %dma_start3A_60] : memref<32x4x24x128xi32, #tpu.memory_space<hbm>> -> memref<1x1x24x128xi32, #tpu.memory_space<hbm>>
      %dma_start3A_62 = tpu.memref_squeeze %dma_start3A_61 : memref<1x1x24x128xi32, #tpu.memory_space<hbm>> -> memref<24x128xi32, #tpu.memory_space<hbm>>
      tpu.enqueue_dma source(%dma_start3A_62 : memref<24x128xi32, #tpu.memory_space<hbm>>) target(%arg7 : memref<24x128xi32, #tpu.memory_space<vmem>>) target_semaphore(%run_scoped3A : memref<!tpu.dma_semaphore, #tpu.memory_space<semaphore_mem>>)
      %dma_wait3A = arith.constant 0 : i32
      %dma_wait3A_63 = arith.constant 0 : i32
      %dma_wait3A_64 = tpu.memref_slice %arg3[%add3A_9, %add3A_3, %dma_wait3A, %dma_wait3A_63] : memref<32x4x24x128xi32, #tpu.memory_space<hbm>> -> memref<1x1x24x128xi32, #tpu.memory_space<hbm>>
      %dma_wait3A_65 = tpu.memref_squeeze %dma_wait3A_64 : memref<1x1x24x128xi32, #tpu.memory_space<hbm>> -> memref<24x128xi32, #tpu.memory_space<hbm>>
      %dma_wait3A_66 = arith.constant 0 : i32
      %dma_wait3A_67 = arith.constant 0 : i32
      %dma_wait3A_68 = tpu.memref_slice %arg3[%add3A_9, %add3A_3, %dma_wait3A_66, %dma_wait3A_67] : memref<32x4x24x128xi32, #tpu.memory_space<hbm>> -> memref<1x1x24x128xi32, #tpu.memory_space<hbm>>
      %dma_wait3A_69 = tpu.memref_squeeze %dma_wait3A_68 : memref<1x1x24x128xi32, #tpu.memory_space<hbm>> -> memref<24x128xi32, #tpu.memory_space<hbm>>
      tpu.wait_dma2 semaphore(%run_scoped3A : memref<!tpu.dma_semaphore, #tpu.memory_space<semaphore_mem>>) src(%dma_wait3A_69 : memref<24x128xi32, #tpu.memory_space<hbm>>) dst(%arg7 : memref<24x128xi32, #tpu.memory_space<vmem>>)
      tpu.yield
    }) : () -> ()
    "tpu.region"() ({
      %run_scoped3A = tpu.sem_alloc : memref<!tpu.dma_semaphore, #tpu.memory_space<semaphore_mem>>
      %dma_start3A = arith.constant 0 : i32
      %dma_start3A_56 = arith.constant 0 : i32
      %dma_start3A_57 = tpu.memref_slice %arg4[%add3A_9, %add3A_3, %dma_start3A, %dma_start3A_56] : memref<32x4x24x128xi32, #tpu.memory_space<hbm>> -> memref<1x1x24x128xi32, #tpu.memory_space<hbm>>
      %dma_start3A_58 = tpu.memref_squeeze %dma_start3A_57 : memref<1x1x24x128xi32, #tpu.memory_space<hbm>> -> memref<24x128xi32, #tpu.memory_space<hbm>>
      %dma_start3A_59 = arith.constant 0 : i32
      %dma_start3A_60 = arith.constant 0 : i32
      %dma_start3A_61 = tpu.memref_slice %arg4[%add3A_9, %add3A_3, %dma_start3A_59, %dma_start3A_60] : memref<32x4x24x128xi32, #tpu.memory_space<hbm>> -> memref<1x1x24x128xi32, #tpu.memory_space<hbm>>
      %dma_start3A_62 = tpu.memref_squeeze %dma_start3A_61 : memref<1x1x24x128xi32, #tpu.memory_space<hbm>> -> memref<24x128xi32, #tpu.memory_space<hbm>>
      tpu.enqueue_dma source(%dma_start3A_62 : memref<24x128xi32, #tpu.memory_space<hbm>>) target(%arg8 : memref<24x128xi32, #tpu.memory_space<vmem>>) target_semaphore(%run_scoped3A : memref<!tpu.dma_semaphore, #tpu.memory_space<semaphore_mem>>)
      %dma_wait3A = arith.constant 0 : i32
      %dma_wait3A_63 = arith.constant 0 : i32
      %dma_wait3A_64 = tpu.memref_slice %arg4[%add3A_9, %add3A_3, %dma_wait3A, %dma_wait3A_63] : memref<32x4x24x128xi32, #tpu.memory_space<hbm>> -> memref<1x1x24x128xi32, #tpu.memory_space<hbm>>
      %dma_wait3A_65 = tpu.memref_squeeze %dma_wait3A_64 : memref<1x1x24x128xi32, #tpu.memory_space<hbm>> -> memref<24x128xi32, #tpu.memory_space<hbm>>
      %dma_wait3A_66 = arith.constant 0 : i32
      %dma_wait3A_67 = arith.constant 0 : i32
      %dma_wait3A_68 = tpu.memref_slice %arg4[%add3A_9, %add3A_3, %dma_wait3A_66, %dma_wait3A_67] : memref<32x4x24x128xi32, #tpu.memory_space<hbm>> -> memref<1x1x24x128xi32, #tpu.memory_space<hbm>>
      %dma_wait3A_69 = tpu.memref_squeeze %dma_wait3A_68 : memref<1x1x24x128xi32, #tpu.memory_space<hbm>> -> memref<24x128xi32, #tpu.memory_space<hbm>>
      tpu.wait_dma2 semaphore(%run_scoped3A : memref<!tpu.dma_semaphore, #tpu.memory_space<semaphore_mem>>) src(%dma_wait3A_69 : memref<24x128xi32, #tpu.memory_space<hbm>>) dst(%arg8 : memref<24x128xi32, #tpu.memory_space<vmem>>)
      tpu.yield
    }) : () -> ()
    %scan3A = arith.constant 0 : i32
    %scan3A_10 = arith.constant 24 : i32
    %scan3A_11 = arith.addi %scan3A, %scan3A_10 : i32
    %scan3A_12 = arith.constant 1 : i32
    scf.for %scan3A_56 = %scan3A to %scan3A_11 step %scan3A_12  : i32 {
      %dma_start3A = arith.constant 0 : i32
      %dma_start3A_57 = tpu.memref_slice %arg7[%scan3A_56, %dma_start3A] : memref<24x128xi32, #tpu.memory_space<vmem>> -> memref<1x128xi32, #tpu.memory_space<vmem>>
      %dma_start3A_58 = tpu.memref_squeeze %dma_start3A_57 : memref<1x128xi32, #tpu.memory_space<vmem>> -> memref<128xi32, #tpu.memory_space<vmem>>
      %dma_start3A_59 = arith.constant 0 : i32
      %dma_start3A_60 = arith.constant 0 : i32
      %dma_start3A_61 = tpu.memref_slice %arg10[%dma_start3A_59, %dma_start3A_60] : memref<10112x128xf32, #tpu.memory_space<vmem_shared>> -> memref<10112x128xf32, #tpu.memory_space<vmem_shared>>
      tpu.enqueue_indirect_dma source(%dma_start3A_61 : memref<10112x128xf32, #tpu.memory_space<vmem_shared>>) target(%arg9 : memref<128x128xf32, #tpu.memory_space<vmem>>) offsets(%dma_start3A_58 : memref<128xi32, #tpu.memory_space<vmem>>) semaphore(%arg12 : memref<!tpu.dma_semaphore, #tpu.memory_space<semaphore_mem>>)
      %dma_wait3A = arith.constant 0 : i32
      %dma_wait3A_62 = tpu.memref_slice %arg7[%scan3A_56, %dma_wait3A] : memref<24x128xi32, #tpu.memory_space<vmem>> -> memref<1x128xi32, #tpu.memory_space<vmem>>
      %dma_wait3A_63 = tpu.memref_squeeze %dma_wait3A_62 : memref<1x128xi32, #tpu.memory_space<vmem>> -> memref<128xi32, #tpu.memory_space<vmem>>
      %dma_wait3A_64 = arith.constant 0 : i32
      %dma_wait3A_65 = arith.constant 0 : i32
      %dma_wait3A_66 = tpu.memref_slice %arg10[%dma_wait3A_64, %dma_wait3A_65] : memref<10112x128xf32, #tpu.memory_space<vmem_shared>> -> memref<10112x128xf32, #tpu.memory_space<vmem_shared>>
      tpu.wait_indirect_dma semaphore(%arg12 : memref<!tpu.dma_semaphore, #tpu.memory_space<semaphore_mem>>) src(%dma_wait3A_66 : memref<10112x128xf32, #tpu.memory_space<vmem_shared>>) dst(%arg9 : memref<128x128xf32, #tpu.memory_space<vmem>>)
      "tpu.region"() ({
        %run_scoped3A = tpu.sem_alloc : memref<!tpu.dma_semaphore, #tpu.memory_space<semaphore_mem>>
        %dma_start3A_67 = arith.constant 0 : i32
        %dma_start3A_68 = tpu.memref_slice %arg8[%scan3A_56, %dma_start3A_67] : memref<24x128xi32, #tpu.memory_space<vmem>> -> memref<1x128xi32, #tpu.memory_space<vmem>>
        %dma_start3A_69 = tpu.memref_squeeze %dma_start3A_68 : memref<1x128xi32, #tpu.memory_space<vmem>> -> memref<128xi32, #tpu.memory_space<vmem>>
        %dma_start3A_70 = arith.constant 0 : i32
        %dma_start3A_71 = arith.constant 0 : i32
        %dma_start3A_72 = tpu.memref_slice %arg11[%dma_start3A_70, %dma_start3A_71] : memref<2688x128xf32, #tpu.memory_space<vmem_shared>> -> memref<2688x128xf32, #tpu.memory_space<vmem_shared>>
        tpu.enqueue_indirect_dma source(%arg9 : memref<128x128xf32, #tpu.memory_space<vmem>>) target(%dma_start3A_72 : memref<2688x128xf32, #tpu.memory_space<vmem_shared>>) offsets(%dma_start3A_69 : memref<128xi32, #tpu.memory_space<vmem>>) semaphore(%run_scoped3A : memref<!tpu.dma_semaphore, #tpu.memory_space<semaphore_mem>>) {add = true}
        %dma_wait3A_73 = arith.constant 0 : i32
        %dma_wait3A_74 = tpu.memref_slice %arg8[%scan3A_56, %dma_wait3A_73] : memref<24x128xi32, #tpu.memory_space<vmem>> -> memref<1x128xi32, #tpu.memory_space<vmem>>
        %dma_wait3A_75 = tpu.memref_squeeze %dma_wait3A_74 : memref<1x128xi32, #tpu.memory_space<vmem>> -> memref<128xi32, #tpu.memory_space<vmem>>
        %dma_wait3A_76 = arith.constant 0 : i32
        %dma_wait3A_77 = arith.constant 0 : i32
        %dma_wait3A_78 = tpu.memref_slice %arg11[%dma_wait3A_76, %dma_wait3A_77] : memref<2688x128xf32, #tpu.memory_space<vmem_shared>> -> memref<2688x128xf32, #tpu.memory_space<vmem_shared>>
        tpu.wait_indirect_dma semaphore(%run_scoped3A : memref<!tpu.dma_semaphore, #tpu.memory_space<semaphore_mem>>) src(%arg9 : memref<128x128xf32, #tpu.memory_space<vmem>>) dst(%dma_wait3A_78 : memref<2688x128xf32, #tpu.memory_space<vmem_shared>>)
        tpu.yield
      }) : () -> ()
    }
    %scan3A_13 = arith.constant 24 : i32
    %mul3A_14 = arith.constant 2 : i32
    %mul3A_15 = arith.muli %mul3A_14, %arg1 : i32
    %add3A_16 = arith.constant 1 : i32
    %add3A_17 = arith.addi %mul3A_15, %add3A_16 : i32
    "tpu.region"() ({
      %run_scoped3A = tpu.sem_alloc : memref<!tpu.dma_semaphore, #tpu.memory_space<semaphore_mem>>
      %dma_start3A = arith.constant 0 : i32
      %dma_start3A_56 = arith.constant 0 : i32
      %dma_start3A_57 = tpu.memref_slice %arg3[%add3A_17, %add3A_3, %dma_start3A, %dma_start3A_56] : memref<32x4x24x128xi32, #tpu.memory_space<hbm>> -> memref<1x1x24x128xi32, #tpu.memory_space<hbm>>
      %dma_start3A_58 = tpu.memref_squeeze %dma_start3A_57 : memref<1x1x24x128xi32, #tpu.memory_space<hbm>> -> memref<24x128xi32, #tpu.memory_space<hbm>>
      %dma_start3A_59 = arith.constant 0 : i32
      %dma_start3A_60 = arith.constant 0 : i32
      %dma_start3A_61 = tpu.memref_slice %arg3[%add3A_17, %add3A_3, %dma_start3A_59, %dma_start3A_60] : memref<32x4x24x128xi32, #tpu.memory_space<hbm>> -> memref<1x1x24x128xi32, #tpu.memory_space<hbm>>
      %dma_start3A_62 = tpu.memref_squeeze %dma_start3A_61 : memref<1x1x24x128xi32, #tpu.memory_space<hbm>> -> memref<24x128xi32, #tpu.memory_space<hbm>>
      tpu.enqueue_dma source(%dma_start3A_62 : memref<24x128xi32, #tpu.memory_space<hbm>>) target(%arg7 : memref<24x128xi32, #tpu.memory_space<vmem>>) target_semaphore(%run_scoped3A : memref<!tpu.dma_semaphore, #tpu.memory_space<semaphore_mem>>)
      %dma_wait3A = arith.constant 0 : i32
      %dma_wait3A_63 = arith.constant 0 : i32
      %dma_wait3A_64 = tpu.memref_slice %arg3[%add3A_17, %add3A_3, %dma_wait3A, %dma_wait3A_63] : memref<32x4x24x128xi32, #tpu.memory_space<hbm>> -> memref<1x1x24x128xi32, #tpu.memory_space<hbm>>
      %dma_wait3A_65 = tpu.memref_squeeze %dma_wait3A_64 : memref<1x1x24x128xi32, #tpu.memory_space<hbm>> -> memref<24x128xi32, #tpu.memory_space<hbm>>
      %dma_wait3A_66 = arith.constant 0 : i32
      %dma_wait3A_67 = arith.constant 0 : i32
      %dma_wait3A_68 = tpu.memref_slice %arg3[%add3A_17, %add3A_3, %dma_wait3A_66, %dma_wait3A_67] : memref<32x4x24x128xi32, #tpu.memory_space<hbm>> -> memref<1x1x24x128xi32, #tpu.memory_space<hbm>>
      %dma_wait3A_69 = tpu.memref_squeeze %dma_wait3A_68 : memref<1x1x24x128xi32, #tpu.memory_space<hbm>> -> memref<24x128xi32, #tpu.memory_space<hbm>>
      tpu.wait_dma2 semaphore(%run_scoped3A : memref<!tpu.dma_semaphore, #tpu.memory_space<semaphore_mem>>) src(%dma_wait3A_69 : memref<24x128xi32, #tpu.memory_space<hbm>>) dst(%arg7 : memref<24x128xi32, #tpu.memory_space<vmem>>)
      tpu.yield
    }) : () -> ()
    "tpu.region"() ({
      %run_scoped3A = tpu.sem_alloc : memref<!tpu.dma_semaphore, #tpu.memory_space<semaphore_mem>>
      %dma_start3A = arith.constant 0 : i32
      %dma_start3A_56 = arith.constant 0 : i32
      %dma_start3A_57 = tpu.memref_slice %arg4[%add3A_17, %add3A_3, %dma_start3A, %dma_start3A_56] : memref<32x4x24x128xi32, #tpu.memory_space<hbm>> -> memref<1x1x24x128xi32, #tpu.memory_space<hbm>>
      %dma_start3A_58 = tpu.memref_squeeze %dma_start3A_57 : memref<1x1x24x128xi32, #tpu.memory_space<hbm>> -> memref<24x128xi32, #tpu.memory_space<hbm>>
      %dma_start3A_59 = arith.constant 0 : i32
      %dma_start3A_60 = arith.constant 0 : i32
      %dma_start3A_61 = tpu.memref_slice %arg4[%add3A_17, %add3A_3, %dma_start3A_59, %dma_start3A_60] : memref<32x4x24x128xi32, #tpu.memory_space<hbm>> -> memref<1x1x24x128xi32, #tpu.memory_space<hbm>>
      %dma_start3A_62 = tpu.memref_squeeze %dma_start3A_61 : memref<1x1x24x128xi32, #tpu.memory_space<hbm>> -> memref<24x128xi32, #tpu.memory_space<hbm>>
      tpu.enqueue_dma source(%dma_start3A_62 : memref<24x128xi32, #tpu.memory_space<hbm>>) target(%arg8 : memref<24x128xi32, #tpu.memory_space<vmem>>) target_semaphore(%run_scoped3A : memref<!tpu.dma_semaphore, #tpu.memory_space<semaphore_mem>>)
      %dma_wait3A = arith.constant 0 : i32
      %dma_wait3A_63 = arith.constant 0 : i32
      %dma_wait3A_64 = tpu.memref_slice %arg4[%add3A_17, %add3A_3, %dma_wait3A, %dma_wait3A_63] : memref<32x4x24x128xi32, #tpu.memory_space<hbm>> -> memref<1x1x24x128xi32, #tpu.memory_space<hbm>>
      %dma_wait3A_65 = tpu.memref_squeeze %dma_wait3A_64 : memref<1x1x24x128xi32, #tpu.memory_space<hbm>> -> memref<24x128xi32, #tpu.memory_space<hbm>>
      %dma_wait3A_66 = arith.constant 0 : i32
      %dma_wait3A_67 = arith.constant 0 : i32
      %dma_wait3A_68 = tpu.memref_slice %arg4[%add3A_17, %add3A_3, %dma_wait3A_66, %dma_wait3A_67] : memref<32x4x24x128xi32, #tpu.memory_space<hbm>> -> memref<1x1x24x128xi32, #tpu.memory_space<hbm>>
      %dma_wait3A_69 = tpu.memref_squeeze %dma_wait3A_68 : memref<1x1x24x128xi32, #tpu.memory_space<hbm>> -> memref<24x128xi32, #tpu.memory_space<hbm>>
      tpu.wait_dma2 semaphore(%run_scoped3A : memref<!tpu.dma_semaphore, #tpu.memory_space<semaphore_mem>>) src(%dma_wait3A_69 : memref<24x128xi32, #tpu.memory_space<hbm>>) dst(%arg8 : memref<24x128xi32, #tpu.memory_space<vmem>>)
      tpu.yield
    }) : () -> ()
    %scan3A_18 = arith.constant 0 : i32
    %scan3A_19 = arith.constant 24 : i32
    %scan3A_20 = arith.addi %scan3A_18, %scan3A_19 : i32
    %scan3A_21 = arith.constant 1 : i32
    scf.for %scan3A_56 = %scan3A_18 to %scan3A_20 step %scan3A_21  : i32 {
      %dma_start3A = arith.constant 0 : i32
      %dma_start3A_57 = tpu.memref_slice %arg7[%scan3A_56, %dma_start3A] : memref<24x128xi32, #tpu.memory_space<vmem>> -> memref<1x128xi32, #tpu.memory_space<vmem>>
      %dma_start3A_58 = tpu.memref_squeeze %dma_start3A_57 : memref<1x128xi32, #tpu.memory_space<vmem>> -> memref<128xi32, #tpu.memory_space<vmem>>
      %dma_start3A_59 = arith.constant 0 : i32
      %dma_start3A_60 = arith.constant 0 : i32
      %dma_start3A_61 = tpu.memref_slice %arg10[%dma_start3A_59, %dma_start3A_60] : memref<10112x128xf32, #tpu.memory_space<vmem_shared>> -> memref<10112x128xf32, #tpu.memory_space<vmem_shared>>
      tpu.enqueue_indirect_dma source(%dma_start3A_61 : memref<10112x128xf32, #tpu.memory_space<vmem_shared>>) target(%arg9 : memref<128x128xf32, #tpu.memory_space<vmem>>) offsets(%dma_start3A_58 : memref<128xi32, #tpu.memory_space<vmem>>) semaphore(%arg12 : memref<!tpu.dma_semaphore, #tpu.memory_space<semaphore_mem>>)
      %dma_wait3A = arith.constant 0 : i32
      %dma_wait3A_62 = tpu.memref_slice %arg7[%scan3A_56, %dma_wait3A] : memref<24x128xi32, #tpu.memory_space<vmem>> -> memref<1x128xi32, #tpu.memory_space<vmem>>
      %dma_wait3A_63 = tpu.memref_squeeze %dma_wait3A_62 : memref<1x128xi32, #tpu.memory_space<vmem>> -> memref<128xi32, #tpu.memory_space<vmem>>
      %dma_wait3A_64 = arith.constant 0 : i32
      %dma_wait3A_65 = arith.constant 0 : i32
      %dma_wait3A_66 = tpu.memref_slice %arg10[%dma_wait3A_64, %dma_wait3A_65] : memref<10112x128xf32, #tpu.memory_space<vmem_shared>> -> memref<10112x128xf32, #tpu.memory_space<vmem_shared>>
      tpu.wait_indirect_dma semaphore(%arg12 : memref<!tpu.dma_semaphore, #tpu.memory_space<semaphore_mem>>) src(%dma_wait3A_66 : memref<10112x128xf32, #tpu.memory_space<vmem_shared>>) dst(%arg9 : memref<128x128xf32, #tpu.memory_space<vmem>>)
      "tpu.region"() ({
        %run_scoped3A = tpu.sem_alloc : memref<!tpu.dma_semaphore, #tpu.memory_space<semaphore_mem>>
        %dma_start3A_67 = arith.constant 0 : i32
        %dma_start3A_68 = tpu.memref_slice %arg8[%scan3A_56, %dma_start3A_67] : memref<24x128xi32, #tpu.memory_space<vmem>> -> memref<1x128xi32, #tpu.memory_space<vmem>>
        %dma_start3A_69 = tpu.memref_squeeze %dma_start3A_68 : memref<1x128xi32, #tpu.memory_space<vmem>> -> memref<128xi32, #tpu.memory_space<vmem>>
        %dma_start3A_70 = arith.constant 0 : i32
        %dma_start3A_71 = arith.constant 0 : i32
        %dma_start3A_72 = tpu.memref_slice %arg11[%dma_start3A_70, %dma_start3A_71] : memref<2688x128xf32, #tpu.memory_space<vmem_shared>> -> memref<2688x128xf32, #tpu.memory_space<vmem_shared>>
        tpu.enqueue_indirect_dma source(%arg9 : memref<128x128xf32, #tpu.memory_space<vmem>>) target(%dma_start3A_72 : memref<2688x128xf32, #tpu.memory_space<vmem_shared>>) offsets(%dma_start3A_69 : memref<128xi32, #tpu.memory_space<vmem>>) semaphore(%run_scoped3A : memref<!tpu.dma_semaphore, #tpu.memory_space<semaphore_mem>>) {add = true}
        %dma_wait3A_73 = arith.constant 0 : i32
        %dma_wait3A_74 = tpu.memref_slice %arg8[%scan3A_56, %dma_wait3A_73] : memref<24x128xi32, #tpu.memory_space<vmem>> -> memref<1x128xi32, #tpu.memory_space<vmem>>
        %dma_wait3A_75 = tpu.memref_squeeze %dma_wait3A_74 : memref<1x128xi32, #tpu.memory_space<vmem>> -> memref<128xi32, #tpu.memory_space<vmem>>
        %dma_wait3A_76 = arith.constant 0 : i32
        %dma_wait3A_77 = arith.constant 0 : i32
        %dma_wait3A_78 = tpu.memref_slice %arg11[%dma_wait3A_76, %dma_wait3A_77] : memref<2688x128xf32, #tpu.memory_space<vmem_shared>> -> memref<2688x128xf32, #tpu.memory_space<vmem_shared>>
        tpu.wait_indirect_dma semaphore(%run_scoped3A : memref<!tpu.dma_semaphore, #tpu.memory_space<semaphore_mem>>) src(%arg9 : memref<128x128xf32, #tpu.memory_space<vmem>>) dst(%dma_wait3A_78 : memref<2688x128xf32, #tpu.memory_space<vmem_shared>>)
        tpu.yield
      }) : () -> ()
    }
    %scan3A_22 = arith.constant 24 : i32
    %barrier3A_23 = arith.constant 0 : index
    tpu.barrier barrier_id(%barrier3A_23)
    %mul3A_24 = arith.constant 160 : i32
    %mul3A_25 = arith.muli %arg1, %mul3A_24 : i32
    "tpu.region"() ({
      %run_scoped3A = tpu.sem_alloc : memref<!tpu.dma_semaphore, #tpu.memory_space<semaphore_mem>>
      %dma_start3A = arith.constant 0 : i32
      %dma_start3A_56 = tpu.memref_slice %arg6[%add3A_3, %mul3A_25, %dma_start3A] : memref<4x2560x128xf32, #tpu.memory_space<hbm>> -> memref<1x160x128xf32, #tpu.memory_space<hbm>>
      %dma_start3A_57 = tpu.memref_squeeze %dma_start3A_56 : memref<1x160x128xf32, #tpu.memory_space<hbm>> -> memref<160x128xf32, #tpu.memory_space<hbm>>
      %dma_start3A_58 = arith.constant 0 : i32
      %dma_start3A_59 = tpu.memref_slice %arg11[%mul3A_25, %dma_start3A_58] : memref<2688x128xf32, #tpu.memory_space<vmem_shared>> -> memref<160x128xf32, #tpu.memory_space<vmem_shared>>
      tpu.enqueue_dma source(%dma_start3A_59 : memref<160x128xf32, #tpu.memory_space<vmem_shared>>) target(%dma_start3A_57 : memref<160x128xf32, #tpu.memory_space<hbm>>) target_semaphore(%run_scoped3A : memref<!tpu.dma_semaphore, #tpu.memory_space<semaphore_mem>>)
      %dma_wait3A = arith.constant 0 : i32
      %dma_wait3A_60 = tpu.memref_slice %arg6[%add3A_3, %mul3A_25, %dma_wait3A] : memref<4x2560x128xf32, #tpu.memory_space<hbm>> -> memref<1x160x128xf32, #tpu.memory_space<hbm>>
      %dma_wait3A_61 = tpu.memref_squeeze %dma_wait3A_60 : memref<1x160x128xf32, #tpu.memory_space<hbm>> -> memref<160x128xf32, #tpu.memory_space<hbm>>
      %dma_wait3A_62 = arith.constant 0 : i32
      %dma_wait3A_63 = tpu.memref_slice %arg11[%mul3A_25, %dma_wait3A_62] : memref<2688x128xf32, #tpu.memory_space<vmem_shared>> -> memref<160x128xf32, #tpu.memory_space<vmem_shared>>
      tpu.wait_dma2 semaphore(%run_scoped3A : memref<!tpu.dma_semaphore, #tpu.memory_space<semaphore_mem>>) src(%dma_wait3A_63 : memref<160x128xf32, #tpu.memory_space<vmem_shared>>) dst(%dma_wait3A_61 : memref<160x128xf32, #tpu.memory_space<hbm>>)
      tpu.yield
    }) : () -> ()
    %barrier3A_26 = arith.constant 0 : index
    tpu.barrier barrier_id(%barrier3A_26)
    %mul3A_27 = arith.constant 2 : i32
    %mul3A_28 = arith.muli %mul3A_27, %arg0 : i32
    %add3A_29 = arith.constant 1 : i32
    %add3A_30 = arith.addi %mul3A_28, %add3A_29 : i32
    %mul3A_31 = arith.constant 168 : i32
    %mul3A_32 = arith.muli %arg1, %mul3A_31 : i32
    "tpu.region"() ({
      %run_scoped3A = tpu.sem_alloc : memref<!tpu.dma_semaphore, #tpu.memory_space<semaphore_mem>>
      %dma_start3A = arith.constant 0 : i32
      %dma_start3A_56 = tpu.memref_slice %arg11[%mul3A_32, %dma_start3A] : memref<2688x128xf32, #tpu.memory_space<vmem_shared>> -> memref<168x128xf32, #tpu.memory_space<vmem_shared>>
      %dma_start3A_57 = arith.constant 0 : i32
      %dma_start3A_58 = tpu.memref_slice %arg5[%mul3A_32, %dma_start3A_57] : memref<2688x128xf32, #tpu.memory_space<hbm>> -> memref<168x128xf32, #tpu.memory_space<hbm>>
      tpu.enqueue_dma source(%dma_start3A_58 : memref<168x128xf32, #tpu.memory_space<hbm>>) target(%dma_start3A_56 : memref<168x128xf32, #tpu.memory_space<vmem_shared>>) target_semaphore(%run_scoped3A : memref<!tpu.dma_semaphore, #tpu.memory_space<semaphore_mem>>)
      %dma_wait3A = arith.constant 0 : i32
      %dma_wait3A_59 = tpu.memref_slice %arg11[%mul3A_32, %dma_wait3A] : memref<2688x128xf32, #tpu.memory_space<vmem_shared>> -> memref<168x128xf32, #tpu.memory_space<vmem_shared>>
      %dma_wait3A_60 = arith.constant 0 : i32
      %dma_wait3A_61 = tpu.memref_slice %arg5[%mul3A_32, %dma_wait3A_60] : memref<2688x128xf32, #tpu.memory_space<hbm>> -> memref<168x128xf32, #tpu.memory_space<hbm>>
      tpu.wait_dma2 semaphore(%run_scoped3A : memref<!tpu.dma_semaphore, #tpu.memory_space<semaphore_mem>>) src(%dma_wait3A_61 : memref<168x128xf32, #tpu.memory_space<hbm>>) dst(%dma_wait3A_59 : memref<168x128xf32, #tpu.memory_space<vmem_shared>>)
      tpu.yield
    }) : () -> ()
    %barrier3A_33 = arith.constant 0 : index
    tpu.barrier barrier_id(%barrier3A_33)
    %mul3A_34 = arith.constant 2 : i32
    %mul3A_35 = arith.muli %mul3A_34, %arg1 : i32
    %add3A_36 = arith.constant 0 : i32
    %add3A_37 = arith.addi %mul3A_35, %add3A_36 : i32
    "tpu.region"() ({
      %run_scoped3A = tpu.sem_alloc : memref<!tpu.dma_semaphore, #tpu.memory_space<semaphore_mem>>
      %dma_start3A = arith.constant 0 : i32
      %dma_start3A_56 = arith.constant 0 : i32
      %dma_start3A_57 = tpu.memref_slice %arg3[%add3A_37, %add3A_30, %dma_start3A, %dma_start3A_56] : memref<32x4x24x128xi32, #tpu.memory_space<hbm>> -> memref<1x1x24x128xi32, #tpu.memory_space<hbm>>
      %dma_start3A_58 = tpu.memref_squeeze %dma_start3A_57 : memref<1x1x24x128xi32, #tpu.memory_space<hbm>> -> memref<24x128xi32, #tpu.memory_space<hbm>>
      %dma_start3A_59 = arith.constant 0 : i32
      %dma_start3A_60 = arith.constant 0 : i32
      %dma_start3A_61 = tpu.memref_slice %arg3[%add3A_37, %add3A_30, %dma_start3A_59, %dma_start3A_60] : memref<32x4x24x128xi32, #tpu.memory_space<hbm>> -> memref<1x1x24x128xi32, #tpu.memory_space<hbm>>
      %dma_start3A_62 = tpu.memref_squeeze %dma_start3A_61 : memref<1x1x24x128xi32, #tpu.memory_space<hbm>> -> memref<24x128xi32, #tpu.memory_space<hbm>>
      tpu.enqueue_dma source(%dma_start3A_62 : memref<24x128xi32, #tpu.memory_space<hbm>>) target(%arg7 : memref<24x128xi32, #tpu.memory_space<vmem>>) target_semaphore(%run_scoped3A : memref<!tpu.dma_semaphore, #tpu.memory_space<semaphore_mem>>)
      %dma_wait3A = arith.constant 0 : i32
      %dma_wait3A_63 = arith.constant 0 : i32
      %dma_wait3A_64 = tpu.memref_slice %arg3[%add3A_37, %add3A_30, %dma_wait3A, %dma_wait3A_63] : memref<32x4x24x128xi32, #tpu.memory_space<hbm>> -> memref<1x1x24x128xi32, #tpu.memory_space<hbm>>
      %dma_wait3A_65 = tpu.memref_squeeze %dma_wait3A_64 : memref<1x1x24x128xi32, #tpu.memory_space<hbm>> -> memref<24x128xi32, #tpu.memory_space<hbm>>
      %dma_wait3A_66 = arith.constant 0 : i32
      %dma_wait3A_67 = arith.constant 0 : i32
      %dma_wait3A_68 = tpu.memref_slice %arg3[%add3A_37, %add3A_30, %dma_wait3A_66, %dma_wait3A_67] : memref<32x4x24x128xi32, #tpu.memory_space<hbm>> -> memref<1x1x24x128xi32, #tpu.memory_space<hbm>>
      %dma_wait3A_69 = tpu.memref_squeeze %dma_wait3A_68 : memref<1x1x24x128xi32, #tpu.memory_space<hbm>> -> memref<24x128xi32, #tpu.memory_space<hbm>>
      tpu.wait_dma2 semaphore(%run_scoped3A : memref<!tpu.dma_semaphore, #tpu.memory_space<semaphore_mem>>) src(%dma_wait3A_69 : memref<24x128xi32, #tpu.memory_space<hbm>>) dst(%arg7 : memref<24x128xi32, #tpu.memory_space<vmem>>)
      tpu.yield
    }) : () -> ()
    "tpu.region"() ({
      %run_scoped3A = tpu.sem_alloc : memref<!tpu.dma_semaphore, #tpu.memory_space<semaphore_mem>>
      %dma_start3A = arith.constant 0 : i32
      %dma_start3A_56 = arith.constant 0 : i32
      %dma_start3A_57 = tpu.memref_slice %arg4[%add3A_37, %add3A_30, %dma_start3A, %dma_start3A_56] : memref<32x4x24x128xi32, #tpu.memory_space<hbm>> -> memref<1x1x24x128xi32, #tpu.memory_space<hbm>>
      %dma_start3A_58 = tpu.memref_squeeze %dma_start3A_57 : memref<1x1x24x128xi32, #tpu.memory_space<hbm>> -> memref<24x128xi32, #tpu.memory_space<hbm>>
      %dma_start3A_59 = arith.constant 0 : i32
      %dma_start3A_60 = arith.constant 0 : i32
      %dma_start3A_61 = tpu.memref_slice %arg4[%add3A_37, %add3A_30, %dma_start3A_59, %dma_start3A_60] : memref<32x4x24x128xi32, #tpu.memory_space<hbm>> -> memref<1x1x24x128xi32, #tpu.memory_space<hbm>>
      %dma_start3A_62 = tpu.memref_squeeze %dma_start3A_61 : memref<1x1x24x128xi32, #tpu.memory_space<hbm>> -> memref<24x128xi32, #tpu.memory_space<hbm>>
      tpu.enqueue_dma source(%dma_start3A_62 : memref<24x128xi32, #tpu.memory_space<hbm>>) target(%arg8 : memref<24x128xi32, #tpu.memory_space<vmem>>) target_semaphore(%run_scoped3A : memref<!tpu.dma_semaphore, #tpu.memory_space<semaphore_mem>>)
      %dma_wait3A = arith.constant 0 : i32
      %dma_wait3A_63 = arith.constant 0 : i32
      %dma_wait3A_64 = tpu.memref_slice %arg4[%add3A_37, %add3A_30, %dma_wait3A, %dma_wait3A_63] : memref<32x4x24x128xi32, #tpu.memory_space<hbm>> -> memref<1x1x24x128xi32, #tpu.memory_space<hbm>>
      %dma_wait3A_65 = tpu.memref_squeeze %dma_wait3A_64 : memref<1x1x24x128xi32, #tpu.memory_space<hbm>> -> memref<24x128xi32, #tpu.memory_space<hbm>>
      %dma_wait3A_66 = arith.constant 0 : i32
      %dma_wait3A_67 = arith.constant 0 : i32
      %dma_wait3A_68 = tpu.memref_slice %arg4[%add3A_37, %add3A_30, %dma_wait3A_66, %dma_wait3A_67] : memref<32x4x24x128xi32, #tpu.memory_space<hbm>> -> memref<1x1x24x128xi32, #tpu.memory_space<hbm>>
      %dma_wait3A_69 = tpu.memref_squeeze %dma_wait3A_68 : memref<1x1x24x128xi32, #tpu.memory_space<hbm>> -> memref<24x128xi32, #tpu.memory_space<hbm>>
      tpu.wait_dma2 semaphore(%run_scoped3A : memref<!tpu.dma_semaphore, #tpu.memory_space<semaphore_mem>>) src(%dma_wait3A_69 : memref<24x128xi32, #tpu.memory_space<hbm>>) dst(%arg8 : memref<24x128xi32, #tpu.memory_space<vmem>>)
      tpu.yield
    }) : () -> ()
    %scan3A_38 = arith.constant 0 : i32
    %scan3A_39 = arith.constant 24 : i32
    %scan3A_40 = arith.addi %scan3A_38, %scan3A_39 : i32
    %scan3A_41 = arith.constant 1 : i32
    scf.for %scan3A_56 = %scan3A_38 to %scan3A_40 step %scan3A_41  : i32 {
      %dma_start3A = arith.constant 0 : i32
      %dma_start3A_57 = tpu.memref_slice %arg7[%scan3A_56, %dma_start3A] : memref<24x128xi32, #tpu.memory_space<vmem>> -> memref<1x128xi32, #tpu.memory_space<vmem>>
      %dma_start3A_58 = tpu.memref_squeeze %dma_start3A_57 : memref<1x128xi32, #tpu.memory_space<vmem>> -> memref<128xi32, #tpu.memory_space<vmem>>
      %dma_start3A_59 = arith.constant 0 : i32
      %dma_start3A_60 = arith.constant 0 : i32
      %dma_start3A_61 = tpu.memref_slice %arg10[%dma_start3A_59, %dma_start3A_60] : memref<10112x128xf32, #tpu.memory_space<vmem_shared>> -> memref<10112x128xf32, #tpu.memory_space<vmem_shared>>
      tpu.enqueue_indirect_dma source(%dma_start3A_61 : memref<10112x128xf32, #tpu.memory_space<vmem_shared>>) target(%arg9 : memref<128x128xf32, #tpu.memory_space<vmem>>) offsets(%dma_start3A_58 : memref<128xi32, #tpu.memory_space<vmem>>) semaphore(%arg12 : memref<!tpu.dma_semaphore, #tpu.memory_space<semaphore_mem>>)
      %dma_wait3A = arith.constant 0 : i32
      %dma_wait3A_62 = tpu.memref_slice %arg7[%scan3A_56, %dma_wait3A] : memref<24x128xi32, #tpu.memory_space<vmem>> -> memref<1x128xi32, #tpu.memory_space<vmem>>
      %dma_wait3A_63 = tpu.memref_squeeze %dma_wait3A_62 : memref<1x128xi32, #tpu.memory_space<vmem>> -> memref<128xi32, #tpu.memory_space<vmem>>
      %dma_wait3A_64 = arith.constant 0 : i32
      %dma_wait3A_65 = arith.constant 0 : i32
      %dma_wait3A_66 = tpu.memref_slice %arg10[%dma_wait3A_64, %dma_wait3A_65] : memref<10112x128xf32, #tpu.memory_space<vmem_shared>> -> memref<10112x128xf32, #tpu.memory_space<vmem_shared>>
      tpu.wait_indirect_dma semaphore(%arg12 : memref<!tpu.dma_semaphore, #tpu.memory_space<semaphore_mem>>) src(%dma_wait3A_66 : memref<10112x128xf32, #tpu.memory_space<vmem_shared>>) dst(%arg9 : memref<128x128xf32, #tpu.memory_space<vmem>>)
      "tpu.region"() ({
        %run_scoped3A = tpu.sem_alloc : memref<!tpu.dma_semaphore, #tpu.memory_space<semaphore_mem>>
        %dma_start3A_67 = arith.constant 0 : i32
        %dma_start3A_68 = tpu.memref_slice %arg8[%scan3A_56, %dma_start3A_67] : memref<24x128xi32, #tpu.memory_space<vmem>> -> memref<1x128xi32, #tpu.memory_space<vmem>>
        %dma_start3A_69 = tpu.memref_squeeze %dma_start3A_68 : memref<1x128xi32, #tpu.memory_space<vmem>> -> memref<128xi32, #tpu.memory_space<vmem>>
        %dma_start3A_70 = arith.constant 0 : i32
        %dma_start3A_71 = arith.constant 0 : i32
        %dma_start3A_72 = tpu.memref_slice %arg11[%dma_start3A_70, %dma_start3A_71] : memref<2688x128xf32, #tpu.memory_space<vmem_shared>> -> memref<2688x128xf32, #tpu.memory_space<vmem_shared>>
        tpu.enqueue_indirect_dma source(%arg9 : memref<128x128xf32, #tpu.memory_space<vmem>>) target(%dma_start3A_72 : memref<2688x128xf32, #tpu.memory_space<vmem_shared>>) offsets(%dma_start3A_69 : memref<128xi32, #tpu.memory_space<vmem>>) semaphore(%run_scoped3A : memref<!tpu.dma_semaphore, #tpu.memory_space<semaphore_mem>>) {add = true}
        %dma_wait3A_73 = arith.constant 0 : i32
        %dma_wait3A_74 = tpu.memref_slice %arg8[%scan3A_56, %dma_wait3A_73] : memref<24x128xi32, #tpu.memory_space<vmem>> -> memref<1x128xi32, #tpu.memory_space<vmem>>
        %dma_wait3A_75 = tpu.memref_squeeze %dma_wait3A_74 : memref<1x128xi32, #tpu.memory_space<vmem>> -> memref<128xi32, #tpu.memory_space<vmem>>
        %dma_wait3A_76 = arith.constant 0 : i32
        %dma_wait3A_77 = arith.constant 0 : i32
        %dma_wait3A_78 = tpu.memref_slice %arg11[%dma_wait3A_76, %dma_wait3A_77] : memref<2688x128xf32, #tpu.memory_space<vmem_shared>> -> memref<2688x128xf32, #tpu.memory_space<vmem_shared>>
        tpu.wait_indirect_dma semaphore(%run_scoped3A : memref<!tpu.dma_semaphore, #tpu.memory_space<semaphore_mem>>) src(%arg9 : memref<128x128xf32, #tpu.memory_space<vmem>>) dst(%dma_wait3A_78 : memref<2688x128xf32, #tpu.memory_space<vmem_shared>>)
        tpu.yield
      }) : () -> ()
    }
    %scan3A_42 = arith.constant 24 : i32
    %mul3A_43 = arith.constant 2 : i32
    %mul3A_44 = arith.muli %mul3A_43, %arg1 : i32
    %add3A_45 = arith.constant 1 : i32
    %add3A_46 = arith.addi %mul3A_44, %add3A_45 : i32
    "tpu.region"() ({
      %run_scoped3A = tpu.sem_alloc : memref<!tpu.dma_semaphore, #tpu.memory_space<semaphore_mem>>
      %dma_start3A = arith.constant 0 : i32
      %dma_start3A_56 = arith.constant 0 : i32
      %dma_start3A_57 = tpu.memref_slice %arg3[%add3A_46, %add3A_30, %dma_start3A, %dma_start3A_56] : memref<32x4x24x128xi32, #tpu.memory_space<hbm>> -> memref<1x1x24x128xi32, #tpu.memory_space<hbm>>
      %dma_start3A_58 = tpu.memref_squeeze %dma_start3A_57 : memref<1x1x24x128xi32, #tpu.memory_space<hbm>> -> memref<24x128xi32, #tpu.memory_space<hbm>>
      %dma_start3A_59 = arith.constant 0 : i32
      %dma_start3A_60 = arith.constant 0 : i32
      %dma_start3A_61 = tpu.memref_slice %arg3[%add3A_46, %add3A_30, %dma_start3A_59, %dma_start3A_60] : memref<32x4x24x128xi32, #tpu.memory_space<hbm>> -> memref<1x1x24x128xi32, #tpu.memory_space<hbm>>
      %dma_start3A_62 = tpu.memref_squeeze %dma_start3A_61 : memref<1x1x24x128xi32, #tpu.memory_space<hbm>> -> memref<24x128xi32, #tpu.memory_space<hbm>>
      tpu.enqueue_dma source(%dma_start3A_62 : memref<24x128xi32, #tpu.memory_space<hbm>>) target(%arg7 : memref<24x128xi32, #tpu.memory_space<vmem>>) target_semaphore(%run_scoped3A : memref<!tpu.dma_semaphore, #tpu.memory_space<semaphore_mem>>)
      %dma_wait3A = arith.constant 0 : i32
      %dma_wait3A_63 = arith.constant 0 : i32
      %dma_wait3A_64 = tpu.memref_slice %arg3[%add3A_46, %add3A_30, %dma_wait3A, %dma_wait3A_63] : memref<32x4x24x128xi32, #tpu.memory_space<hbm>> -> memref<1x1x24x128xi32, #tpu.memory_space<hbm>>
      %dma_wait3A_65 = tpu.memref_squeeze %dma_wait3A_64 : memref<1x1x24x128xi32, #tpu.memory_space<hbm>> -> memref<24x128xi32, #tpu.memory_space<hbm>>
      %dma_wait3A_66 = arith.constant 0 : i32
      %dma_wait3A_67 = arith.constant 0 : i32
      %dma_wait3A_68 = tpu.memref_slice %arg3[%add3A_46, %add3A_30, %dma_wait3A_66, %dma_wait3A_67] : memref<32x4x24x128xi32, #tpu.memory_space<hbm>> -> memref<1x1x24x128xi32, #tpu.memory_space<hbm>>
      %dma_wait3A_69 = tpu.memref_squeeze %dma_wait3A_68 : memref<1x1x24x128xi32, #tpu.memory_space<hbm>> -> memref<24x128xi32, #tpu.memory_space<hbm>>
      tpu.wait_dma2 semaphore(%run_scoped3A : memref<!tpu.dma_semaphore, #tpu.memory_space<semaphore_mem>>) src(%dma_wait3A_69 : memref<24x128xi32, #tpu.memory_space<hbm>>) dst(%arg7 : memref<24x128xi32, #tpu.memory_space<vmem>>)
      tpu.yield
    }) : () -> ()
    "tpu.region"() ({
      %run_scoped3A = tpu.sem_alloc : memref<!tpu.dma_semaphore, #tpu.memory_space<semaphore_mem>>
      %dma_start3A = arith.constant 0 : i32
      %dma_start3A_56 = arith.constant 0 : i32
      %dma_start3A_57 = tpu.memref_slice %arg4[%add3A_46, %add3A_30, %dma_start3A, %dma_start3A_56] : memref<32x4x24x128xi32, #tpu.memory_space<hbm>> -> memref<1x1x24x128xi32, #tpu.memory_space<hbm>>
      %dma_start3A_58 = tpu.memref_squeeze %dma_start3A_57 : memref<1x1x24x128xi32, #tpu.memory_space<hbm>> -> memref<24x128xi32, #tpu.memory_space<hbm>>
      %dma_start3A_59 = arith.constant 0 : i32
      %dma_start3A_60 = arith.constant 0 : i32
      %dma_start3A_61 = tpu.memref_slice %arg4[%add3A_46, %add3A_30, %dma_start3A_59, %dma_start3A_60] : memref<32x4x24x128xi32, #tpu.memory_space<hbm>> -> memref<1x1x24x128xi32, #tpu.memory_space<hbm>>
      %dma_start3A_62 = tpu.memref_squeeze %dma_start3A_61 : memref<1x1x24x128xi32, #tpu.memory_space<hbm>> -> memref<24x128xi32, #tpu.memory_space<hbm>>
      tpu.enqueue_dma source(%dma_start3A_62 : memref<24x128xi32, #tpu.memory_space<hbm>>) target(%arg8 : memref<24x128xi32, #tpu.memory_space<vmem>>) target_semaphore(%run_scoped3A : memref<!tpu.dma_semaphore, #tpu.memory_space<semaphore_mem>>)
      %dma_wait3A = arith.constant 0 : i32
      %dma_wait3A_63 = arith.constant 0 : i32
      %dma_wait3A_64 = tpu.memref_slice %arg4[%add3A_46, %add3A_30, %dma_wait3A, %dma_wait3A_63] : memref<32x4x24x128xi32, #tpu.memory_space<hbm>> -> memref<1x1x24x128xi32, #tpu.memory_space<hbm>>
      %dma_wait3A_65 = tpu.memref_squeeze %dma_wait3A_64 : memref<1x1x24x128xi32, #tpu.memory_space<hbm>> -> memref<24x128xi32, #tpu.memory_space<hbm>>
      %dma_wait3A_66 = arith.constant 0 : i32
      %dma_wait3A_67 = arith.constant 0 : i32
      %dma_wait3A_68 = tpu.memref_slice %arg4[%add3A_46, %add3A_30, %dma_wait3A_66, %dma_wait3A_67] : memref<32x4x24x128xi32, #tpu.memory_space<hbm>> -> memref<1x1x24x128xi32, #tpu.memory_space<hbm>>
      %dma_wait3A_69 = tpu.memref_squeeze %dma_wait3A_68 : memref<1x1x24x128xi32, #tpu.memory_space<hbm>> -> memref<24x128xi32, #tpu.memory_space<hbm>>
      tpu.wait_dma2 semaphore(%run_scoped3A : memref<!tpu.dma_semaphore, #tpu.memory_space<semaphore_mem>>) src(%dma_wait3A_69 : memref<24x128xi32, #tpu.memory_space<hbm>>) dst(%arg8 : memref<24x128xi32, #tpu.memory_space<vmem>>)
      tpu.yield
    }) : () -> ()
    %scan3A_47 = arith.constant 0 : i32
    %scan3A_48 = arith.constant 24 : i32
    %scan3A_49 = arith.addi %scan3A_47, %scan3A_48 : i32
    %scan3A_50 = arith.constant 1 : i32
    scf.for %scan3A_56 = %scan3A_47 to %scan3A_49 step %scan3A_50  : i32 {
      %dma_start3A = arith.constant 0 : i32
      %dma_start3A_57 = tpu.memref_slice %arg7[%scan3A_56, %dma_start3A] : memref<24x128xi32, #tpu.memory_space<vmem>> -> memref<1x128xi32, #tpu.memory_space<vmem>>
      %dma_start3A_58 = tpu.memref_squeeze %dma_start3A_57 : memref<1x128xi32, #tpu.memory_space<vmem>> -> memref<128xi32, #tpu.memory_space<vmem>>
      %dma_start3A_59 = arith.constant 0 : i32
      %dma_start3A_60 = arith.constant 0 : i32
      %dma_start3A_61 = tpu.memref_slice %arg10[%dma_start3A_59, %dma_start3A_60] : memref<10112x128xf32, #tpu.memory_space<vmem_shared>> -> memref<10112x128xf32, #tpu.memory_space<vmem_shared>>
      tpu.enqueue_indirect_dma source(%dma_start3A_61 : memref<10112x128xf32, #tpu.memory_space<vmem_shared>>) target(%arg9 : memref<128x128xf32, #tpu.memory_space<vmem>>) offsets(%dma_start3A_58 : memref<128xi32, #tpu.memory_space<vmem>>) semaphore(%arg12 : memref<!tpu.dma_semaphore, #tpu.memory_space<semaphore_mem>>)
      %dma_wait3A = arith.constant 0 : i32
      %dma_wait3A_62 = tpu.memref_slice %arg7[%scan3A_56, %dma_wait3A] : memref<24x128xi32, #tpu.memory_space<vmem>> -> memref<1x128xi32, #tpu.memory_space<vmem>>
      %dma_wait3A_63 = tpu.memref_squeeze %dma_wait3A_62 : memref<1x128xi32, #tpu.memory_space<vmem>> -> memref<128xi32, #tpu.memory_space<vmem>>
      %dma_wait3A_64 = arith.constant 0 : i32
      %dma_wait3A_65 = arith.constant 0 : i32
      %dma_wait3A_66 = tpu.memref_slice %arg10[%dma_wait3A_64, %dma_wait3A_65] : memref<10112x128xf32, #tpu.memory_space<vmem_shared>> -> memref<10112x128xf32, #tpu.memory_space<vmem_shared>>
      tpu.wait_indirect_dma semaphore(%arg12 : memref<!tpu.dma_semaphore, #tpu.memory_space<semaphore_mem>>) src(%dma_wait3A_66 : memref<10112x128xf32, #tpu.memory_space<vmem_shared>>) dst(%arg9 : memref<128x128xf32, #tpu.memory_space<vmem>>)
      "tpu.region"() ({
        %run_scoped3A = tpu.sem_alloc : memref<!tpu.dma_semaphore, #tpu.memory_space<semaphore_mem>>
        %dma_start3A_67 = arith.constant 0 : i32
        %dma_start3A_68 = tpu.memref_slice %arg8[%scan3A_56, %dma_start3A_67] : memref<24x128xi32, #tpu.memory_space<vmem>> -> memref<1x128xi32, #tpu.memory_space<vmem>>
        %dma_start3A_69 = tpu.memref_squeeze %dma_start3A_68 : memref<1x128xi32, #tpu.memory_space<vmem>> -> memref<128xi32, #tpu.memory_space<vmem>>
        %dma_start3A_70 = arith.constant 0 : i32
        %dma_start3A_71 = arith.constant 0 : i32
        %dma_start3A_72 = tpu.memref_slice %arg11[%dma_start3A_70, %dma_start3A_71] : memref<2688x128xf32, #tpu.memory_space<vmem_shared>> -> memref<2688x128xf32, #tpu.memory_space<vmem_shared>>
        tpu.enqueue_indirect_dma source(%arg9 : memref<128x128xf32, #tpu.memory_space<vmem>>) target(%dma_start3A_72 : memref<2688x128xf32, #tpu.memory_space<vmem_shared>>) offsets(%dma_start3A_69 : memref<128xi32, #tpu.memory_space<vmem>>) semaphore(%run_scoped3A : memref<!tpu.dma_semaphore, #tpu.memory_space<semaphore_mem>>) {add = true}
        %dma_wait3A_73 = arith.constant 0 : i32
        %dma_wait3A_74 = tpu.memref_slice %arg8[%scan3A_56, %dma_wait3A_73] : memref<24x128xi32, #tpu.memory_space<vmem>> -> memref<1x128xi32, #tpu.memory_space<vmem>>
        %dma_wait3A_75 = tpu.memref_squeeze %dma_wait3A_74 : memref<1x128xi32, #tpu.memory_space<vmem>> -> memref<128xi32, #tpu.memory_space<vmem>>
        %dma_wait3A_76 = arith.constant 0 : i32
        %dma_wait3A_77 = arith.constant 0 : i32
        %dma_wait3A_78 = tpu.memref_slice %arg11[%dma_wait3A_76, %dma_wait3A_77] : memref<2688x128xf32, #tpu.memory_space<vmem_shared>> -> memref<2688x128xf32, #tpu.memory_space<vmem_shared>>
        tpu.wait_indirect_dma semaphore(%run_scoped3A : memref<!tpu.dma_semaphore, #tpu.memory_space<semaphore_mem>>) src(%arg9 : memref<128x128xf32, #tpu.memory_space<vmem>>) dst(%dma_wait3A_78 : memref<2688x128xf32, #tpu.memory_space<vmem_shared>>)
        tpu.yield
      }) : () -> ()
    }
    %scan3A_51 = arith.constant 24 : i32
    %barrier3A_52 = arith.constant 0 : index
    tpu.barrier barrier_id(%barrier3A_52)
    %mul3A_53 = arith.constant 160 : i32
    %mul3A_54 = arith.muli %arg1, %mul3A_53 : i32
    "tpu.region"() ({
      %run_scoped3A = tpu.sem_alloc : memref<!tpu.dma_semaphore, #tpu.memory_space<semaphore_mem>>
      %dma_start3A = arith.constant 0 : i32
      %dma_start3A_56 = tpu.memref_slice %arg6[%add3A_30, %mul3A_54, %dma_start3A] : memref<4x2560x128xf32, #tpu.memory_space<hbm>> -> memref<1x160x128xf32, #tpu.memory_space<hbm>>
      %dma_start3A_57 = tpu.memref_squeeze %dma_start3A_56 : memref<1x160x128xf32, #tpu.memory_space<hbm>> -> memref<160x128xf32, #tpu.memory_space<hbm>>
      %dma_start3A_58 = arith.constant 0 : i32
      %dma_start3A_59 = tpu.memref_slice %arg11[%mul3A_54, %dma_start3A_58] : memref<2688x128xf32, #tpu.memory_space<vmem_shared>> -> memref<160x128xf32, #tpu.memory_space<vmem_shared>>
      tpu.enqueue_dma source(%dma_start3A_59 : memref<160x128xf32, #tpu.memory_space<vmem_shared>>) target(%dma_start3A_57 : memref<160x128xf32, #tpu.memory_space<hbm>>) target_semaphore(%run_scoped3A : memref<!tpu.dma_semaphore, #tpu.memory_space<semaphore_mem>>)
      %dma_wait3A = arith.constant 0 : i32
      %dma_wait3A_60 = tpu.memref_slice %arg6[%add3A_30, %mul3A_54, %dma_wait3A] : memref<4x2560x128xf32, #tpu.memory_space<hbm>> -> memref<1x160x128xf32, #tpu.memory_space<hbm>>
      %dma_wait3A_61 = tpu.memref_squeeze %dma_wait3A_60 : memref<1x160x128xf32, #tpu.memory_space<hbm>> -> memref<160x128xf32, #tpu.memory_space<hbm>>
      %dma_wait3A_62 = arith.constant 0 : i32
      %dma_wait3A_63 = tpu.memref_slice %arg11[%mul3A_54, %dma_wait3A_62] : memref<2688x128xf32, #tpu.memory_space<vmem_shared>> -> memref<160x128xf32, #tpu.memory_space<vmem_shared>>
      tpu.wait_dma2 semaphore(%run_scoped3A : memref<!tpu.dma_semaphore, #tpu.memory_space<semaphore_mem>>) src(%dma_wait3A_63 : memref<160x128xf32, #tpu.memory_space<vmem_shared>>) dst(%dma_wait3A_61 : memref<160x128xf32, #tpu.memory_space<hbm>>)
      tpu.yield
    }) : () -> ()
    %barrier3A_55 = arith.constant 0 : index
    tpu.barrier barrier_id(%barrier3A_55)
    return
  }
}

#map = affine_map<(d0, d1) -> (0, 0)>
module attributes {stable_mosaic.version = 14 : i64} {
  func.func @_part_kernel(%arg0: i32, %arg1: i32, %arg2: memref<2560x128xi32, #tpu.memory_space<hbm>>, %arg3: memref<2560x128xi32, #tpu.memory_space<hbm>>, %arg4: memref<32x10112xf32, #tpu.memory_space<hbm>>, %arg5: memref<32x12288xi32, #tpu.memory_space<hbm>>, %arg6: memref<32x12288xi32, #tpu.memory_space<hbm>>, %arg7: memref<80x128xi32, #tpu.memory_space<vmem>>, %arg8: memref<80x128xi32, #tpu.memory_space<vmem>>, %arg9: memref<10112xf32, #tpu.memory_space<vmem>>, %arg10: memref<12288xi32, #tpu.memory_space<vmem>>, %arg11: memref<12288xi32, #tpu.memory_space<vmem>>) attributes {dimension_semantics = [#tpu.dimension_semantics<core_parallel>, #tpu.dimension_semantics<subcore_parallel>], iteration_bounds = array<i64: 2, 16>, scalar_prefetch = 0 : i64, scratch_operands = 5 : i64, tpu.core_type = #tpu.core_type<sc_vector_subcore>, window_params = [{transform_indices = #map}, {transform_indices = #map}, {transform_indices = #map}, {transform_indices = #map}, {transform_indices = #map}]} {
    %mul3A = arith.constant 16 : i32
    %mul3A_0 = arith.muli %arg0, %mul3A : i32
    %add3A = arith.addi %mul3A_0, %arg1 : i32
    %mul3A_1 = arith.constant 80 : i32
    %mul3A_2 = arith.muli %add3A, %mul3A_1 : i32
    "tpu.region"() ({
      %run_scoped3A = tpu.sem_alloc : memref<!tpu.dma_semaphore, #tpu.memory_space<semaphore_mem>>
      %dma_start3A = arith.constant 0 : i32
      %dma_start3A_31 = tpu.memref_slice %arg2[%mul3A_2, %dma_start3A] : memref<2560x128xi32, #tpu.memory_space<hbm>> -> memref<80x128xi32, #tpu.memory_space<hbm>>
      %dma_start3A_32 = arith.constant 0 : i32
      %dma_start3A_33 = tpu.memref_slice %arg2[%mul3A_2, %dma_start3A_32] : memref<2560x128xi32, #tpu.memory_space<hbm>> -> memref<80x128xi32, #tpu.memory_space<hbm>>
      tpu.enqueue_dma source(%dma_start3A_33 : memref<80x128xi32, #tpu.memory_space<hbm>>) target(%arg7 : memref<80x128xi32, #tpu.memory_space<vmem>>) target_semaphore(%run_scoped3A : memref<!tpu.dma_semaphore, #tpu.memory_space<semaphore_mem>>)
      %dma_wait3A = arith.constant 0 : i32
      %dma_wait3A_34 = tpu.memref_slice %arg2[%mul3A_2, %dma_wait3A] : memref<2560x128xi32, #tpu.memory_space<hbm>> -> memref<80x128xi32, #tpu.memory_space<hbm>>
      %dma_wait3A_35 = arith.constant 0 : i32
      %dma_wait3A_36 = tpu.memref_slice %arg2[%mul3A_2, %dma_wait3A_35] : memref<2560x128xi32, #tpu.memory_space<hbm>> -> memref<80x128xi32, #tpu.memory_space<hbm>>
      tpu.wait_dma2 semaphore(%run_scoped3A : memref<!tpu.dma_semaphore, #tpu.memory_space<semaphore_mem>>) src(%dma_wait3A_36 : memref<80x128xi32, #tpu.memory_space<hbm>>) dst(%arg7 : memref<80x128xi32, #tpu.memory_space<vmem>>)
      tpu.yield
    }) : () -> ()
    %mul3A_3 = arith.constant 80 : i32
    %mul3A_4 = arith.muli %add3A, %mul3A_3 : i32
    "tpu.region"() ({
      %run_scoped3A = tpu.sem_alloc : memref<!tpu.dma_semaphore, #tpu.memory_space<semaphore_mem>>
      %dma_start3A = arith.constant 0 : i32
      %dma_start3A_31 = tpu.memref_slice %arg3[%mul3A_4, %dma_start3A] : memref<2560x128xi32, #tpu.memory_space<hbm>> -> memref<80x128xi32, #tpu.memory_space<hbm>>
      %dma_start3A_32 = arith.constant 0 : i32
      %dma_start3A_33 = tpu.memref_slice %arg3[%mul3A_4, %dma_start3A_32] : memref<2560x128xi32, #tpu.memory_space<hbm>> -> memref<80x128xi32, #tpu.memory_space<hbm>>
      tpu.enqueue_dma source(%dma_start3A_33 : memref<80x128xi32, #tpu.memory_space<hbm>>) target(%arg8 : memref<80x128xi32, #tpu.memory_space<vmem>>) target_semaphore(%run_scoped3A : memref<!tpu.dma_semaphore, #tpu.memory_space<semaphore_mem>>)
      %dma_wait3A = arith.constant 0 : i32
      %dma_wait3A_34 = tpu.memref_slice %arg3[%mul3A_4, %dma_wait3A] : memref<2560x128xi32, #tpu.memory_space<hbm>> -> memref<80x128xi32, #tpu.memory_space<hbm>>
      %dma_wait3A_35 = arith.constant 0 : i32
      %dma_wait3A_36 = tpu.memref_slice %arg3[%mul3A_4, %dma_wait3A_35] : memref<2560x128xi32, #tpu.memory_space<hbm>> -> memref<80x128xi32, #tpu.memory_space<hbm>>
      tpu.wait_dma2 semaphore(%run_scoped3A : memref<!tpu.dma_semaphore, #tpu.memory_space<semaphore_mem>>) src(%dma_wait3A_36 : memref<80x128xi32, #tpu.memory_space<hbm>>) dst(%arg8 : memref<80x128xi32, #tpu.memory_space<vmem>>)
      tpu.yield
    }) : () -> ()
    %broadcast_in_dim3A = arith.constant 0.000000e+00 : f32
    %broadcast_in_dim3A_5 = vector.broadcast %broadcast_in_dim3A : f32 to vector<16xf32>
    %broadcast_in_dim3A_6 = arith.constant 1.000000e+00 : f32
    %broadcast_in_dim3A_7 = vector.broadcast %broadcast_in_dim3A_6 : f32 to vector<16xf32>
    %scan3A = arith.constant 0 : i32
    %scan3A_8 = arith.constant 632 : i32
    %scan3A_9 = arith.addi %scan3A, %scan3A_8 : i32
    %scan3A_10 = arith.constant 1 : i32
    scf.for %scan3A_31 = %scan3A to %scan3A_9 step %scan3A_10  : i32 {
      %mul3A_32 = arith.constant 16 : i32
      %mul3A_33 = arith.muli %scan3A_31, %mul3A_32 : i32
      %swap3A = arith.index_cast %mul3A_33 : i32 to index
      %swap3A_34 = tpu.vector_load %arg9[%swap3A] {strides = array<i32>} : memref<10112xf32, #tpu.memory_space<vmem>>, vector<16xf32>,
      tpu.vector_store %arg9[%swap3A], %broadcast_in_dim3A_5 {strides = array<i32>} : memref<10112xf32, #tpu.memory_space<vmem>>, vector<16xf32>,
    }
    %scan3A_11 = arith.constant 632 : i32
    %broadcast_in_dim3A_12 = arith.constant 0 : i32
    %broadcast_in_dim3A_13 = vector.broadcast %broadcast_in_dim3A_12 : i32 to vector<16xi32>
    %broadcast_in_dim3A_14 = arith.constant 2560 : i32
    %broadcast_in_dim3A_15 = vector.broadcast %broadcast_in_dim3A_14 : i32 to vector<16xi32>
    %scan3A_16 = arith.constant 0 : i32
    %scan3A_17 = arith.constant 768 : i32
    %scan3A_18 = arith.addi %scan3A_16, %scan3A_17 : i32
    %scan3A_19 = arith.constant 1 : i32
    scf.for %scan3A_31 = %scan3A_16 to %scan3A_18 step %scan3A_19  : i32 {
      %mul3A_32 = arith.constant 16 : i32
      %mul3A_33 = arith.muli %scan3A_31, %mul3A_32 : i32
      %swap3A = arith.index_cast %mul3A_33 : i32 to index
      %swap3A_34 = tpu.vector_load %arg10[%swap3A] {strides = array<i32>} : memref<12288xi32, #tpu.memory_space<vmem>>, vector<16xi32>,
      tpu.vector_store %arg10[%swap3A], %broadcast_in_dim3A_13 {strides = array<i32>} : memref<12288xi32, #tpu.memory_space<vmem>>, vector<16xi32>,
      %mul3A_35 = arith.constant 16 : i32
      %mul3A_36 = arith.muli %scan3A_31, %mul3A_35 : i32
      %swap3A_37 = arith.index_cast %mul3A_36 : i32 to index
      %swap3A_38 = tpu.vector_load %arg11[%swap3A_37] {strides = array<i32>} : memref<12288xi32, #tpu.memory_space<vmem>>, vector<16xi32>,
      tpu.vector_store %arg11[%swap3A_37], %broadcast_in_dim3A_15 {strides = array<i32>} : memref<12288xi32, #tpu.memory_space<vmem>>, vector<16xi32>,
    }
    %scan3A_20 = arith.constant 768 : i32
    %scan3A_21 = arith.constant 0 : i32
    %scan3A_22 = arith.constant 3072 : i32
    %scan3A_23 = arith.constant 6144 : i32
    %scan3A_24 = arith.constant 9216 : i32
    %scan3A_25 = arith.constant 0 : i32
    %scan3A_26 = arith.constant 640 : i32
    %scan3A_27 = arith.addi %scan3A_25, %scan3A_26 : i32
    %scan3A_28 = arith.constant 1 : i32
    %scan3A_29:4 = scf.for %scan3A_31 = %scan3A_25 to %scan3A_27 step %scan3A_28 iter_args(%scan3A_32 = %scan3A_21, %scan3A_33 = %scan3A_22, %scan3A_34 = %scan3A_23, %scan3A_35 = %scan3A_24) -> (i32, i32, i32, i32)  : i32 {
      %jit3A = arith.constant 8 : i32
      %div3A = arith.divsi %scan3A_31, %jit3A : i32
      %sign3A = arith.constant 0 : i32
      %sign3A_36 = arith.cmpi sgt, %scan3A_31, %sign3A : i32
      %sign3A_37 = arith.extui %sign3A_36 : i1 to i32
      %sign3A_38 = arith.constant 0 : i32
      %sign3A_39 = arith.cmpi slt, %scan3A_31, %sign3A_38 : i32
      %sign3A_40 = arith.extui %sign3A_39 : i1 to i32
      %sign3A_41 = arith.subi %sign3A_37, %sign3A_40 : i32
      %sign3A_42 = arith.constant 0 : i32
      %sign3A_43 = arith.cmpi sgt, %jit3A, %sign3A_42 : i32
      %sign3A_44 = arith.extui %sign3A_43 : i1 to i32
      %sign3A_45 = arith.constant 0 : i32
      %sign3A_46 = arith.cmpi slt, %jit3A, %sign3A_45 : i32
      %sign3A_47 = arith.extui %sign3A_46 : i1 to i32
      %sign3A_48 = arith.subi %sign3A_44, %sign3A_47 : i32
      %ne3A = arith.cmpi ne, %sign3A_41, %sign3A_48 : i32
      %rem3A = arith.remsi %scan3A_31, %jit3A : i32
      %ne3A_49 = arith.constant 0 : i32
      %ne3A_50 = arith.cmpi ne, %rem3A, %ne3A_49 : i32
      %and3A = arith.andi %ne3A, %ne3A_50 : i1
      %sub3A = arith.constant 1 : i32
      %sub3A_51 = arith.subi %div3A, %sub3A : i32
      %select_n3A = arith.select %and3A, %sub3A_51, %div3A : i32
      %jit3A_52 = arith.constant 8 : i32
      %eq3A = arith.constant 0 : i32
      %eq3A_53 = arith.cmpi eq, %jit3A_52, %eq3A : i32
      %jit3A_54 = arith.constant 1 : i32
      %select_n3A_55 = arith.select %eq3A_53, %jit3A_54, %jit3A_52 : i32
      %rem3A_56 = arith.remsi %scan3A_31, %select_n3A_55 : i32
      %ne3A_57 = arith.constant 0 : i32
      %ne3A_58 = arith.cmpi ne, %rem3A_56, %ne3A_57 : i32
      %lt3A = arith.constant 0 : i32
      %lt3A_59 = arith.cmpi slt, %rem3A_56, %lt3A : i32
      %lt3A_60 = arith.constant 0 : i32
      %lt3A_61 = arith.cmpi slt, %select_n3A_55, %lt3A_60 : i32
      %ne3A_62 = arith.xori %lt3A_59, %lt3A_61 : i1
      %and3A_63 = arith.andi %ne3A_62, %ne3A_58 : i1
      %add3A_64 = arith.addi %rem3A_56, %select_n3A_55 : i32
      %select_n3A_65 = arith.select %and3A_63, %add3A_64, %rem3A_56 : i32
      %mul3A_66 = arith.constant 16 : i32
      %mul3A_67 = arith.muli %select_n3A_65, %mul3A_66 : i32
      %get3A = arith.index_cast %select_n3A : i32 to index
      %get3A_68 = arith.index_cast %mul3A_67 : i32 to index
      %get3A_69 = tpu.vector_load %arg7[%get3A, %get3A_68] {strides = array<i32>} : memref<80x128xi32, #tpu.memory_space<vmem>>, vector<16xi32>,
      %mul3A_70 = arith.constant 16 : i32
      %mul3A_71 = arith.muli %select_n3A_65, %mul3A_70 : i32
      %get3A_72 = arith.index_cast %select_n3A : i32 to index
      %get3A_73 = arith.index_cast %mul3A_71 : i32 to index
      %get3A_74 = tpu.vector_load %arg8[%get3A_72, %get3A_73] {strides = array<i32>} : memref<80x128xi32, #tpu.memory_space<vmem>>, vector<16xi32>,
      tpu.vector_store_idx %arg9[%get3A_74], %broadcast_in_dim3A_7 {add = true} : memref<10112xf32, #tpu.memory_space<vmem>>[vector<16xi32>], vector<16xf32>,
      %ge3A = arith.constant 0 : i32
      %ge3A_75 = vector.broadcast %ge3A : i32 to vector<16xi32>
      %ge3A_76 = arith.cmpi sge, %get3A_74, %ge3A_75 : vector<16xi32>
      %lt3A_77 = arith.constant 2560 : i32
      %lt3A_78 = vector.broadcast %lt3A_77 : i32 to vector<16xi32>
      %lt3A_79 = arith.cmpi slt, %get3A_74, %lt3A_78 : vector<16xi32>
      %and3A_80 = arith.andi %ge3A_76, %lt3A_79 : vector<16xi1>
      %convert_element_type3A = arith.extui %and3A_80 : vector<16xi1> to vector<16xi32>
      %cumsum3A = arith.constant true
      %cumsum3A_81 = vector.broadcast %cumsum3A : i1 to vector<16xi1>
      %cumsum3A_82 = tpu.scan <sum>, %convert_element_type3A masked %cumsum3A_81 : vector<16xi32>, vector<16xi1> -> vector<16xi32>
      %add3A_83 = vector.broadcast %scan3A_32 : i32 to vector<16xi32>
      %add3A_84 = arith.addi %add3A_83, %cumsum3A_82 : vector<16xi32>
      %sub3A_85 = arith.constant 1 : i32
      %sub3A_86 = vector.broadcast %sub3A_85 : i32 to vector<16xi32>
      %sub3A_87 = arith.subi %add3A_84, %sub3A_86 : vector<16xi32>
      %ge3A_88 = arith.constant 0 : i32
      %ge3A_89 = vector.broadcast %ge3A_88 : i32 to vector<16xi32>
      %ge3A_90 = arith.cmpi sge, %sub3A_87, %ge3A_89 : vector<16xi32>
      %and3A_91 = arith.andi %and3A_80, %ge3A_90 : vector<16xi1>
      %lt3A_92 = arith.constant 12288 : i32
      %lt3A_93 = vector.broadcast %lt3A_92 : i32 to vector<16xi32>
      %lt3A_94 = arith.cmpi slt, %sub3A_87, %lt3A_93 : vector<16xi32>
      %and3A_95 = arith.andi %and3A_91, %lt3A_94 : vector<16xi1>
      tpu.vector_store_idx %arg10[%sub3A_87], %get3A_69 masked %and3A_95 : memref<12288xi32, #tpu.memory_space<vmem>>[vector<16xi32>], vector<16xi32>, vector<16xi1>
      %sub3A_96 = arith.constant 0 : i32
      %sub3A_97 = vector.broadcast %sub3A_96 : i32 to vector<16xi32>
      %sub3A_98 = arith.subi %get3A_74, %sub3A_97 : vector<16xi32>
      tpu.vector_store_idx %arg11[%sub3A_87], %sub3A_98 masked %and3A_95 : memref<12288xi32, #tpu.memory_space<vmem>>[vector<16xi32>], vector<16xi32>, vector<16xi1>
      %reduce_sum3A = arith.constant true
      %reduce_sum3A_99 = vector.broadcast %reduce_sum3A : i1 to vector<16xi1>
      %reduce_sum3A_100 = tpu.scan <sum>, %convert_element_type3A masked %reduce_sum3A_99 : vector<16xi32>, vector<16xi1> -> vector<16xi32>
      %reduce_sum3A_101 = vector.extract %reduce_sum3A_100[15] : i32 from vector<16xi32>
      %add3A_102 = arith.addi %scan3A_32, %reduce_sum3A_101 : i32
      %ge3A_103 = arith.constant 2560 : i32
      %ge3A_104 = vector.broadcast %ge3A_103 : i32 to vector<16xi32>
      %ge3A_105 = arith.cmpi sge, %get3A_74, %ge3A_104 : vector<16xi32>
      %lt3A_106 = arith.constant 5120 : i32
      %lt3A_107 = vector.broadcast %lt3A_106 : i32 to vector<16xi32>
      %lt3A_108 = arith.cmpi slt, %get3A_74, %lt3A_107 : vector<16xi32>
      %and3A_109 = arith.andi %ge3A_105, %lt3A_108 : vector<16xi1>
      %convert_element_type3A_110 = arith.extui %and3A_109 : vector<16xi1> to vector<16xi32>
      %cumsum3A_111 = arith.constant true
      %cumsum3A_112 = vector.broadcast %cumsum3A_111 : i1 to vector<16xi1>
      %cumsum3A_113 = tpu.scan <sum>, %convert_element_type3A_110 masked %cumsum3A_112 : vector<16xi32>, vector<16xi1> -> vector<16xi32>
      %add3A_114 = vector.broadcast %scan3A_33 : i32 to vector<16xi32>
      %add3A_115 = arith.addi %add3A_114, %cumsum3A_113 : vector<16xi32>
      %sub3A_116 = arith.constant 1 : i32
      %sub3A_117 = vector.broadcast %sub3A_116 : i32 to vector<16xi32>
      %sub3A_118 = arith.subi %add3A_115, %sub3A_117 : vector<16xi32>
      %ge3A_119 = arith.constant 0 : i32
      %ge3A_120 = vector.broadcast %ge3A_119 : i32 to vector<16xi32>
      %ge3A_121 = arith.cmpi sge, %sub3A_118, %ge3A_120 : vector<16xi32>
      %and3A_122 = arith.andi %and3A_109, %ge3A_121 : vector<16xi1>
      %lt3A_123 = arith.constant 12288 : i32
      %lt3A_124 = vector.broadcast %lt3A_123 : i32 to vector<16xi32>
      %lt3A_125 = arith.cmpi slt, %sub3A_118, %lt3A_124 : vector<16xi32>
      %and3A_126 = arith.andi %and3A_122, %lt3A_125 : vector<16xi1>
      tpu.vector_store_idx %arg10[%sub3A_118], %get3A_69 masked %and3A_126 : memref<12288xi32, #tpu.memory_space<vmem>>[vector<16xi32>], vector<16xi32>, vector<16xi1>
      %sub3A_127 = arith.constant 2560 : i32
      %sub3A_128 = vector.broadcast %sub3A_127 : i32 to vector<16xi32>
      %sub3A_129 = arith.subi %get3A_74, %sub3A_128 : vector<16xi32>
      tpu.vector_store_idx %arg11[%sub3A_118], %sub3A_129 masked %and3A_126 : memref<12288xi32, #tpu.memory_space<vmem>>[vector<16xi32>], vector<16xi32>, vector<16xi1>
      %reduce_sum3A_130 = arith.constant true
      %reduce_sum3A_131 = vector.broadcast %reduce_sum3A_130 : i1 to vector<16xi1>
      %reduce_sum3A_132 = tpu.scan <sum>, %convert_element_type3A_110 masked %reduce_sum3A_131 : vector<16xi32>, vector<16xi1> -> vector<16xi32>
      %reduce_sum3A_133 = vector.extract %reduce_sum3A_132[15] : i32 from vector<16xi32>
      %add3A_134 = arith.addi %scan3A_33, %reduce_sum3A_133 : i32
      %ge3A_135 = arith.constant 5120 : i32
      %ge3A_136 = vector.broadcast %ge3A_135 : i32 to vector<16xi32>
      %ge3A_137 = arith.cmpi sge, %get3A_74, %ge3A_136 : vector<16xi32>
      %lt3A_138 = arith.constant 7680 : i32
      %lt3A_139 = vector.broadcast %lt3A_138 : i32 to vector<16xi32>
      %lt3A_140 = arith.cmpi slt, %get3A_74, %lt3A_139 : vector<16xi32>
      %and3A_141 = arith.andi %ge3A_137, %lt3A_140 : vector<16xi1>
      %convert_element_type3A_142 = arith.extui %and3A_141 : vector<16xi1> to vector<16xi32>
      %cumsum3A_143 = arith.constant true
      %cumsum3A_144 = vector.broadcast %cumsum3A_143 : i1 to vector<16xi1>
      %cumsum3A_145 = tpu.scan <sum>, %convert_element_type3A_142 masked %cumsum3A_144 : vector<16xi32>, vector<16xi1> -> vector<16xi32>
      %add3A_146 = vector.broadcast %scan3A_34 : i32 to vector<16xi32>
      %add3A_147 = arith.addi %add3A_146, %cumsum3A_145 : vector<16xi32>
      %sub3A_148 = arith.constant 1 : i32
      %sub3A_149 = vector.broadcast %sub3A_148 : i32 to vector<16xi32>
      %sub3A_150 = arith.subi %add3A_147, %sub3A_149 : vector<16xi32>
      %ge3A_151 = arith.constant 0 : i32
      %ge3A_152 = vector.broadcast %ge3A_151 : i32 to vector<16xi32>
      %ge3A_153 = arith.cmpi sge, %sub3A_150, %ge3A_152 : vector<16xi32>
      %and3A_154 = arith.andi %and3A_141, %ge3A_153 : vector<16xi1>
      %lt3A_155 = arith.constant 12288 : i32
      %lt3A_156 = vector.broadcast %lt3A_155 : i32 to vector<16xi32>
      %lt3A_157 = arith.cmpi slt, %sub3A_150, %lt3A_156 : vector<16xi32>
      %and3A_158 = arith.andi %and3A_154, %lt3A_157 : vector<16xi1>
      tpu.vector_store_idx %arg10[%sub3A_150], %get3A_69 masked %and3A_158 : memref<12288xi32, #tpu.memory_space<vmem>>[vector<16xi32>], vector<16xi32>, vector<16xi1>
      %sub3A_159 = arith.constant 5120 : i32
      %sub3A_160 = vector.broadcast %sub3A_159 : i32 to vector<16xi32>
      %sub3A_161 = arith.subi %get3A_74, %sub3A_160 : vector<16xi32>
      tpu.vector_store_idx %arg11[%sub3A_150], %sub3A_161 masked %and3A_158 : memref<12288xi32, #tpu.memory_space<vmem>>[vector<16xi32>], vector<16xi32>, vector<16xi1>
      %reduce_sum3A_162 = arith.constant true
      %reduce_sum3A_163 = vector.broadcast %reduce_sum3A_162 : i1 to vector<16xi1>
      %reduce_sum3A_164 = tpu.scan <sum>, %convert_element_type3A_142 masked %reduce_sum3A_163 : vector<16xi32>, vector<16xi1> -> vector<16xi32>
      %reduce_sum3A_165 = vector.extract %reduce_sum3A_164[15] : i32 from vector<16xi32>
      %add3A_166 = arith.addi %scan3A_34, %reduce_sum3A_165 : i32
      %ge3A_167 = arith.constant 7680 : i32
      %ge3A_168 = vector.broadcast %ge3A_167 : i32 to vector<16xi32>
      %ge3A_169 = arith.cmpi sge, %get3A_74, %ge3A_168 : vector<16xi32>
      %lt3A_170 = arith.constant 10240 : i32
      %lt3A_171 = vector.broadcast %lt3A_170 : i32 to vector<16xi32>
      %lt3A_172 = arith.cmpi slt, %get3A_74, %lt3A_171 : vector<16xi32>
      %and3A_173 = arith.andi %ge3A_169, %lt3A_172 : vector<16xi1>
      %convert_element_type3A_174 = arith.extui %and3A_173 : vector<16xi1> to vector<16xi32>
      %cumsum3A_175 = arith.constant true
      %cumsum3A_176 = vector.broadcast %cumsum3A_175 : i1 to vector<16xi1>
      %cumsum3A_177 = tpu.scan <sum>, %convert_element_type3A_174 masked %cumsum3A_176 : vector<16xi32>, vector<16xi1> -> vector<16xi32>
      %add3A_178 = vector.broadcast %scan3A_35 : i32 to vector<16xi32>
      %add3A_179 = arith.addi %add3A_178, %cumsum3A_177 : vector<16xi32>
      %sub3A_180 = arith.constant 1 : i32
      %sub3A_181 = vector.broadcast %sub3A_180 : i32 to vector<16xi32>
      %sub3A_182 = arith.subi %add3A_179, %sub3A_181 : vector<16xi32>
      %ge3A_183 = arith.constant 0 : i32
      %ge3A_184 = vector.broadcast %ge3A_183 : i32 to vector<16xi32>
      %ge3A_185 = arith.cmpi sge, %sub3A_182, %ge3A_184 : vector<16xi32>
      %and3A_186 = arith.andi %and3A_173, %ge3A_185 : vector<16xi1>
      %lt3A_187 = arith.constant 12288 : i32
      %lt3A_188 = vector.broadcast %lt3A_187 : i32 to vector<16xi32>
      %lt3A_189 = arith.cmpi slt, %sub3A_182, %lt3A_188 : vector<16xi32>
      %and3A_190 = arith.andi %and3A_186, %lt3A_189 : vector<16xi1>
      tpu.vector_store_idx %arg10[%sub3A_182], %get3A_69 masked %and3A_190 : memref<12288xi32, #tpu.memory_space<vmem>>[vector<16xi32>], vector<16xi32>, vector<16xi1>
      %sub3A_191 = arith.constant 7680 : i32
      %sub3A_192 = vector.broadcast %sub3A_191 : i32 to vector<16xi32>
      %sub3A_193 = arith.subi %get3A_74, %sub3A_192 : vector<16xi32>
      tpu.vector_store_idx %arg11[%sub3A_182], %sub3A_193 masked %and3A_190 : memref<12288xi32, #tpu.memory_space<vmem>>[vector<16xi32>], vector<16xi32>, vector<16xi1>
      %reduce_sum3A_194 = arith.constant true
      %reduce_sum3A_195 = vector.broadcast %reduce_sum3A_194 : i1 to vector<16xi1>
      %reduce_sum3A_196 = tpu.scan <sum>, %convert_element_type3A_174 masked %reduce_sum3A_195 : vector<16xi32>, vector<16xi1> -> vector<16xi32>
      %reduce_sum3A_197 = vector.extract %reduce_sum3A_196[15] : i32 from vector<16xi32>
      %add3A_198 = arith.addi %scan3A_35, %reduce_sum3A_197 : i32
      scf.yield %add3A_102, %add3A_134, %add3A_166, %add3A_198 : i32, i32, i32, i32
    }
    %scan3A_30 = arith.constant 640 : i32
    "tpu.region"() ({
      %run_scoped3A = tpu.sem_alloc : memref<!tpu.dma_semaphore, #tpu.memory_space<semaphore_mem>>
      %dma_start3A = arith.constant 0 : i32
      %dma_start3A_31 = tpu.memref_slice %arg4[%add3A, %dma_start3A] : memref<32x10112xf32, #tpu.memory_space<hbm>> -> memref<1x10112xf32, #tpu.memory_space<hbm>>
      %dma_start3A_32 = tpu.memref_squeeze %dma_start3A_31 : memref<1x10112xf32, #tpu.memory_space<hbm>> -> memref<10112xf32, #tpu.memory_space<hbm>>
      %dma_start3A_33 = arith.constant 0 : i32
      %dma_start3A_34 = tpu.memref_slice %arg4[%add3A, %dma_start3A_33] : memref<32x10112xf32, #tpu.memory_space<hbm>> -> memref<1x10112xf32, #tpu.memory_space<hbm>>
      %dma_start3A_35 = tpu.memref_squeeze %dma_start3A_34 : memref<1x10112xf32, #tpu.memory_space<hbm>> -> memref<10112xf32, #tpu.memory_space<hbm>>
      tpu.enqueue_dma source(%arg9 : memref<10112xf32, #tpu.memory_space<vmem>>) target(%dma_start3A_35 : memref<10112xf32, #tpu.memory_space<hbm>>) target_semaphore(%run_scoped3A : memref<!tpu.dma_semaphore, #tpu.memory_space<semaphore_mem>>)
      %dma_wait3A = arith.constant 0 : i32
      %dma_wait3A_36 = tpu.memref_slice %arg4[%add3A, %dma_wait3A] : memref<32x10112xf32, #tpu.memory_space<hbm>> -> memref<1x10112xf32, #tpu.memory_space<hbm>>
      %dma_wait3A_37 = tpu.memref_squeeze %dma_wait3A_36 : memref<1x10112xf32, #tpu.memory_space<hbm>> -> memref<10112xf32, #tpu.memory_space<hbm>>
      %dma_wait3A_38 = arith.constant 0 : i32
      %dma_wait3A_39 = tpu.memref_slice %arg4[%add3A, %dma_wait3A_38] : memref<32x10112xf32, #tpu.memory_space<hbm>> -> memref<1x10112xf32, #tpu.memory_space<hbm>>
      %dma_wait3A_40 = tpu.memref_squeeze %dma_wait3A_39 : memref<1x10112xf32, #tpu.memory_space<hbm>> -> memref<10112xf32, #tpu.memory_space<hbm>>
      tpu.wait_dma2 semaphore(%run_scoped3A : memref<!tpu.dma_semaphore, #tpu.memory_space<semaphore_mem>>) src(%arg9 : memref<10112xf32, #tpu.memory_space<vmem>>) dst(%dma_wait3A_40 : memref<10112xf32, #tpu.memory_space<hbm>>)
      tpu.yield
    }) : () -> ()
    "tpu.region"() ({
      %run_scoped3A = tpu.sem_alloc : memref<!tpu.dma_semaphore, #tpu.memory_space<semaphore_mem>>
      %dma_start3A = arith.constant 0 : i32
      %dma_start3A_31 = tpu.memref_slice %arg5[%add3A, %dma_start3A] : memref<32x12288xi32, #tpu.memory_space<hbm>> -> memref<1x12288xi32, #tpu.memory_space<hbm>>
      %dma_start3A_32 = tpu.memref_squeeze %dma_start3A_31 : memref<1x12288xi32, #tpu.memory_space<hbm>> -> memref<12288xi32, #tpu.memory_space<hbm>>
      %dma_start3A_33 = arith.constant 0 : i32
      %dma_start3A_34 = tpu.memref_slice %arg5[%add3A, %dma_start3A_33] : memref<32x12288xi32, #tpu.memory_space<hbm>> -> memref<1x12288xi32, #tpu.memory_space<hbm>>
      %dma_start3A_35 = tpu.memref_squeeze %dma_start3A_34 : memref<1x12288xi32, #tpu.memory_space<hbm>> -> memref<12288xi32, #tpu.memory_space<hbm>>
      tpu.enqueue_dma source(%arg10 : memref<12288xi32, #tpu.memory_space<vmem>>) target(%dma_start3A_35 : memref<12288xi32, #tpu.memory_space<hbm>>) target_semaphore(%run_scoped3A : memref<!tpu.dma_semaphore, #tpu.memory_space<semaphore_mem>>)
      %dma_wait3A = arith.constant 0 : i32
      %dma_wait3A_36 = tpu.memref_slice %arg5[%add3A, %dma_wait3A] : memref<32x12288xi32, #tpu.memory_space<hbm>> -> memref<1x12288xi32, #tpu.memory_space<hbm>>
      %dma_wait3A_37 = tpu.memref_squeeze %dma_wait3A_36 : memref<1x12288xi32, #tpu.memory_space<hbm>> -> memref<12288xi32, #tpu.memory_space<hbm>>
      %dma_wait3A_38 = arith.constant 0 : i32
      %dma_wait3A_39 = tpu.memref_slice %arg5[%add3A, %dma_wait3A_38] : memref<32x12288xi32, #tpu.memory_space<hbm>> -> memref<1x12288xi32, #tpu.memory_space<hbm>>
      %dma_wait3A_40 = tpu.memref_squeeze %dma_wait3A_39 : memref<1x12288xi32, #tpu.memory_space<hbm>> -> memref<12288xi32, #tpu.memory_space<hbm>>
      tpu.wait_dma2 semaphore(%run_scoped3A : memref<!tpu.dma_semaphore, #tpu.memory_space<semaphore_mem>>) src(%arg10 : memref<12288xi32, #tpu.memory_space<vmem>>) dst(%dma_wait3A_40 : memref<12288xi32, #tpu.memory_space<hbm>>)
      tpu.yield
    }) : () -> ()
    "tpu.region"() ({
      %run_scoped3A = tpu.sem_alloc : memref<!tpu.dma_semaphore, #tpu.memory_space<semaphore_mem>>
      %dma_start3A = arith.constant 0 : i32
      %dma_start3A_31 = tpu.memref_slice %arg6[%add3A, %dma_start3A] : memref<32x12288xi32, #tpu.memory_space<hbm>> -> memref<1x12288xi32, #tpu.memory_space<hbm>>
      %dma_start3A_32 = tpu.memref_squeeze %dma_start3A_31 : memref<1x12288xi32, #tpu.memory_space<hbm>> -> memref<12288xi32, #tpu.memory_space<hbm>>
      %dma_start3A_33 = arith.constant 0 : i32
      %dma_start3A_34 = tpu.memref_slice %arg6[%add3A, %dma_start3A_33] : memref<32x12288xi32, #tpu.memory_space<hbm>> -> memref<1x12288xi32, #tpu.memory_space<hbm>>
      %dma_start3A_35 = tpu.memref_squeeze %dma_start3A_34 : memref<1x12288xi32, #tpu.memory_space<hbm>> -> memref<12288xi32, #tpu.memory_space<hbm>>
      tpu.enqueue_dma source(%arg11 : memref<12288xi32, #tpu.memory_space<vmem>>) target(%dma_start3A_35 : memref<12288xi32, #tpu.memory_space<hbm>>) target_semaphore(%run_scoped3A : memref<!tpu.dma_semaphore, #tpu.memory_space<semaphore_mem>>)
      %dma_wait3A = arith.constant 0 : i32
      %dma_wait3A_36 = tpu.memref_slice %arg6[%add3A, %dma_wait3A] : memref<32x12288xi32, #tpu.memory_space<hbm>> -> memref<1x12288xi32, #tpu.memory_space<hbm>>
      %dma_wait3A_37 = tpu.memref_squeeze %dma_wait3A_36 : memref<1x12288xi32, #tpu.memory_space<hbm>> -> memref<12288xi32, #tpu.memory_space<hbm>>
      %dma_wait3A_38 = arith.constant 0 : i32
      %dma_wait3A_39 = tpu.memref_slice %arg6[%add3A, %dma_wait3A_38] : memref<32x12288xi32, #tpu.memory_space<hbm>> -> memref<1x12288xi32, #tpu.memory_space<hbm>>
      %dma_wait3A_40 = tpu.memref_squeeze %dma_wait3A_39 : memref<1x12288xi32, #tpu.memory_space<hbm>> -> memref<12288xi32, #tpu.memory_space<hbm>>
      tpu.wait_dma2 semaphore(%run_scoped3A : memref<!tpu.dma_semaphore, #tpu.memory_space<semaphore_mem>>) src(%arg11 : memref<12288xi32, #tpu.memory_space<vmem>>) dst(%dma_wait3A_40 : memref<12288xi32, #tpu.memory_space<hbm>>)
      tpu.yield
    }) : () -> ()
    return
  }
}

#map = affine_map<(d0, d1) -> (0, 0)>
#map1 = affine_map<(d0, d1) -> (0, 0, 0, 0)>
#map2 = affine_map<(d0, d1) -> (0, 0, 0)>
module attributes {stable_mosaic.version = 14 : i64} {
  func.func @_agg_kernel(%arg0: i32, %arg1: i32, %arg2: memref<10112x128xf32, #tpu.memory_space<hbm>>, %arg3: memref<32x4x24x128xi32, #tpu.memory_space<hbm>>, %arg4: memref<32x4x24x128xi32, #tpu.memory_space<hbm>>, %arg5: memref<2688x128xf32, #tpu.memory_space<hbm>>, %arg6: memref<4x2560x128xf32, #tpu.memory_space<hbm>>, %arg7: memref<24x128xi32, #tpu.memory_space<vmem>>, %arg8: memref<24x128xi32, #tpu.memory_space<vmem>>, %arg9: memref<128x128xf32, #tpu.memory_space<vmem>>, %arg10: memref<10112x128xf32, #tpu.memory_space<vmem_shared>>, %arg11: memref<2688x128xf32, #tpu.memory_space<vmem_shared>>, %arg12: memref<!tpu.dma_semaphore, #tpu.memory_space<semaphore_mem>>) attributes {dimension_semantics = [#tpu.dimension_semantics<core_parallel>, #tpu.dimension_semantics<subcore_parallel>], iteration_bounds = array<i64: 2, 16>, scalar_prefetch = 0 : i64, scratch_operands = 6 : i64, tpu.core_type = #tpu.core_type<sc_vector_subcore>, window_params = [{transform_indices = #map}, {transform_indices = #map1}, {transform_indices = #map1}, {transform_indices = #map}, {transform_indices = #map2}]} {
    %mul3A = arith.constant 632 : i32
    %mul3A_0 = arith.muli %arg1, %mul3A : i32
    "tpu.region"() ({
      %run_scoped3A = tpu.sem_alloc : memref<!tpu.dma_semaphore, #tpu.memory_space<semaphore_mem>>
      %dma_start3A = arith.constant 0 : i32
      %dma_start3A_56 = tpu.memref_slice %arg10[%mul3A_0, %dma_start3A] : memref<10112x128xf32, #tpu.memory_space<vmem_shared>> -> memref<632x128xf32, #tpu.memory_space<vmem_shared>>
      %dma_start3A_57 = arith.constant 0 : i32
      %dma_start3A_58 = tpu.memref_slice %arg2[%mul3A_0, %dma_start3A_57] : memref<10112x128xf32, #tpu.memory_space<hbm>> -> memref<632x128xf32, #tpu.memory_space<hbm>>
      tpu.enqueue_dma source(%dma_start3A_58 : memref<632x128xf32, #tpu.memory_space<hbm>>) target(%dma_start3A_56 : memref<632x128xf32, #tpu.memory_space<vmem_shared>>) target_semaphore(%run_scoped3A : memref<!tpu.dma_semaphore, #tpu.memory_space<semaphore_mem>>)
      %dma_wait3A = arith.constant 0 : i32
      %dma_wait3A_59 = tpu.memref_slice %arg10[%mul3A_0, %dma_wait3A] : memref<10112x128xf32, #tpu.memory_space<vmem_shared>> -> memref<632x128xf32, #tpu.memory_space<vmem_shared>>
      %dma_wait3A_60 = arith.constant 0 : i32
      %dma_wait3A_61 = tpu.memref_slice %arg2[%mul3A_0, %dma_wait3A_60] : memref<10112x128xf32, #tpu.memory_space<hbm>> -> memref<632x128xf32, #tpu.memory_space<hbm>>
      tpu.wait_dma2 semaphore(%run_scoped3A : memref<!tpu.dma_semaphore, #tpu.memory_space<semaphore_mem>>) src(%dma_wait3A_61 : memref<632x128xf32, #tpu.memory_space<hbm>>) dst(%dma_wait3A_59 : memref<632x128xf32, #tpu.memory_space<vmem_shared>>)
      tpu.yield
    }) : () -> ()
    %mul3A_1 = arith.constant 2 : i32
    %mul3A_2 = arith.muli %mul3A_1, %arg0 : i32
    %add3A = arith.constant 0 : i32
    %add3A_3 = arith.addi %mul3A_2, %add3A : i32
    %mul3A_4 = arith.constant 168 : i32
    %mul3A_5 = arith.muli %arg1, %mul3A_4 : i32
    "tpu.region"() ({
      %run_scoped3A = tpu.sem_alloc : memref<!tpu.dma_semaphore, #tpu.memory_space<semaphore_mem>>
      %dma_start3A = arith.constant 0 : i32
      %dma_start3A_56 = tpu.memref_slice %arg11[%mul3A_5, %dma_start3A] : memref<2688x128xf32, #tpu.memory_space<vmem_shared>> -> memref<168x128xf32, #tpu.memory_space<vmem_shared>>
      %dma_start3A_57 = arith.constant 0 : i32
      %dma_start3A_58 = tpu.memref_slice %arg5[%mul3A_5, %dma_start3A_57] : memref<2688x128xf32, #tpu.memory_space<hbm>> -> memref<168x128xf32, #tpu.memory_space<hbm>>
      tpu.enqueue_dma source(%dma_start3A_58 : memref<168x128xf32, #tpu.memory_space<hbm>>) target(%dma_start3A_56 : memref<168x128xf32, #tpu.memory_space<vmem_shared>>) target_semaphore(%run_scoped3A : memref<!tpu.dma_semaphore, #tpu.memory_space<semaphore_mem>>)
      %dma_wait3A = arith.constant 0 : i32
      %dma_wait3A_59 = tpu.memref_slice %arg11[%mul3A_5, %dma_wait3A] : memref<2688x128xf32, #tpu.memory_space<vmem_shared>> -> memref<168x128xf32, #tpu.memory_space<vmem_shared>>
      %dma_wait3A_60 = arith.constant 0 : i32
      %dma_wait3A_61 = tpu.memref_slice %arg5[%mul3A_5, %dma_wait3A_60] : memref<2688x128xf32, #tpu.memory_space<hbm>> -> memref<168x128xf32, #tpu.memory_space<hbm>>
      tpu.wait_dma2 semaphore(%run_scoped3A : memref<!tpu.dma_semaphore, #tpu.memory_space<semaphore_mem>>) src(%dma_wait3A_61 : memref<168x128xf32, #tpu.memory_space<hbm>>) dst(%dma_wait3A_59 : memref<168x128xf32, #tpu.memory_space<vmem_shared>>)
      tpu.yield
    }) : () -> ()
    %barrier3A = arith.constant 0 : index
    tpu.barrier barrier_id(%barrier3A)
    %mul3A_6 = arith.constant 2 : i32
    %mul3A_7 = arith.muli %mul3A_6, %arg1 : i32
    %add3A_8 = arith.constant 0 : i32
    %add3A_9 = arith.addi %mul3A_7, %add3A_8 : i32
    "tpu.region"() ({
      %run_scoped3A = tpu.sem_alloc : memref<!tpu.dma_semaphore, #tpu.memory_space<semaphore_mem>>
      %dma_start3A = arith.constant 0 : i32
      %dma_start3A_56 = arith.constant 0 : i32
      %dma_start3A_57 = tpu.memref_slice %arg3[%add3A_9, %add3A_3, %dma_start3A, %dma_start3A_56] : memref<32x4x24x128xi32, #tpu.memory_space<hbm>> -> memref<1x1x24x128xi32, #tpu.memory_space<hbm>>
      %dma_start3A_58 = tpu.memref_squeeze %dma_start3A_57 : memref<1x1x24x128xi32, #tpu.memory_space<hbm>> -> memref<24x128xi32, #tpu.memory_space<hbm>>
      %dma_start3A_59 = arith.constant 0 : i32
      %dma_start3A_60 = arith.constant 0 : i32
      %dma_start3A_61 = tpu.memref_slice %arg3[%add3A_9, %add3A_3, %dma_start3A_59, %dma_start3A_60] : memref<32x4x24x128xi32, #tpu.memory_space<hbm>> -> memref<1x1x24x128xi32, #tpu.memory_space<hbm>>
      %dma_start3A_62 = tpu.memref_squeeze %dma_start3A_61 : memref<1x1x24x128xi32, #tpu.memory_space<hbm>> -> memref<24x128xi32, #tpu.memory_space<hbm>>
      tpu.enqueue_dma source(%dma_start3A_62 : memref<24x128xi32, #tpu.memory_space<hbm>>) target(%arg7 : memref<24x128xi32, #tpu.memory_space<vmem>>) target_semaphore(%run_scoped3A : memref<!tpu.dma_semaphore, #tpu.memory_space<semaphore_mem>>)
      %dma_wait3A = arith.constant 0 : i32
      %dma_wait3A_63 = arith.constant 0 : i32
      %dma_wait3A_64 = tpu.memref_slice %arg3[%add3A_9, %add3A_3, %dma_wait3A, %dma_wait3A_63] : memref<32x4x24x128xi32, #tpu.memory_space<hbm>> -> memref<1x1x24x128xi32, #tpu.memory_space<hbm>>
      %dma_wait3A_65 = tpu.memref_squeeze %dma_wait3A_64 : memref<1x1x24x128xi32, #tpu.memory_space<hbm>> -> memref<24x128xi32, #tpu.memory_space<hbm>>
      %dma_wait3A_66 = arith.constant 0 : i32
      %dma_wait3A_67 = arith.constant 0 : i32
      %dma_wait3A_68 = tpu.memref_slice %arg3[%add3A_9, %add3A_3, %dma_wait3A_66, %dma_wait3A_67] : memref<32x4x24x128xi32, #tpu.memory_space<hbm>> -> memref<1x1x24x128xi32, #tpu.memory_space<hbm>>
      %dma_wait3A_69 = tpu.memref_squeeze %dma_wait3A_68 : memref<1x1x24x128xi32, #tpu.memory_space<hbm>> -> memref<24x128xi32, #tpu.memory_space<hbm>>
      tpu.wait_dma2 semaphore(%run_scoped3A : memref<!tpu.dma_semaphore, #tpu.memory_space<semaphore_mem>>) src(%dma_wait3A_69 : memref<24x128xi32, #tpu.memory_space<hbm>>) dst(%arg7 : memref<24x128xi32, #tpu.memory_space<vmem>>)
      tpu.yield
    }) : () -> ()
    "tpu.region"() ({
      %run_scoped3A = tpu.sem_alloc : memref<!tpu.dma_semaphore, #tpu.memory_space<semaphore_mem>>
      %dma_start3A = arith.constant 0 : i32
      %dma_start3A_56 = arith.constant 0 : i32
      %dma_start3A_57 = tpu.memref_slice %arg4[%add3A_9, %add3A_3, %dma_start3A, %dma_start3A_56] : memref<32x4x24x128xi32, #tpu.memory_space<hbm>> -> memref<1x1x24x128xi32, #tpu.memory_space<hbm>>
      %dma_start3A_58 = tpu.memref_squeeze %dma_start3A_57 : memref<1x1x24x128xi32, #tpu.memory_space<hbm>> -> memref<24x128xi32, #tpu.memory_space<hbm>>
      %dma_start3A_59 = arith.constant 0 : i32
      %dma_start3A_60 = arith.constant 0 : i32
      %dma_start3A_61 = tpu.memref_slice %arg4[%add3A_9, %add3A_3, %dma_start3A_59, %dma_start3A_60] : memref<32x4x24x128xi32, #tpu.memory_space<hbm>> -> memref<1x1x24x128xi32, #tpu.memory_space<hbm>>
      %dma_start3A_62 = tpu.memref_squeeze %dma_start3A_61 : memref<1x1x24x128xi32, #tpu.memory_space<hbm>> -> memref<24x128xi32, #tpu.memory_space<hbm>>
      tpu.enqueue_dma source(%dma_start3A_62 : memref<24x128xi32, #tpu.memory_space<hbm>>) target(%arg8 : memref<24x128xi32, #tpu.memory_space<vmem>>) target_semaphore(%run_scoped3A : memref<!tpu.dma_semaphore, #tpu.memory_space<semaphore_mem>>)
      %dma_wait3A = arith.constant 0 : i32
      %dma_wait3A_63 = arith.constant 0 : i32
      %dma_wait3A_64 = tpu.memref_slice %arg4[%add3A_9, %add3A_3, %dma_wait3A, %dma_wait3A_63] : memref<32x4x24x128xi32, #tpu.memory_space<hbm>> -> memref<1x1x24x128xi32, #tpu.memory_space<hbm>>
      %dma_wait3A_65 = tpu.memref_squeeze %dma_wait3A_64 : memref<1x1x24x128xi32, #tpu.memory_space<hbm>> -> memref<24x128xi32, #tpu.memory_space<hbm>>
      %dma_wait3A_66 = arith.constant 0 : i32
      %dma_wait3A_67 = arith.constant 0 : i32
      %dma_wait3A_68 = tpu.memref_slice %arg4[%add3A_9, %add3A_3, %dma_wait3A_66, %dma_wait3A_67] : memref<32x4x24x128xi32, #tpu.memory_space<hbm>> -> memref<1x1x24x128xi32, #tpu.memory_space<hbm>>
      %dma_wait3A_69 = tpu.memref_squeeze %dma_wait3A_68 : memref<1x1x24x128xi32, #tpu.memory_space<hbm>> -> memref<24x128xi32, #tpu.memory_space<hbm>>
      tpu.wait_dma2 semaphore(%run_scoped3A : memref<!tpu.dma_semaphore, #tpu.memory_space<semaphore_mem>>) src(%dma_wait3A_69 : memref<24x128xi32, #tpu.memory_space<hbm>>) dst(%arg8 : memref<24x128xi32, #tpu.memory_space<vmem>>)
      tpu.yield
    }) : () -> ()
    %scan3A = arith.constant 0 : i32
    %scan3A_10 = arith.constant 24 : i32
    %scan3A_11 = arith.addi %scan3A, %scan3A_10 : i32
    %scan3A_12 = arith.constant 1 : i32
    scf.for %scan3A_56 = %scan3A to %scan3A_11 step %scan3A_12  : i32 {
      %dma_start3A = arith.constant 0 : i32
      %dma_start3A_57 = tpu.memref_slice %arg7[%scan3A_56, %dma_start3A] : memref<24x128xi32, #tpu.memory_space<vmem>> -> memref<1x128xi32, #tpu.memory_space<vmem>>
      %dma_start3A_58 = tpu.memref_squeeze %dma_start3A_57 : memref<1x128xi32, #tpu.memory_space<vmem>> -> memref<128xi32, #tpu.memory_space<vmem>>
      %dma_start3A_59 = arith.constant 0 : i32
      %dma_start3A_60 = arith.constant 0 : i32
      %dma_start3A_61 = tpu.memref_slice %arg10[%dma_start3A_59, %dma_start3A_60] : memref<10112x128xf32, #tpu.memory_space<vmem_shared>> -> memref<10112x128xf32, #tpu.memory_space<vmem_shared>>
      tpu.enqueue_indirect_dma source(%dma_start3A_61 : memref<10112x128xf32, #tpu.memory_space<vmem_shared>>) target(%arg9 : memref<128x128xf32, #tpu.memory_space<vmem>>) offsets(%dma_start3A_58 : memref<128xi32, #tpu.memory_space<vmem>>) semaphore(%arg12 : memref<!tpu.dma_semaphore, #tpu.memory_space<semaphore_mem>>)
      %dma_wait3A = arith.constant 0 : i32
      %dma_wait3A_62 = tpu.memref_slice %arg7[%scan3A_56, %dma_wait3A] : memref<24x128xi32, #tpu.memory_space<vmem>> -> memref<1x128xi32, #tpu.memory_space<vmem>>
      %dma_wait3A_63 = tpu.memref_squeeze %dma_wait3A_62 : memref<1x128xi32, #tpu.memory_space<vmem>> -> memref<128xi32, #tpu.memory_space<vmem>>
      %dma_wait3A_64 = arith.constant 0 : i32
      %dma_wait3A_65 = arith.constant 0 : i32
      %dma_wait3A_66 = tpu.memref_slice %arg10[%dma_wait3A_64, %dma_wait3A_65] : memref<10112x128xf32, #tpu.memory_space<vmem_shared>> -> memref<10112x128xf32, #tpu.memory_space<vmem_shared>>
      tpu.wait_indirect_dma semaphore(%arg12 : memref<!tpu.dma_semaphore, #tpu.memory_space<semaphore_mem>>) src(%dma_wait3A_66 : memref<10112x128xf32, #tpu.memory_space<vmem_shared>>) dst(%arg9 : memref<128x128xf32, #tpu.memory_space<vmem>>)
      "tpu.region"() ({
        %run_scoped3A = tpu.sem_alloc : memref<!tpu.dma_semaphore, #tpu.memory_space<semaphore_mem>>
        %dma_start3A_67 = arith.constant 0 : i32
        %dma_start3A_68 = tpu.memref_slice %arg8[%scan3A_56, %dma_start3A_67] : memref<24x128xi32, #tpu.memory_space<vmem>> -> memref<1x128xi32, #tpu.memory_space<vmem>>
        %dma_start3A_69 = tpu.memref_squeeze %dma_start3A_68 : memref<1x128xi32, #tpu.memory_space<vmem>> -> memref<128xi32, #tpu.memory_space<vmem>>
        %dma_start3A_70 = arith.constant 0 : i32
        %dma_start3A_71 = arith.constant 0 : i32
        %dma_start3A_72 = tpu.memref_slice %arg11[%dma_start3A_70, %dma_start3A_71] : memref<2688x128xf32, #tpu.memory_space<vmem_shared>> -> memref<2688x128xf32, #tpu.memory_space<vmem_shared>>
        tpu.enqueue_indirect_dma source(%arg9 : memref<128x128xf32, #tpu.memory_space<vmem>>) target(%dma_start3A_72 : memref<2688x128xf32, #tpu.memory_space<vmem_shared>>) offsets(%dma_start3A_69 : memref<128xi32, #tpu.memory_space<vmem>>) semaphore(%run_scoped3A : memref<!tpu.dma_semaphore, #tpu.memory_space<semaphore_mem>>) {add = true}
        %dma_wait3A_73 = arith.constant 0 : i32
        %dma_wait3A_74 = tpu.memref_slice %arg8[%scan3A_56, %dma_wait3A_73] : memref<24x128xi32, #tpu.memory_space<vmem>> -> memref<1x128xi32, #tpu.memory_space<vmem>>
        %dma_wait3A_75 = tpu.memref_squeeze %dma_wait3A_74 : memref<1x128xi32, #tpu.memory_space<vmem>> -> memref<128xi32, #tpu.memory_space<vmem>>
        %dma_wait3A_76 = arith.constant 0 : i32
        %dma_wait3A_77 = arith.constant 0 : i32
        %dma_wait3A_78 = tpu.memref_slice %arg11[%dma_wait3A_76, %dma_wait3A_77] : memref<2688x128xf32, #tpu.memory_space<vmem_shared>> -> memref<2688x128xf32, #tpu.memory_space<vmem_shared>>
        tpu.wait_indirect_dma semaphore(%run_scoped3A : memref<!tpu.dma_semaphore, #tpu.memory_space<semaphore_mem>>) src(%arg9 : memref<128x128xf32, #tpu.memory_space<vmem>>) dst(%dma_wait3A_78 : memref<2688x128xf32, #tpu.memory_space<vmem_shared>>)
        tpu.yield
      }) : () -> ()
    }
    %scan3A_13 = arith.constant 24 : i32
    %mul3A_14 = arith.constant 2 : i32
    %mul3A_15 = arith.muli %mul3A_14, %arg1 : i32
    %add3A_16 = arith.constant 1 : i32
    %add3A_17 = arith.addi %mul3A_15, %add3A_16 : i32
    "tpu.region"() ({
      %run_scoped3A = tpu.sem_alloc : memref<!tpu.dma_semaphore, #tpu.memory_space<semaphore_mem>>
      %dma_start3A = arith.constant 0 : i32
      %dma_start3A_56 = arith.constant 0 : i32
      %dma_start3A_57 = tpu.memref_slice %arg3[%add3A_17, %add3A_3, %dma_start3A, %dma_start3A_56] : memref<32x4x24x128xi32, #tpu.memory_space<hbm>> -> memref<1x1x24x128xi32, #tpu.memory_space<hbm>>
      %dma_start3A_58 = tpu.memref_squeeze %dma_start3A_57 : memref<1x1x24x128xi32, #tpu.memory_space<hbm>> -> memref<24x128xi32, #tpu.memory_space<hbm>>
      %dma_start3A_59 = arith.constant 0 : i32
      %dma_start3A_60 = arith.constant 0 : i32
      %dma_start3A_61 = tpu.memref_slice %arg3[%add3A_17, %add3A_3, %dma_start3A_59, %dma_start3A_60] : memref<32x4x24x128xi32, #tpu.memory_space<hbm>> -> memref<1x1x24x128xi32, #tpu.memory_space<hbm>>
      %dma_start3A_62 = tpu.memref_squeeze %dma_start3A_61 : memref<1x1x24x128xi32, #tpu.memory_space<hbm>> -> memref<24x128xi32, #tpu.memory_space<hbm>>
      tpu.enqueue_dma source(%dma_start3A_62 : memref<24x128xi32, #tpu.memory_space<hbm>>) target(%arg7 : memref<24x128xi32, #tpu.memory_space<vmem>>) target_semaphore(%run_scoped3A : memref<!tpu.dma_semaphore, #tpu.memory_space<semaphore_mem>>)
      %dma_wait3A = arith.constant 0 : i32
      %dma_wait3A_63 = arith.constant 0 : i32
      %dma_wait3A_64 = tpu.memref_slice %arg3[%add3A_17, %add3A_3, %dma_wait3A, %dma_wait3A_63] : memref<32x4x24x128xi32, #tpu.memory_space<hbm>> -> memref<1x1x24x128xi32, #tpu.memory_space<hbm>>
      %dma_wait3A_65 = tpu.memref_squeeze %dma_wait3A_64 : memref<1x1x24x128xi32, #tpu.memory_space<hbm>> -> memref<24x128xi32, #tpu.memory_space<hbm>>
      %dma_wait3A_66 = arith.constant 0 : i32
      %dma_wait3A_67 = arith.constant 0 : i32
      %dma_wait3A_68 = tpu.memref_slice %arg3[%add3A_17, %add3A_3, %dma_wait3A_66, %dma_wait3A_67] : memref<32x4x24x128xi32, #tpu.memory_space<hbm>> -> memref<1x1x24x128xi32, #tpu.memory_space<hbm>>
      %dma_wait3A_69 = tpu.memref_squeeze %dma_wait3A_68 : memref<1x1x24x128xi32, #tpu.memory_space<hbm>> -> memref<24x128xi32, #tpu.memory_space<hbm>>
      tpu.wait_dma2 semaphore(%run_scoped3A : memref<!tpu.dma_semaphore, #tpu.memory_space<semaphore_mem>>) src(%dma_wait3A_69 : memref<24x128xi32, #tpu.memory_space<hbm>>) dst(%arg7 : memref<24x128xi32, #tpu.memory_space<vmem>>)
      tpu.yield
    }) : () -> ()
    "tpu.region"() ({
      %run_scoped3A = tpu.sem_alloc : memref<!tpu.dma_semaphore, #tpu.memory_space<semaphore_mem>>
      %dma_start3A = arith.constant 0 : i32
      %dma_start3A_56 = arith.constant 0 : i32
      %dma_start3A_57 = tpu.memref_slice %arg4[%add3A_17, %add3A_3, %dma_start3A, %dma_start3A_56] : memref<32x4x24x128xi32, #tpu.memory_space<hbm>> -> memref<1x1x24x128xi32, #tpu.memory_space<hbm>>
      %dma_start3A_58 = tpu.memref_squeeze %dma_start3A_57 : memref<1x1x24x128xi32, #tpu.memory_space<hbm>> -> memref<24x128xi32, #tpu.memory_space<hbm>>
      %dma_start3A_59 = arith.constant 0 : i32
      %dma_start3A_60 = arith.constant 0 : i32
      %dma_start3A_61 = tpu.memref_slice %arg4[%add3A_17, %add3A_3, %dma_start3A_59, %dma_start3A_60] : memref<32x4x24x128xi32, #tpu.memory_space<hbm>> -> memref<1x1x24x128xi32, #tpu.memory_space<hbm>>
      %dma_start3A_62 = tpu.memref_squeeze %dma_start3A_61 : memref<1x1x24x128xi32, #tpu.memory_space<hbm>> -> memref<24x128xi32, #tpu.memory_space<hbm>>
      tpu.enqueue_dma source(%dma_start3A_62 : memref<24x128xi32, #tpu.memory_space<hbm>>) target(%arg8 : memref<24x128xi32, #tpu.memory_space<vmem>>) target_semaphore(%run_scoped3A : memref<!tpu.dma_semaphore, #tpu.memory_space<semaphore_mem>>)
      %dma_wait3A = arith.constant 0 : i32
      %dma_wait3A_63 = arith.constant 0 : i32
      %dma_wait3A_64 = tpu.memref_slice %arg4[%add3A_17, %add3A_3, %dma_wait3A, %dma_wait3A_63] : memref<32x4x24x128xi32, #tpu.memory_space<hbm>> -> memref<1x1x24x128xi32, #tpu.memory_space<hbm>>
      %dma_wait3A_65 = tpu.memref_squeeze %dma_wait3A_64 : memref<1x1x24x128xi32, #tpu.memory_space<hbm>> -> memref<24x128xi32, #tpu.memory_space<hbm>>
      %dma_wait3A_66 = arith.constant 0 : i32
      %dma_wait3A_67 = arith.constant 0 : i32
      %dma_wait3A_68 = tpu.memref_slice %arg4[%add3A_17, %add3A_3, %dma_wait3A_66, %dma_wait3A_67] : memref<32x4x24x128xi32, #tpu.memory_space<hbm>> -> memref<1x1x24x128xi32, #tpu.memory_space<hbm>>
      %dma_wait3A_69 = tpu.memref_squeeze %dma_wait3A_68 : memref<1x1x24x128xi32, #tpu.memory_space<hbm>> -> memref<24x128xi32, #tpu.memory_space<hbm>>
      tpu.wait_dma2 semaphore(%run_scoped3A : memref<!tpu.dma_semaphore, #tpu.memory_space<semaphore_mem>>) src(%dma_wait3A_69 : memref<24x128xi32, #tpu.memory_space<hbm>>) dst(%arg8 : memref<24x128xi32, #tpu.memory_space<vmem>>)
      tpu.yield
    }) : () -> ()
    %scan3A_18 = arith.constant 0 : i32
    %scan3A_19 = arith.constant 24 : i32
    %scan3A_20 = arith.addi %scan3A_18, %scan3A_19 : i32
    %scan3A_21 = arith.constant 1 : i32
    scf.for %scan3A_56 = %scan3A_18 to %scan3A_20 step %scan3A_21  : i32 {
      %dma_start3A = arith.constant 0 : i32
      %dma_start3A_57 = tpu.memref_slice %arg7[%scan3A_56, %dma_start3A] : memref<24x128xi32, #tpu.memory_space<vmem>> -> memref<1x128xi32, #tpu.memory_space<vmem>>
      %dma_start3A_58 = tpu.memref_squeeze %dma_start3A_57 : memref<1x128xi32, #tpu.memory_space<vmem>> -> memref<128xi32, #tpu.memory_space<vmem>>
      %dma_start3A_59 = arith.constant 0 : i32
      %dma_start3A_60 = arith.constant 0 : i32
      %dma_start3A_61 = tpu.memref_slice %arg10[%dma_start3A_59, %dma_start3A_60] : memref<10112x128xf32, #tpu.memory_space<vmem_shared>> -> memref<10112x128xf32, #tpu.memory_space<vmem_shared>>
      tpu.enqueue_indirect_dma source(%dma_start3A_61 : memref<10112x128xf32, #tpu.memory_space<vmem_shared>>) target(%arg9 : memref<128x128xf32, #tpu.memory_space<vmem>>) offsets(%dma_start3A_58 : memref<128xi32, #tpu.memory_space<vmem>>) semaphore(%arg12 : memref<!tpu.dma_semaphore, #tpu.memory_space<semaphore_mem>>)
      %dma_wait3A = arith.constant 0 : i32
      %dma_wait3A_62 = tpu.memref_slice %arg7[%scan3A_56, %dma_wait3A] : memref<24x128xi32, #tpu.memory_space<vmem>> -> memref<1x128xi32, #tpu.memory_space<vmem>>
      %dma_wait3A_63 = tpu.memref_squeeze %dma_wait3A_62 : memref<1x128xi32, #tpu.memory_space<vmem>> -> memref<128xi32, #tpu.memory_space<vmem>>
      %dma_wait3A_64 = arith.constant 0 : i32
      %dma_wait3A_65 = arith.constant 0 : i32
      %dma_wait3A_66 = tpu.memref_slice %arg10[%dma_wait3A_64, %dma_wait3A_65] : memref<10112x128xf32, #tpu.memory_space<vmem_shared>> -> memref<10112x128xf32, #tpu.memory_space<vmem_shared>>
      tpu.wait_indirect_dma semaphore(%arg12 : memref<!tpu.dma_semaphore, #tpu.memory_space<semaphore_mem>>) src(%dma_wait3A_66 : memref<10112x128xf32, #tpu.memory_space<vmem_shared>>) dst(%arg9 : memref<128x128xf32, #tpu.memory_space<vmem>>)
      "tpu.region"() ({
        %run_scoped3A = tpu.sem_alloc : memref<!tpu.dma_semaphore, #tpu.memory_space<semaphore_mem>>
        %dma_start3A_67 = arith.constant 0 : i32
        %dma_start3A_68 = tpu.memref_slice %arg8[%scan3A_56, %dma_start3A_67] : memref<24x128xi32, #tpu.memory_space<vmem>> -> memref<1x128xi32, #tpu.memory_space<vmem>>
        %dma_start3A_69 = tpu.memref_squeeze %dma_start3A_68 : memref<1x128xi32, #tpu.memory_space<vmem>> -> memref<128xi32, #tpu.memory_space<vmem>>
        %dma_start3A_70 = arith.constant 0 : i32
        %dma_start3A_71 = arith.constant 0 : i32
        %dma_start3A_72 = tpu.memref_slice %arg11[%dma_start3A_70, %dma_start3A_71] : memref<2688x128xf32, #tpu.memory_space<vmem_shared>> -> memref<2688x128xf32, #tpu.memory_space<vmem_shared>>
        tpu.enqueue_indirect_dma source(%arg9 : memref<128x128xf32, #tpu.memory_space<vmem>>) target(%dma_start3A_72 : memref<2688x128xf32, #tpu.memory_space<vmem_shared>>) offsets(%dma_start3A_69 : memref<128xi32, #tpu.memory_space<vmem>>) semaphore(%run_scoped3A : memref<!tpu.dma_semaphore, #tpu.memory_space<semaphore_mem>>) {add = true}
        %dma_wait3A_73 = arith.constant 0 : i32
        %dma_wait3A_74 = tpu.memref_slice %arg8[%scan3A_56, %dma_wait3A_73] : memref<24x128xi32, #tpu.memory_space<vmem>> -> memref<1x128xi32, #tpu.memory_space<vmem>>
        %dma_wait3A_75 = tpu.memref_squeeze %dma_wait3A_74 : memref<1x128xi32, #tpu.memory_space<vmem>> -> memref<128xi32, #tpu.memory_space<vmem>>
        %dma_wait3A_76 = arith.constant 0 : i32
        %dma_wait3A_77 = arith.constant 0 : i32
        %dma_wait3A_78 = tpu.memref_slice %arg11[%dma_wait3A_76, %dma_wait3A_77] : memref<2688x128xf32, #tpu.memory_space<vmem_shared>> -> memref<2688x128xf32, #tpu.memory_space<vmem_shared>>
        tpu.wait_indirect_dma semaphore(%run_scoped3A : memref<!tpu.dma_semaphore, #tpu.memory_space<semaphore_mem>>) src(%arg9 : memref<128x128xf32, #tpu.memory_space<vmem>>) dst(%dma_wait3A_78 : memref<2688x128xf32, #tpu.memory_space<vmem_shared>>)
        tpu.yield
      }) : () -> ()
    }
    %scan3A_22 = arith.constant 24 : i32
    %barrier3A_23 = arith.constant 0 : index
    tpu.barrier barrier_id(%barrier3A_23)
    %mul3A_24 = arith.constant 160 : i32
    %mul3A_25 = arith.muli %arg1, %mul3A_24 : i32
    "tpu.region"() ({
      %run_scoped3A = tpu.sem_alloc : memref<!tpu.dma_semaphore, #tpu.memory_space<semaphore_mem>>
      %dma_start3A = arith.constant 0 : i32
      %dma_start3A_56 = tpu.memref_slice %arg6[%add3A_3, %mul3A_25, %dma_start3A] : memref<4x2560x128xf32, #tpu.memory_space<hbm>> -> memref<1x160x128xf32, #tpu.memory_space<hbm>>
      %dma_start3A_57 = tpu.memref_squeeze %dma_start3A_56 : memref<1x160x128xf32, #tpu.memory_space<hbm>> -> memref<160x128xf32, #tpu.memory_space<hbm>>
      %dma_start3A_58 = arith.constant 0 : i32
      %dma_start3A_59 = tpu.memref_slice %arg11[%mul3A_25, %dma_start3A_58] : memref<2688x128xf32, #tpu.memory_space<vmem_shared>> -> memref<160x128xf32, #tpu.memory_space<vmem_shared>>
      tpu.enqueue_dma source(%dma_start3A_59 : memref<160x128xf32, #tpu.memory_space<vmem_shared>>) target(%dma_start3A_57 : memref<160x128xf32, #tpu.memory_space<hbm>>) target_semaphore(%run_scoped3A : memref<!tpu.dma_semaphore, #tpu.memory_space<semaphore_mem>>)
      %dma_wait3A = arith.constant 0 : i32
      %dma_wait3A_60 = tpu.memref_slice %arg6[%add3A_3, %mul3A_25, %dma_wait3A] : memref<4x2560x128xf32, #tpu.memory_space<hbm>> -> memref<1x160x128xf32, #tpu.memory_space<hbm>>
      %dma_wait3A_61 = tpu.memref_squeeze %dma_wait3A_60 : memref<1x160x128xf32, #tpu.memory_space<hbm>> -> memref<160x128xf32, #tpu.memory_space<hbm>>
      %dma_wait3A_62 = arith.constant 0 : i32
      %dma_wait3A_63 = tpu.memref_slice %arg11[%mul3A_25, %dma_wait3A_62] : memref<2688x128xf32, #tpu.memory_space<vmem_shared>> -> memref<160x128xf32, #tpu.memory_space<vmem_shared>>
      tpu.wait_dma2 semaphore(%run_scoped3A : memref<!tpu.dma_semaphore, #tpu.memory_space<semaphore_mem>>) src(%dma_wait3A_63 : memref<160x128xf32, #tpu.memory_space<vmem_shared>>) dst(%dma_wait3A_61 : memref<160x128xf32, #tpu.memory_space<hbm>>)
      tpu.yield
    }) : () -> ()
    %barrier3A_26 = arith.constant 0 : index
    tpu.barrier barrier_id(%barrier3A_26)
    %mul3A_27 = arith.constant 2 : i32
    %mul3A_28 = arith.muli %mul3A_27, %arg0 : i32
    %add3A_29 = arith.constant 1 : i32
    %add3A_30 = arith.addi %mul3A_28, %add3A_29 : i32
    %mul3A_31 = arith.constant 168 : i32
    %mul3A_32 = arith.muli %arg1, %mul3A_31 : i32
    "tpu.region"() ({
      %run_scoped3A = tpu.sem_alloc : memref<!tpu.dma_semaphore, #tpu.memory_space<semaphore_mem>>
      %dma_start3A = arith.constant 0 : i32
      %dma_start3A_56 = tpu.memref_slice %arg11[%mul3A_32, %dma_start3A] : memref<2688x128xf32, #tpu.memory_space<vmem_shared>> -> memref<168x128xf32, #tpu.memory_space<vmem_shared>>
      %dma_start3A_57 = arith.constant 0 : i32
      %dma_start3A_58 = tpu.memref_slice %arg5[%mul3A_32, %dma_start3A_57] : memref<2688x128xf32, #tpu.memory_space<hbm>> -> memref<168x128xf32, #tpu.memory_space<hbm>>
      tpu.enqueue_dma source(%dma_start3A_58 : memref<168x128xf32, #tpu.memory_space<hbm>>) target(%dma_start3A_56 : memref<168x128xf32, #tpu.memory_space<vmem_shared>>) target_semaphore(%run_scoped3A : memref<!tpu.dma_semaphore, #tpu.memory_space<semaphore_mem>>)
      %dma_wait3A = arith.constant 0 : i32
      %dma_wait3A_59 = tpu.memref_slice %arg11[%mul3A_32, %dma_wait3A] : memref<2688x128xf32, #tpu.memory_space<vmem_shared>> -> memref<168x128xf32, #tpu.memory_space<vmem_shared>>
      %dma_wait3A_60 = arith.constant 0 : i32
      %dma_wait3A_61 = tpu.memref_slice %arg5[%mul3A_32, %dma_wait3A_60] : memref<2688x128xf32, #tpu.memory_space<hbm>> -> memref<168x128xf32, #tpu.memory_space<hbm>>
      tpu.wait_dma2 semaphore(%run_scoped3A : memref<!tpu.dma_semaphore, #tpu.memory_space<semaphore_mem>>) src(%dma_wait3A_61 : memref<168x128xf32, #tpu.memory_space<hbm>>) dst(%dma_wait3A_59 : memref<168x128xf32, #tpu.memory_space<vmem_shared>>)
      tpu.yield
    }) : () -> ()
    %barrier3A_33 = arith.constant 0 : index
    tpu.barrier barrier_id(%barrier3A_33)
    %mul3A_34 = arith.constant 2 : i32
    %mul3A_35 = arith.muli %mul3A_34, %arg1 : i32
    %add3A_36 = arith.constant 0 : i32
    %add3A_37 = arith.addi %mul3A_35, %add3A_36 : i32
    "tpu.region"() ({
      %run_scoped3A = tpu.sem_alloc : memref<!tpu.dma_semaphore, #tpu.memory_space<semaphore_mem>>
      %dma_start3A = arith.constant 0 : i32
      %dma_start3A_56 = arith.constant 0 : i32
      %dma_start3A_57 = tpu.memref_slice %arg3[%add3A_37, %add3A_30, %dma_start3A, %dma_start3A_56] : memref<32x4x24x128xi32, #tpu.memory_space<hbm>> -> memref<1x1x24x128xi32, #tpu.memory_space<hbm>>
      %dma_start3A_58 = tpu.memref_squeeze %dma_start3A_57 : memref<1x1x24x128xi32, #tpu.memory_space<hbm>> -> memref<24x128xi32, #tpu.memory_space<hbm>>
      %dma_start3A_59 = arith.constant 0 : i32
      %dma_start3A_60 = arith.constant 0 : i32
      %dma_start3A_61 = tpu.memref_slice %arg3[%add3A_37, %add3A_30, %dma_start3A_59, %dma_start3A_60] : memref<32x4x24x128xi32, #tpu.memory_space<hbm>> -> memref<1x1x24x128xi32, #tpu.memory_space<hbm>>
      %dma_start3A_62 = tpu.memref_squeeze %dma_start3A_61 : memref<1x1x24x128xi32, #tpu.memory_space<hbm>> -> memref<24x128xi32, #tpu.memory_space<hbm>>
      tpu.enqueue_dma source(%dma_start3A_62 : memref<24x128xi32, #tpu.memory_space<hbm>>) target(%arg7 : memref<24x128xi32, #tpu.memory_space<vmem>>) target_semaphore(%run_scoped3A : memref<!tpu.dma_semaphore, #tpu.memory_space<semaphore_mem>>)
      %dma_wait3A = arith.constant 0 : i32
      %dma_wait3A_63 = arith.constant 0 : i32
      %dma_wait3A_64 = tpu.memref_slice %arg3[%add3A_37, %add3A_30, %dma_wait3A, %dma_wait3A_63] : memref<32x4x24x128xi32, #tpu.memory_space<hbm>> -> memref<1x1x24x128xi32, #tpu.memory_space<hbm>>
      %dma_wait3A_65 = tpu.memref_squeeze %dma_wait3A_64 : memref<1x1x24x128xi32, #tpu.memory_space<hbm>> -> memref<24x128xi32, #tpu.memory_space<hbm>>
      %dma_wait3A_66 = arith.constant 0 : i32
      %dma_wait3A_67 = arith.constant 0 : i32
      %dma_wait3A_68 = tpu.memref_slice %arg3[%add3A_37, %add3A_30, %dma_wait3A_66, %dma_wait3A_67] : memref<32x4x24x128xi32, #tpu.memory_space<hbm>> -> memref<1x1x24x128xi32, #tpu.memory_space<hbm>>
      %dma_wait3A_69 = tpu.memref_squeeze %dma_wait3A_68 : memref<1x1x24x128xi32, #tpu.memory_space<hbm>> -> memref<24x128xi32, #tpu.memory_space<hbm>>
      tpu.wait_dma2 semaphore(%run_scoped3A : memref<!tpu.dma_semaphore, #tpu.memory_space<semaphore_mem>>) src(%dma_wait3A_69 : memref<24x128xi32, #tpu.memory_space<hbm>>) dst(%arg7 : memref<24x128xi32, #tpu.memory_space<vmem>>)
      tpu.yield
    }) : () -> ()
    "tpu.region"() ({
      %run_scoped3A = tpu.sem_alloc : memref<!tpu.dma_semaphore, #tpu.memory_space<semaphore_mem>>
      %dma_start3A = arith.constant 0 : i32
      %dma_start3A_56 = arith.constant 0 : i32
      %dma_start3A_57 = tpu.memref_slice %arg4[%add3A_37, %add3A_30, %dma_start3A, %dma_start3A_56] : memref<32x4x24x128xi32, #tpu.memory_space<hbm>> -> memref<1x1x24x128xi32, #tpu.memory_space<hbm>>
      %dma_start3A_58 = tpu.memref_squeeze %dma_start3A_57 : memref<1x1x24x128xi32, #tpu.memory_space<hbm>> -> memref<24x128xi32, #tpu.memory_space<hbm>>
      %dma_start3A_59 = arith.constant 0 : i32
      %dma_start3A_60 = arith.constant 0 : i32
      %dma_start3A_61 = tpu.memref_slice %arg4[%add3A_37, %add3A_30, %dma_start3A_59, %dma_start3A_60] : memref<32x4x24x128xi32, #tpu.memory_space<hbm>> -> memref<1x1x24x128xi32, #tpu.memory_space<hbm>>
      %dma_start3A_62 = tpu.memref_squeeze %dma_start3A_61 : memref<1x1x24x128xi32, #tpu.memory_space<hbm>> -> memref<24x128xi32, #tpu.memory_space<hbm>>
      tpu.enqueue_dma source(%dma_start3A_62 : memref<24x128xi32, #tpu.memory_space<hbm>>) target(%arg8 : memref<24x128xi32, #tpu.memory_space<vmem>>) target_semaphore(%run_scoped3A : memref<!tpu.dma_semaphore, #tpu.memory_space<semaphore_mem>>)
      %dma_wait3A = arith.constant 0 : i32
      %dma_wait3A_63 = arith.constant 0 : i32
      %dma_wait3A_64 = tpu.memref_slice %arg4[%add3A_37, %add3A_30, %dma_wait3A, %dma_wait3A_63] : memref<32x4x24x128xi32, #tpu.memory_space<hbm>> -> memref<1x1x24x128xi32, #tpu.memory_space<hbm>>
      %dma_wait3A_65 = tpu.memref_squeeze %dma_wait3A_64 : memref<1x1x24x128xi32, #tpu.memory_space<hbm>> -> memref<24x128xi32, #tpu.memory_space<hbm>>
      %dma_wait3A_66 = arith.constant 0 : i32
      %dma_wait3A_67 = arith.constant 0 : i32
      %dma_wait3A_68 = tpu.memref_slice %arg4[%add3A_37, %add3A_30, %dma_wait3A_66, %dma_wait3A_67] : memref<32x4x24x128xi32, #tpu.memory_space<hbm>> -> memref<1x1x24x128xi32, #tpu.memory_space<hbm>>
      %dma_wait3A_69 = tpu.memref_squeeze %dma_wait3A_68 : memref<1x1x24x128xi32, #tpu.memory_space<hbm>> -> memref<24x128xi32, #tpu.memory_space<hbm>>
      tpu.wait_dma2 semaphore(%run_scoped3A : memref<!tpu.dma_semaphore, #tpu.memory_space<semaphore_mem>>) src(%dma_wait3A_69 : memref<24x128xi32, #tpu.memory_space<hbm>>) dst(%arg8 : memref<24x128xi32, #tpu.memory_space<vmem>>)
      tpu.yield
    }) : () -> ()
    %scan3A_38 = arith.constant 0 : i32
    %scan3A_39 = arith.constant 24 : i32
    %scan3A_40 = arith.addi %scan3A_38, %scan3A_39 : i32
    %scan3A_41 = arith.constant 1 : i32
    scf.for %scan3A_56 = %scan3A_38 to %scan3A_40 step %scan3A_41  : i32 {
      %dma_start3A = arith.constant 0 : i32
      %dma_start3A_57 = tpu.memref_slice %arg7[%scan3A_56, %dma_start3A] : memref<24x128xi32, #tpu.memory_space<vmem>> -> memref<1x128xi32, #tpu.memory_space<vmem>>
      %dma_start3A_58 = tpu.memref_squeeze %dma_start3A_57 : memref<1x128xi32, #tpu.memory_space<vmem>> -> memref<128xi32, #tpu.memory_space<vmem>>
      %dma_start3A_59 = arith.constant 0 : i32
      %dma_start3A_60 = arith.constant 0 : i32
      %dma_start3A_61 = tpu.memref_slice %arg10[%dma_start3A_59, %dma_start3A_60] : memref<10112x128xf32, #tpu.memory_space<vmem_shared>> -> memref<10112x128xf32, #tpu.memory_space<vmem_shared>>
      tpu.enqueue_indirect_dma source(%dma_start3A_61 : memref<10112x128xf32, #tpu.memory_space<vmem_shared>>) target(%arg9 : memref<128x128xf32, #tpu.memory_space<vmem>>) offsets(%dma_start3A_58 : memref<128xi32, #tpu.memory_space<vmem>>) semaphore(%arg12 : memref<!tpu.dma_semaphore, #tpu.memory_space<semaphore_mem>>)
      %dma_wait3A = arith.constant 0 : i32
      %dma_wait3A_62 = tpu.memref_slice %arg7[%scan3A_56, %dma_wait3A] : memref<24x128xi32, #tpu.memory_space<vmem>> -> memref<1x128xi32, #tpu.memory_space<vmem>>
      %dma_wait3A_63 = tpu.memref_squeeze %dma_wait3A_62 : memref<1x128xi32, #tpu.memory_space<vmem>> -> memref<128xi32, #tpu.memory_space<vmem>>
      %dma_wait3A_64 = arith.constant 0 : i32
      %dma_wait3A_65 = arith.constant 0 : i32
      %dma_wait3A_66 = tpu.memref_slice %arg10[%dma_wait3A_64, %dma_wait3A_65] : memref<10112x128xf32, #tpu.memory_space<vmem_shared>> -> memref<10112x128xf32, #tpu.memory_space<vmem_shared>>
      tpu.wait_indirect_dma semaphore(%arg12 : memref<!tpu.dma_semaphore, #tpu.memory_space<semaphore_mem>>) src(%dma_wait3A_66 : memref<10112x128xf32, #tpu.memory_space<vmem_shared>>) dst(%arg9 : memref<128x128xf32, #tpu.memory_space<vmem>>)
      "tpu.region"() ({
        %run_scoped3A = tpu.sem_alloc : memref<!tpu.dma_semaphore, #tpu.memory_space<semaphore_mem>>
        %dma_start3A_67 = arith.constant 0 : i32
        %dma_start3A_68 = tpu.memref_slice %arg8[%scan3A_56, %dma_start3A_67] : memref<24x128xi32, #tpu.memory_space<vmem>> -> memref<1x128xi32, #tpu.memory_space<vmem>>
        %dma_start3A_69 = tpu.memref_squeeze %dma_start3A_68 : memref<1x128xi32, #tpu.memory_space<vmem>> -> memref<128xi32, #tpu.memory_space<vmem>>
        %dma_start3A_70 = arith.constant 0 : i32
        %dma_start3A_71 = arith.constant 0 : i32
        %dma_start3A_72 = tpu.memref_slice %arg11[%dma_start3A_70, %dma_start3A_71] : memref<2688x128xf32, #tpu.memory_space<vmem_shared>> -> memref<2688x128xf32, #tpu.memory_space<vmem_shared>>
        tpu.enqueue_indirect_dma source(%arg9 : memref<128x128xf32, #tpu.memory_space<vmem>>) target(%dma_start3A_72 : memref<2688x128xf32, #tpu.memory_space<vmem_shared>>) offsets(%dma_start3A_69 : memref<128xi32, #tpu.memory_space<vmem>>) semaphore(%run_scoped3A : memref<!tpu.dma_semaphore, #tpu.memory_space<semaphore_mem>>) {add = true}
        %dma_wait3A_73 = arith.constant 0 : i32
        %dma_wait3A_74 = tpu.memref_slice %arg8[%scan3A_56, %dma_wait3A_73] : memref<24x128xi32, #tpu.memory_space<vmem>> -> memref<1x128xi32, #tpu.memory_space<vmem>>
        %dma_wait3A_75 = tpu.memref_squeeze %dma_wait3A_74 : memref<1x128xi32, #tpu.memory_space<vmem>> -> memref<128xi32, #tpu.memory_space<vmem>>
        %dma_wait3A_76 = arith.constant 0 : i32
        %dma_wait3A_77 = arith.constant 0 : i32
        %dma_wait3A_78 = tpu.memref_slice %arg11[%dma_wait3A_76, %dma_wait3A_77] : memref<2688x128xf32, #tpu.memory_space<vmem_shared>> -> memref<2688x128xf32, #tpu.memory_space<vmem_shared>>
        tpu.wait_indirect_dma semaphore(%run_scoped3A : memref<!tpu.dma_semaphore, #tpu.memory_space<semaphore_mem>>) src(%arg9 : memref<128x128xf32, #tpu.memory_space<vmem>>) dst(%dma_wait3A_78 : memref<2688x128xf32, #tpu.memory_space<vmem_shared>>)
        tpu.yield
      }) : () -> ()
    }
    %scan3A_42 = arith.constant 24 : i32
    %mul3A_43 = arith.constant 2 : i32
    %mul3A_44 = arith.muli %mul3A_43, %arg1 : i32
    %add3A_45 = arith.constant 1 : i32
    %add3A_46 = arith.addi %mul3A_44, %add3A_45 : i32
    "tpu.region"() ({
      %run_scoped3A = tpu.sem_alloc : memref<!tpu.dma_semaphore, #tpu.memory_space<semaphore_mem>>
      %dma_start3A = arith.constant 0 : i32
      %dma_start3A_56 = arith.constant 0 : i32
      %dma_start3A_57 = tpu.memref_slice %arg3[%add3A_46, %add3A_30, %dma_start3A, %dma_start3A_56] : memref<32x4x24x128xi32, #tpu.memory_space<hbm>> -> memref<1x1x24x128xi32, #tpu.memory_space<hbm>>
      %dma_start3A_58 = tpu.memref_squeeze %dma_start3A_57 : memref<1x1x24x128xi32, #tpu.memory_space<hbm>> -> memref<24x128xi32, #tpu.memory_space<hbm>>
      %dma_start3A_59 = arith.constant 0 : i32
      %dma_start3A_60 = arith.constant 0 : i32
      %dma_start3A_61 = tpu.memref_slice %arg3[%add3A_46, %add3A_30, %dma_start3A_59, %dma_start3A_60] : memref<32x4x24x128xi32, #tpu.memory_space<hbm>> -> memref<1x1x24x128xi32, #tpu.memory_space<hbm>>
      %dma_start3A_62 = tpu.memref_squeeze %dma_start3A_61 : memref<1x1x24x128xi32, #tpu.memory_space<hbm>> -> memref<24x128xi32, #tpu.memory_space<hbm>>
      tpu.enqueue_dma source(%dma_start3A_62 : memref<24x128xi32, #tpu.memory_space<hbm>>) target(%arg7 : memref<24x128xi32, #tpu.memory_space<vmem>>) target_semaphore(%run_scoped3A : memref<!tpu.dma_semaphore, #tpu.memory_space<semaphore_mem>>)
      %dma_wait3A = arith.constant 0 : i32
      %dma_wait3A_63 = arith.constant 0 : i32
      %dma_wait3A_64 = tpu.memref_slice %arg3[%add3A_46, %add3A_30, %dma_wait3A, %dma_wait3A_63] : memref<32x4x24x128xi32, #tpu.memory_space<hbm>> -> memref<1x1x24x128xi32, #tpu.memory_space<hbm>>
      %dma_wait3A_65 = tpu.memref_squeeze %dma_wait3A_64 : memref<1x1x24x128xi32, #tpu.memory_space<hbm>> -> memref<24x128xi32, #tpu.memory_space<hbm>>
      %dma_wait3A_66 = arith.constant 0 : i32
      %dma_wait3A_67 = arith.constant 0 : i32
      %dma_wait3A_68 = tpu.memref_slice %arg3[%add3A_46, %add3A_30, %dma_wait3A_66, %dma_wait3A_67] : memref<32x4x24x128xi32, #tpu.memory_space<hbm>> -> memref<1x1x24x128xi32, #tpu.memory_space<hbm>>
      %dma_wait3A_69 = tpu.memref_squeeze %dma_wait3A_68 : memref<1x1x24x128xi32, #tpu.memory_space<hbm>> -> memref<24x128xi32, #tpu.memory_space<hbm>>
      tpu.wait_dma2 semaphore(%run_scoped3A : memref<!tpu.dma_semaphore, #tpu.memory_space<semaphore_mem>>) src(%dma_wait3A_69 : memref<24x128xi32, #tpu.memory_space<hbm>>) dst(%arg7 : memref<24x128xi32, #tpu.memory_space<vmem>>)
      tpu.yield
    }) : () -> ()
    "tpu.region"() ({
      %run_scoped3A = tpu.sem_alloc : memref<!tpu.dma_semaphore, #tpu.memory_space<semaphore_mem>>
      %dma_start3A = arith.constant 0 : i32
      %dma_start3A_56 = arith.constant 0 : i32
      %dma_start3A_57 = tpu.memref_slice %arg4[%add3A_46, %add3A_30, %dma_start3A, %dma_start3A_56] : memref<32x4x24x128xi32, #tpu.memory_space<hbm>> -> memref<1x1x24x128xi32, #tpu.memory_space<hbm>>
      %dma_start3A_58 = tpu.memref_squeeze %dma_start3A_57 : memref<1x1x24x128xi32, #tpu.memory_space<hbm>> -> memref<24x128xi32, #tpu.memory_space<hbm>>
      %dma_start3A_59 = arith.constant 0 : i32
      %dma_start3A_60 = arith.constant 0 : i32
      %dma_start3A_61 = tpu.memref_slice %arg4[%add3A_46, %add3A_30, %dma_start3A_59, %dma_start3A_60] : memref<32x4x24x128xi32, #tpu.memory_space<hbm>> -> memref<1x1x24x128xi32, #tpu.memory_space<hbm>>
      %dma_start3A_62 = tpu.memref_squeeze %dma_start3A_61 : memref<1x1x24x128xi32, #tpu.memory_space<hbm>> -> memref<24x128xi32, #tpu.memory_space<hbm>>
      tpu.enqueue_dma source(%dma_start3A_62 : memref<24x128xi32, #tpu.memory_space<hbm>>) target(%arg8 : memref<24x128xi32, #tpu.memory_space<vmem>>) target_semaphore(%run_scoped3A : memref<!tpu.dma_semaphore, #tpu.memory_space<semaphore_mem>>)
      %dma_wait3A = arith.constant 0 : i32
      %dma_wait3A_63 = arith.constant 0 : i32
      %dma_wait3A_64 = tpu.memref_slice %arg4[%add3A_46, %add3A_30, %dma_wait3A, %dma_wait3A_63] : memref<32x4x24x128xi32, #tpu.memory_space<hbm>> -> memref<1x1x24x128xi32, #tpu.memory_space<hbm>>
      %dma_wait3A_65 = tpu.memref_squeeze %dma_wait3A_64 : memref<1x1x24x128xi32, #tpu.memory_space<hbm>> -> memref<24x128xi32, #tpu.memory_space<hbm>>
      %dma_wait3A_66 = arith.constant 0 : i32
      %dma_wait3A_67 = arith.constant 0 : i32
      %dma_wait3A_68 = tpu.memref_slice %arg4[%add3A_46, %add3A_30, %dma_wait3A_66, %dma_wait3A_67] : memref<32x4x24x128xi32, #tpu.memory_space<hbm>> -> memref<1x1x24x128xi32, #tpu.memory_space<hbm>>
      %dma_wait3A_69 = tpu.memref_squeeze %dma_wait3A_68 : memref<1x1x24x128xi32, #tpu.memory_space<hbm>> -> memref<24x128xi32, #tpu.memory_space<hbm>>
      tpu.wait_dma2 semaphore(%run_scoped3A : memref<!tpu.dma_semaphore, #tpu.memory_space<semaphore_mem>>) src(%dma_wait3A_69 : memref<24x128xi32, #tpu.memory_space<hbm>>) dst(%arg8 : memref<24x128xi32, #tpu.memory_space<vmem>>)
      tpu.yield
    }) : () -> ()
    %scan3A_47 = arith.constant 0 : i32
    %scan3A_48 = arith.constant 24 : i32
    %scan3A_49 = arith.addi %scan3A_47, %scan3A_48 : i32
    %scan3A_50 = arith.constant 1 : i32
    scf.for %scan3A_56 = %scan3A_47 to %scan3A_49 step %scan3A_50  : i32 {
      %dma_start3A = arith.constant 0 : i32
      %dma_start3A_57 = tpu.memref_slice %arg7[%scan3A_56, %dma_start3A] : memref<24x128xi32, #tpu.memory_space<vmem>> -> memref<1x128xi32, #tpu.memory_space<vmem>>
      %dma_start3A_58 = tpu.memref_squeeze %dma_start3A_57 : memref<1x128xi32, #tpu.memory_space<vmem>> -> memref<128xi32, #tpu.memory_space<vmem>>
      %dma_start3A_59 = arith.constant 0 : i32
      %dma_start3A_60 = arith.constant 0 : i32
      %dma_start3A_61 = tpu.memref_slice %arg10[%dma_start3A_59, %dma_start3A_60] : memref<10112x128xf32, #tpu.memory_space<vmem_shared>> -> memref<10112x128xf32, #tpu.memory_space<vmem_shared>>
      tpu.enqueue_indirect_dma source(%dma_start3A_61 : memref<10112x128xf32, #tpu.memory_space<vmem_shared>>) target(%arg9 : memref<128x128xf32, #tpu.memory_space<vmem>>) offsets(%dma_start3A_58 : memref<128xi32, #tpu.memory_space<vmem>>) semaphore(%arg12 : memref<!tpu.dma_semaphore, #tpu.memory_space<semaphore_mem>>)
      %dma_wait3A = arith.constant 0 : i32
      %dma_wait3A_62 = tpu.memref_slice %arg7[%scan3A_56, %dma_wait3A] : memref<24x128xi32, #tpu.memory_space<vmem>> -> memref<1x128xi32, #tpu.memory_space<vmem>>
      %dma_wait3A_63 = tpu.memref_squeeze %dma_wait3A_62 : memref<1x128xi32, #tpu.memory_space<vmem>> -> memref<128xi32, #tpu.memory_space<vmem>>
      %dma_wait3A_64 = arith.constant 0 : i32
      %dma_wait3A_65 = arith.constant 0 : i32
      %dma_wait3A_66 = tpu.memref_slice %arg10[%dma_wait3A_64, %dma_wait3A_65] : memref<10112x128xf32, #tpu.memory_space<vmem_shared>> -> memref<10112x128xf32, #tpu.memory_space<vmem_shared>>
      tpu.wait_indirect_dma semaphore(%arg12 : memref<!tpu.dma_semaphore, #tpu.memory_space<semaphore_mem>>) src(%dma_wait3A_66 : memref<10112x128xf32, #tpu.memory_space<vmem_shared>>) dst(%arg9 : memref<128x128xf32, #tpu.memory_space<vmem>>)
      "tpu.region"() ({
        %run_scoped3A = tpu.sem_alloc : memref<!tpu.dma_semaphore, #tpu.memory_space<semaphore_mem>>
        %dma_start3A_67 = arith.constant 0 : i32
        %dma_start3A_68 = tpu.memref_slice %arg8[%scan3A_56, %dma_start3A_67] : memref<24x128xi32, #tpu.memory_space<vmem>> -> memref<1x128xi32, #tpu.memory_space<vmem>>
        %dma_start3A_69 = tpu.memref_squeeze %dma_start3A_68 : memref<1x128xi32, #tpu.memory_space<vmem>> -> memref<128xi32, #tpu.memory_space<vmem>>
        %dma_start3A_70 = arith.constant 0 : i32
        %dma_start3A_71 = arith.constant 0 : i32
        %dma_start3A_72 = tpu.memref_slice %arg11[%dma_start3A_70, %dma_start3A_71] : memref<2688x128xf32, #tpu.memory_space<vmem_shared>> -> memref<2688x128xf32, #tpu.memory_space<vmem_shared>>
        tpu.enqueue_indirect_dma source(%arg9 : memref<128x128xf32, #tpu.memory_space<vmem>>) target(%dma_start3A_72 : memref<2688x128xf32, #tpu.memory_space<vmem_shared>>) offsets(%dma_start3A_69 : memref<128xi32, #tpu.memory_space<vmem>>) semaphore(%run_scoped3A : memref<!tpu.dma_semaphore, #tpu.memory_space<semaphore_mem>>) {add = true}
        %dma_wait3A_73 = arith.constant 0 : i32
        %dma_wait3A_74 = tpu.memref_slice %arg8[%scan3A_56, %dma_wait3A_73] : memref<24x128xi32, #tpu.memory_space<vmem>> -> memref<1x128xi32, #tpu.memory_space<vmem>>
        %dma_wait3A_75 = tpu.memref_squeeze %dma_wait3A_74 : memref<1x128xi32, #tpu.memory_space<vmem>> -> memref<128xi32, #tpu.memory_space<vmem>>
        %dma_wait3A_76 = arith.constant 0 : i32
        %dma_wait3A_77 = arith.constant 0 : i32
        %dma_wait3A_78 = tpu.memref_slice %arg11[%dma_wait3A_76, %dma_wait3A_77] : memref<2688x128xf32, #tpu.memory_space<vmem_shared>> -> memref<2688x128xf32, #tpu.memory_space<vmem_shared>>
        tpu.wait_indirect_dma semaphore(%run_scoped3A : memref<!tpu.dma_semaphore, #tpu.memory_space<semaphore_mem>>) src(%arg9 : memref<128x128xf32, #tpu.memory_space<vmem>>) dst(%dma_wait3A_78 : memref<2688x128xf32, #tpu.memory_space<vmem_shared>>)
        tpu.yield
      }) : () -> ()
    }
    %scan3A_51 = arith.constant 24 : i32
    %barrier3A_52 = arith.constant 0 : index
    tpu.barrier barrier_id(%barrier3A_52)
    %mul3A_53 = arith.constant 160 : i32
    %mul3A_54 = arith.muli %arg1, %mul3A_53 : i32
    "tpu.region"() ({
      %run_scoped3A = tpu.sem_alloc : memref<!tpu.dma_semaphore, #tpu.memory_space<semaphore_mem>>
      %dma_start3A = arith.constant 0 : i32
      %dma_start3A_56 = tpu.memref_slice %arg6[%add3A_30, %mul3A_54, %dma_start3A] : memref<4x2560x128xf32, #tpu.memory_space<hbm>> -> memref<1x160x128xf32, #tpu.memory_space<hbm>>
      %dma_start3A_57 = tpu.memref_squeeze %dma_start3A_56 : memref<1x160x128xf32, #tpu.memory_space<hbm>> -> memref<160x128xf32, #tpu.memory_space<hbm>>
      %dma_start3A_58 = arith.constant 0 : i32
      %dma_start3A_59 = tpu.memref_slice %arg11[%mul3A_54, %dma_start3A_58] : memref<2688x128xf32, #tpu.memory_space<vmem_shared>> -> memref<160x128xf32, #tpu.memory_space<vmem_shared>>
      tpu.enqueue_dma source(%dma_start3A_59 : memref<160x128xf32, #tpu.memory_space<vmem_shared>>) target(%dma_start3A_57 : memref<160x128xf32, #tpu.memory_space<hbm>>) target_semaphore(%run_scoped3A : memref<!tpu.dma_semaphore, #tpu.memory_space<semaphore_mem>>)
      %dma_wait3A = arith.constant 0 : i32
      %dma_wait3A_60 = tpu.memref_slice %arg6[%add3A_30, %mul3A_54, %dma_wait3A] : memref<4x2560x128xf32, #tpu.memory_space<hbm>> -> memref<1x160x128xf32, #tpu.memory_space<hbm>>
      %dma_wait3A_61 = tpu.memref_squeeze %dma_wait3A_60 : memref<1x160x128xf32, #tpu.memory_space<hbm>> -> memref<160x128xf32, #tpu.memory_space<hbm>>
      %dma_wait3A_62 = arith.constant 0 : i32
      %dma_wait3A_63 = tpu.memref_slice %arg11[%mul3A_54, %dma_wait3A_62] : memref<2688x128xf32, #tpu.memory_space<vmem_shared>> -> memref<160x128xf32, #tpu.memory_space<vmem_shared>>
      tpu.wait_dma2 semaphore(%run_scoped3A : memref<!tpu.dma_semaphore, #tpu.memory_space<semaphore_mem>>) src(%dma_wait3A_63 : memref<160x128xf32, #tpu.memory_space<vmem_shared>>) dst(%dma_wait3A_61 : memref<160x128xf32, #tpu.memory_space<hbm>>)
      tpu.yield
    }) : () -> ()
    %barrier3A_55 = arith.constant 0 : index
    tpu.barrier barrier_id(%barrier3A_55)
    return
  }
}

module attributes {stable_mosaic.version = 14 : i64} {
  func.func @_prescale_body(%arg0: memref<10112x32xf32, #tpu.memory_space<vmem>>, %arg1: memref<10000x128xf32, #tpu.memory_space<vmem>>, %arg2: memref<128x128xf32, #tpu.memory_space<vmem>>, %arg3: memref<10000x1xf32, #tpu.memory_space<vmem>>, %arg4: memref<10112x128xf32, #tpu.memory_space<vmem>>) attributes {dimension_semantics = [], scalar_prefetch = 0 : i64, scratch_operands = 0 : i64, tpu.core_type = #tpu.core_type<tc>} {
    %get3A = arith.constant 0 : index
    %get3A_0 = arith.constant 0 : index
    %get3A_1 = vector.load %arg0[%get3A, %get3A_0] : memref<10112x32xf32, #tpu.memory_space<vmem>>, vector<10112x32xf32>
    %reduce_sum3A = arith.constant dense<0.000000e+00> : vector<10112xf32>
    %reduce_sum3A_2 = vector.multi_reduction <add>, %get3A_1, %reduce_sum3A [1] : vector<10112x32xf32> to vector<10112xf32>
    %broadcast_in_dim3A = vector.shape_cast %reduce_sum3A_2 : vector<10112xf32> to vector<10112x1xf32>
    %add3A = arith.constant 1.000000e+00 : f32
    %add3A_3 = vector.broadcast %add3A : f32 to vector<10112x1xf32>
    %add3A_4 = arith.addf %broadcast_in_dim3A, %add3A_3 : vector<10112x1xf32>
    %rsqrt3A = math.rsqrt %add3A_4 : vector<10112x1xf32>
    %slice3A = vector.extract_strided_slice %rsqrt3A {offsets = [0, 0], sizes = [10000, 1], strides = [1, 1]} : vector<10112x1xf32> to vector<10000x1xf32>
    %get3A_5 = arith.constant 0 : index
    %get3A_6 = arith.constant 0 : index
    %get3A_7 = vector.load %arg1[%get3A_5, %get3A_6] : memref<10000x128xf32, #tpu.memory_space<vmem>>, vector<10000x128xf32>
    %get3A_8 = arith.constant 0 : index
    %get3A_9 = arith.constant 0 : index
    %get3A_10 = vector.load %arg2[%get3A_8, %get3A_9] : memref<128x128xf32, #tpu.memory_space<vmem>>, vector<128x128xf32>
    %dot_general3A = arith.constant dense<0.000000e+00> : vector<10000x128xf32>
    %dot_general3A_11 = tpu.matmul %get3A_7, %get3A_10, %dot_general3A {dimension_numbers = #tpu.dot_dimension_numbers<[1], [0], [0], [1], [0, 0, 1, 1], [], []>, transpose_lhs_hint = false} : vector<10000x128xf32>, vector<128x128xf32>, vector<10000x128xf32> -> vector<10000x128xf32>
    %swap3A = arith.constant 0 : index
    %swap3A_12 = arith.constant 0 : index
    %swap3A_13 = vector.load %arg3[%swap3A, %swap3A_12] : memref<10000x1xf32, #tpu.memory_space<vmem>>, vector<10000x1xf32>
    tpu.vector_store %arg3[%swap3A, %swap3A_12], %slice3A {strides = array<i32>} : memref<10000x1xf32, #tpu.memory_space<vmem>>, vector<10000x1xf32>,
    %mul3A = vector.broadcast %slice3A : vector<10000x1xf32> to vector<10000x128xf32>
    %mul3A_14 = arith.mulf %mul3A, %dot_general3A_11 : vector<10000x128xf32>
    %swap3A_15 = arith.constant 0 : index
    %swap3A_16 = arith.constant 0 : index
    %swap3A_17 = vector.load %arg4[%swap3A_15, %swap3A_16] : memref<10112x128xf32, #tpu.memory_space<vmem>>, vector<10000x128xf32>
    tpu.vector_store %arg4[%swap3A_15, %swap3A_16], %mul3A_14 {strides = array<i32>} : memref<10112x128xf32, #tpu.memory_space<vmem>>, vector<10000x128xf32>,
    %broadcast_in_dim3A_18 = arith.constant 0.000000e+00 : f32
    %broadcast_in_dim3A_19 = vector.broadcast %broadcast_in_dim3A_18 : f32 to vector<112x128xf32>
    %swap3A_20 = arith.constant 10000 : index
    %swap3A_21 = arith.constant 0 : index
    %swap3A_22 = vector.load %arg4[%swap3A_20, %swap3A_21] : memref<10112x128xf32, #tpu.memory_space<vmem>>, vector<112x128xf32>
    tpu.vector_store %arg4[%swap3A_20, %swap3A_21], %broadcast_in_dim3A_19 {strides = array<i32>} : memref<10112x128xf32, #tpu.memory_space<vmem>>, vector<112x128xf32>,
    return
  }
}

module attributes {stable_mosaic.version = 14 : i64} {
  func.func @_mid_body(%arg0: memref<4x2560x128xf32, #tpu.memory_space<vmem>>, %arg1: memref<10112x128xf32, #tpu.memory_space<vmem>>, %arg2: memref<10000x1xf32, #tpu.memory_space<vmem>>, %arg3: memref<1x128xf32, #tpu.memory_space<vmem>>, %arg4: memref<128x128xf32, #tpu.memory_space<vmem>>, %arg5: memref<10112x128xf32, #tpu.memory_space<vmem>>) attributes {dimension_semantics = [], scalar_prefetch = 0 : i64, scratch_operands = 0 : i64, tpu.core_type = #tpu.core_type<tc>} {
    %get3A = arith.constant 0 : index
    %get3A_0 = arith.constant 0 : index
    %get3A_1 = arith.constant 0 : index
    %get3A_2 = vector.load %arg0[%get3A, %get3A_0, %get3A_1] : memref<4x2560x128xf32, #tpu.memory_space<vmem>>, vector<4x2560x128xf32>
    %reshape3A = vector.shape_cast %get3A_2 : vector<4x2560x128xf32> to vector<10240x128xf32>
    %slice3A = vector.extract_strided_slice %reshape3A {offsets = [0, 0], sizes = [10000, 128], strides = [1, 1]} : vector<10240x128xf32> to vector<10000x128xf32>
    %get3A_3 = arith.constant 0 : index
    %get3A_4 = arith.constant 0 : index
    %get3A_5 = vector.load %arg1[%get3A_3, %get3A_4] : memref<10112x128xf32, #tpu.memory_space<vmem>>, vector<10000x128xf32>
    %add3A = arith.addf %slice3A, %get3A_5 : vector<10000x128xf32>
    %get3A_6 = arith.constant 0 : index
    %get3A_7 = arith.constant 0 : index
    %get3A_8 = vector.load %arg2[%get3A_6, %get3A_7] : memref<10000x1xf32, #tpu.memory_space<vmem>>, vector<10000x1xf32>
    %mul3A = vector.broadcast %get3A_8 : vector<10000x1xf32> to vector<10000x128xf32>
    %mul3A_9 = arith.mulf %mul3A, %add3A : vector<10000x128xf32>
    %get3A_10 = arith.constant 0 : index
    %get3A_11 = arith.constant 0 : index
    %get3A_12 = vector.load %arg3[%get3A_10, %get3A_11] : memref<1x128xf32, #tpu.memory_space<vmem>>, vector<1x128xf32>
    %add3A_13 = vector.broadcast %get3A_12 : vector<1x128xf32> to vector<10000x128xf32>
    %add3A_14 = arith.addf %mul3A_9, %add3A_13 : vector<10000x128xf32>
    %max3A = arith.constant 0.000000e+00 : f32
    %max3A_15 = vector.broadcast %max3A : f32 to vector<10000x128xf32>
    %max3A_16 = arith.maximumf %add3A_14, %max3A_15 : vector<10000x128xf32>
    %get3A_17 = arith.constant 0 : index
    %get3A_18 = arith.constant 0 : index
    %get3A_19 = vector.load %arg4[%get3A_17, %get3A_18] : memref<128x128xf32, #tpu.memory_space<vmem>>, vector<128x128xf32>
    %dot_general3A = arith.constant dense<0.000000e+00> : vector<10000x128xf32>
    %dot_general3A_20 = tpu.matmul %max3A_16, %get3A_19, %dot_general3A {dimension_numbers = #tpu.dot_dimension_numbers<[1], [0], [0], [1], [0, 0, 1, 1], [], []>, transpose_lhs_hint = false} : vector<10000x128xf32>, vector<128x128xf32>, vector<10000x128xf32> -> vector<10000x128xf32>
    %mul3A_21 = vector.broadcast %get3A_8 : vector<10000x1xf32> to vector<10000x128xf32>
    %mul3A_22 = arith.mulf %mul3A_21, %dot_general3A_20 : vector<10000x128xf32>
    %swap3A = arith.constant 0 : index
    %swap3A_23 = arith.constant 0 : index
    %swap3A_24 = vector.load %arg5[%swap3A, %swap3A_23] : memref<10112x128xf32, #tpu.memory_space<vmem>>, vector<10000x128xf32>
    tpu.vector_store %arg5[%swap3A, %swap3A_23], %mul3A_22 {strides = array<i32>} : memref<10112x128xf32, #tpu.memory_space<vmem>>, vector<10000x128xf32>,
    %broadcast_in_dim3A = arith.constant 0.000000e+00 : f32
    %broadcast_in_dim3A_25 = vector.broadcast %broadcast_in_dim3A : f32 to vector<112x128xf32>
    %swap3A_26 = arith.constant 10000 : index
    %swap3A_27 = arith.constant 0 : index
    %swap3A_28 = vector.load %arg5[%swap3A_26, %swap3A_27] : memref<10112x128xf32, #tpu.memory_space<vmem>>, vector<112x128xf32>
    tpu.vector_store %arg5[%swap3A_26, %swap3A_27], %broadcast_in_dim3A_25 {strides = array<i32>} : memref<10112x128xf32, #tpu.memory_space<vmem>>, vector<112x128xf32>,
    return
  }
}

module attributes {stable_mosaic.version = 14 : i64} {
  func.func @_final_body(%arg0: memref<4x2560x128xf32, #tpu.memory_space<vmem>>, %arg1: memref<10112x128xf32, #tpu.memory_space<vmem>>, %arg2: memref<10000x1xf32, #tpu.memory_space<vmem>>, %arg3: memref<1x128xf32, #tpu.memory_space<vmem>>, %arg4: memref<1x10000xi32, #tpu.memory_space<vmem>>, %arg5: memref<16x128xf32, #tpu.memory_space<vmem>>) attributes {dimension_semantics = [], scalar_prefetch = 0 : i64, scratch_operands = 0 : i64, tpu.core_type = #tpu.core_type<tc>} {
    %get3A = arith.constant 0 : index
    %get3A_0 = arith.constant 0 : index
    %get3A_1 = arith.constant 0 : index
    %get3A_2 = vector.load %arg0[%get3A, %get3A_0, %get3A_1] : memref<4x2560x128xf32, #tpu.memory_space<vmem>>, vector<4x2560x128xf32>
    %reshape3A = vector.shape_cast %get3A_2 : vector<4x2560x128xf32> to vector<10240x128xf32>
    %slice3A = vector.extract_strided_slice %reshape3A {offsets = [0, 0], sizes = [10000, 128], strides = [1, 1]} : vector<10240x128xf32> to vector<10000x128xf32>
    %get3A_3 = arith.constant 0 : index
    %get3A_4 = arith.constant 0 : index
    %get3A_5 = vector.load %arg1[%get3A_3, %get3A_4] : memref<10112x128xf32, #tpu.memory_space<vmem>>, vector<10000x128xf32>
    %add3A = arith.addf %slice3A, %get3A_5 : vector<10000x128xf32>
    %get3A_6 = arith.constant 0 : index
    %get3A_7 = arith.constant 0 : index
    %get3A_8 = vector.load %arg2[%get3A_6, %get3A_7] : memref<10000x1xf32, #tpu.memory_space<vmem>>, vector<10000x1xf32>
    %mul3A = vector.broadcast %get3A_8 : vector<10000x1xf32> to vector<10000x128xf32>
    %mul3A_9 = arith.mulf %mul3A, %add3A : vector<10000x128xf32>
    %get3A_10 = arith.constant 0 : index
    %get3A_11 = arith.constant 0 : index
    %get3A_12 = vector.load %arg3[%get3A_10, %get3A_11] : memref<1x128xf32, #tpu.memory_space<vmem>>, vector<1x128xf32>
    %add3A_13 = vector.broadcast %get3A_12 : vector<1x128xf32> to vector<10000x128xf32>
    %add3A_14 = arith.addf %mul3A_9, %add3A_13 : vector<10000x128xf32>
    %max3A = arith.constant 0.000000e+00 : f32
    %max3A_15 = vector.broadcast %max3A : f32 to vector<10000x128xf32>
    %max3A_16 = arith.maximumf %add3A_14, %max3A_15 : vector<10000x128xf32>
    %iota3A = tpu.iota {dimensions = array<i32: 0>} : vector<16x10000xi32>
    %get3A_17 = arith.constant 0 : index
    %get3A_18 = arith.constant 0 : index
    %get3A_19 = vector.load %arg4[%get3A_17, %get3A_18] : memref<1x10000xi32, #tpu.memory_space<vmem>>, vector<1x10000xi32>
    %eq3A = vector.broadcast %get3A_19 : vector<1x10000xi32> to vector<16x10000xi32>
    %eq3A_20 = arith.cmpi eq, %eq3A, %iota3A : vector<16x10000xi32>
    %convert_element_type3A = arith.extui %eq3A_20 : vector<16x10000xi1> to vector<16x10000xi32>
    %convert_element_type3A_21 = arith.sitofp %convert_element_type3A : vector<16x10000xi32> to vector<16x10000xf32>
    %dot_general3A = arith.constant dense<0.000000e+00> : vector<16x128xf32>
    %dot_general3A_22 = tpu.matmul %convert_element_type3A_21, %max3A_16, %dot_general3A {dimension_numbers = #tpu.dot_dimension_numbers<[1], [0], [0], [1], [0, 0, 1, 1], [], []>, transpose_lhs_hint = false} : vector<16x10000xf32>, vector<10000x128xf32>, vector<16x128xf32> -> vector<16x128xf32>
    %reduce_sum3A = arith.constant dense<0.000000e+00> : vector<16xf32>
    %reduce_sum3A_23 = vector.multi_reduction <add>, %convert_element_type3A_21, %reduce_sum3A [1] : vector<16x10000xf32> to vector<16xf32>
    %broadcast_in_dim3A = vector.shape_cast %reduce_sum3A_23 : vector<16xf32> to vector<16x1xf32>
    %max3A_24 = arith.constant 1.000000e+00 : f32
    %max3A_25 = vector.broadcast %max3A_24 : f32 to vector<16x1xf32>
    %max3A_26 = arith.maximumf %broadcast_in_dim3A, %max3A_25 : vector<16x1xf32>
    %div3A = vector.broadcast %max3A_26 : vector<16x1xf32> to vector<16x128xf32>
    %div3A_27 = arith.divf %dot_general3A_22, %div3A : vector<16x128xf32>
    %reduce_max3A = arith.constant dense<0xFF800000> : vector<16xf32>
    %reduce_max3A_28 = vector.multi_reduction <maximumf>, %div3A_27, %reduce_max3A [1] : vector<16x128xf32> to vector<16xf32>
    %broadcast_in_dim3A_29 = vector.shape_cast %reduce_max3A_28 : vector<16xf32> to vector<16x1xf32>
    %sub3A = vector.broadcast %broadcast_in_dim3A_29 : vector<16x1xf32> to vector<16x128xf32>
    %sub3A_30 = arith.subf %div3A_27, %sub3A : vector<16x128xf32>
    %exp3A = math.exp %sub3A_30 : vector<16x128xf32>
    %reduce_sum3A_31 = arith.constant dense<0.000000e+00> : vector<16xf32>
    %reduce_sum3A_32 = vector.multi_reduction <add>, %exp3A, %reduce_sum3A_31 [1] : vector<16x128xf32> to vector<16xf32>
    %broadcast_in_dim3A_33 = vector.shape_cast %reduce_sum3A_32 : vector<16xf32> to vector<16x1xf32>
    %log3A = math.log %broadcast_in_dim3A_33 : vector<16x1xf32>
    %add3A_34 = arith.addf %log3A, %broadcast_in_dim3A_29 : vector<16x1xf32>
    %sub3A_35 = vector.broadcast %add3A_34 : vector<16x1xf32> to vector<16x128xf32>
    %sub3A_36 = arith.subf %div3A_27, %sub3A_35 : vector<16x128xf32>
    %swap3A = arith.constant 0 : index
    %swap3A_37 = arith.constant 0 : index
    %swap3A_38 = vector.load %arg5[%swap3A, %swap3A_37] : memref<16x128xf32, #tpu.memory_space<vmem>>, vector<16x128xf32>
    tpu.vector_store %arg5[%swap3A, %swap3A_37], %sub3A_36 {strides = array<i32>} : memref<16x128xf32, #tpu.memory_space<vmem>>, vector<16x128xf32>,
    return
  }
}

</mosaic_0001>

<sc_bundles>
// kernel: kernel.11.cloned.1.call-start
scs
__scs_entry_jumppad:
0x0: {  	(pc) =	sbr.rel $0x88, $3  }
0x1: {  	(tag) =	ssettag $0x0;
	lr =	simm.s32 $0x1  }
0x2: {  	[smem:$0x3F9A] =	sst lr;
	_ =	strace $0xD0000000  }
0x3: {  	_ = 	snop  }
0x4: {  	_ = 	snop  }
0x5: {  	_ = 	snop  }
0x6: {  	_ = 	snop  }
0x7: {  	_ = 	snop  }
__scs_overlays_trampoline_lowered:
0x8: {  	[smem:$0x3FA9] =	sst s0  }
0x9: {  	[smem:$0x3FAA] =	sst s1  }
0xa: {  	[smem:$0x3FAB] =	sst s2  }
0xb: {  	[smem:$0x3FAC] =	sst s3  }
0xc: {  	[smem:$0x3FAD] =	sst s4  }
0xd: {  	[smem:$0x3FAE] =	sst s5  }
0xe: {  	[smem:$0x3FAF] =	sst s6  }
0xf: {  	[smem:$0x3FB0] =	sst s7  }
0x10: {  	[smem:$0x3FB1] =	sst s8  }
0x11: {  	[smem:$0x3FB2] =	sst s9;
	s0 =	simm.s32 @!p0 $0x0  }
0x12: {  	s1 =	sld [smem:$0x3F98];
	s0 =	simm.s32 @p0 $0x1  }
0x13: {  	[smem:$0x3FB3] =	sst s0;
	s0 =	simm.s32 @!p1 $0x0  }
0x14: {  	s2 =	sld [smem:$0x3F97];
	s0 =	simm.s32 @p1 $0x1  }
0x15: {  	[smem:$0x3FB4] =	sst s0;
	s0 =	simm.s32 @!p2 $0x0  }
0x16: {  	s3 =	sld [smem:$0x3FDB];
	s0 =	simm.s32 @p2 $0x1  }
0x17: {  	s4 =	simm.s32 $0x1BF5;
	[smem:$0x3FB6] =	sst s0  }
0x18: {  	s0 =	sld [smem:$0x3F99];
	_ =	swait.ge [sflag:s4], $0x0  }
0x19: {  	s7 =	sld [smem:$0x3F9A]  }
0x1a: {  	s8 =	sadd.s32 $0xFFFFE003, lr  }
0x1b: {  	s9 =	sadd.s32 $0xFFFFFEF7, lr;
	s5 =	simm.s32 $0xFFFFFFFF;
	p2 =	slt.u32 s8, $0xFFFFF086  }
0x1c: {  	p1 =	slt.u32 s9, $0xF7A;
	s5 =	simm.s32 @!p2 $0x0  }
0x1d: {  	s5 =	simm.s32 @p1 $0x1;
	p0 =	seq.s32 s7, s2  }
0x1e: {  	s7 =	smul.u32 @!p0 $0xF7A, s2;
	p2 =	seq.s32 @!p0 s5, $0x0  }
0x1f: {  	s9 =	smul.u32 $0xF7A, s1;
	s8 =	simm.s32 @!p0 $0x1BF5;
	p2 =	por !p2, p0  }
0x20: {  	[sflag:s8] =	ssyncset.s32 @!p0 $0xFFFFF086;
	s6 =	sadd.s32 @!p0 s3, s7;
	s7 =	simm.s32 @!p0 $0x108  }
0x21: {  	s3 =	sadd.s32 s3, s9;
	s6 =	sadd.s32 @!p0 $0x88, s6;
	s7 =	simm.s32 @p2 $0x1082  }
0x22: {  	[simem:s7], [sflag:s8] =	dma.local @!p0 [hbm:s6], $0xF7A  }
0x23: {  	s9 =	sor.u32 $0xD0000000, s2;
	s6 =	simm.s32 $0x108;
	_ =	swait.ge @!p0 [sflag:s8], $0x0  }
0x24: {  	s3 =	sadd.s32 $0x88, s3;
	s6 =	simm.s32 @!p1 $0x1082;
	[sflag:s4] =	ssyncset.s32 $0xFFFFF086  }
0x25: {  	[simem:s6], [sflag:s4] =	dma.local [hbm:s3], $0xF7A  }
0x26: {  	[smem:$0x3F9A] =	sst s1;
	(tag) =	ssettag s2;
	_ =	strace s9  }
0x27: {  	s1 =	sld [smem:$0x3FAA]  }
0x28: {  	s2 =	sld [smem:$0x3FAB]  }
0x29: {  	s4 =	sld [smem:$0x3FAD]  }
0x2a: {  	p0 =	seq.s32 s5, $0x0;
	s5 =	sld [smem:$0x3FAE]  }
0x2b: {  	s6 =	sld [smem:$0x3FAF]  }
0x2c: {  	s7 =	sld [smem:$0x3FB0]  }
0x2d: {  	s3 =	simm.s32 $0x108;
	s8 =	sld [smem:$0x3FB1]  }
0x2e: {  	s3 =	simm.s32 @!p0 $0x1082;
	s9 =	sld [smem:$0x3FB2]  }
0x2f: {  	lr =	sadd.s32 s0, s3;
	s0 =	sld [smem:$0x3FA9]  }
0x30: {  	s3 =	sld [smem:$0x3FAC]  }
0x31: {  	[smem:$0x3FB5] =	sst s10  }
0x32: {  	s10 =	sld [smem:$0x3FB3];
	_ =	sdelay $0x3  }
0x33: {  	p0 =	seq.s32 s10, $0x1;
	s10 =	sld [smem:$0x3FB5];
	_ =	sdelay $0x3  }
0x34: {  	[smem:$0x3FB5] =	sst s10  }
0x35: {  	s10 =	sld [smem:$0x3FB4];
	_ =	sdelay $0x3  }
0x36: {  	p1 =	seq.s32 s10, $0x1;
	s10 =	sld [smem:$0x3FB5];
	_ =	sdelay $0x3  }
0x37: {  	[smem:$0x3FB5] =	sst s10  }
0x38: {  	s10 =	sld [smem:$0x3FB6]  }
0x39: {  	_ = 	snop;
	(pc) =	sbr.ind lr, $3  }
0x3a: {  	_ = 	snop  }
0x3b: {  	_ = 	snop  }
0x3c: {  	p2 =	seq.s32 s10, $0x1;
	s10 =	sld [smem:$0x3FB5]  }
0x3d: {  	_ =	shalt  }
0x3e: {  	_ =	shalt  }
0x3f: {  	_ =	shalt  }
0x40: {  	_ =	shalt  }
0x41: {  	_ =	shalt  }
0x42: {  	_ =	shalt  }
0x43: {  	_ =	shalt  }
0x44: {  	_ =	shalt  }
0x45: {  	_ =	shalt  }
0x46: {  	_ =	shalt  }
0x47: {  	_ =	shalt  }
0x48: {  	_ =	shalt  }
0x49: {  	_ =	shalt  }
0x4a: {  	_ =	shalt  }
0x4b: {  	_ =	shalt  }
0x4c: {  	_ =	shalt  }
0x4d: {  	_ =	shalt  }
0x4e: {  	_ =	shalt  }
0x4f: {  	_ =	shalt  }
0x50: {  	_ =	shalt  }
0x51: {  	_ =	shalt  }
0x52: {  	_ =	shalt  }
0x53: {  	_ =	shalt  }
0x54: {  	_ =	shalt  }
0x55: {  	_ =	shalt  }
0x56: {  	_ =	shalt  }
0x57: {  	_ =	shalt  }
0x58: {  	_ =	shalt  }
0x59: {  	_ =	shalt  }
0x5a: {  	_ =	shalt  }
0x5b: {  	_ =	shalt  }
0x5c: {  	_ =	shalt  }
0x5d: {  	_ =	shalt  }
0x5e: {  	_ =	shalt  }
0x5f: {  	_ =	shalt  }
0x60: {  	_ =	shalt  }
0x61: {  	_ =	shalt  }
0x62: {  	_ =	shalt  }
0x63: {  	_ =	shalt  }
0x64: {  	_ =	shalt  }
0x65: {  	_ =	shalt  }
0x66: {  	_ =	shalt  }
0x67: {  	_ =	shalt  }
0x68: {  	_ =	shalt  }
0x69: {  	_ =	shalt  }
0x6a: {  	_ =	shalt  }
0x6b: {  	_ =	shalt  }
0x6c: {  	_ =	shalt  }
0x6d: {  	_ =	shalt  }
0x6e: {  	_ =	shalt  }
0x6f: {  	_ =	shalt  }
0x70: {  	_ =	shalt  }
0x71: {  	_ =	shalt  }
0x72: {  	_ =	shalt  }
0x73: {  	_ =	shalt  }
0x74: {  	_ =	shalt  }
0x75: {  	_ =	shalt  }
0x76: {  	_ =	shalt  }
0x77: {  	_ =	shalt  }
0x78: {  	_ =	shalt  }
0x79: {  	_ =	shalt  }
0x7a: {  	_ =	shalt  }
0x7b: {  	_ =	shalt  }
0x7c: {  	_ =	shalt  }
0x7d: {  	_ =	shalt  }
0x7e: {  	_ =	shalt  }
0x7f: {  	_ =	shalt  }
0x80: {  	_ =	shalt  }
0x81: {  	_ =	shalt  }
0x82: {  	_ =	shalt  }
0x83: {  	_ =	shalt  }
0x84: {  	_ =	shalt  }
0x85: {  	_ =	shalt  }
0x86: {  	_ =	shalt  }
0x87: {  	_ =	shalt  }
.Lfunc_end0:
.L_simem_size_0:
called_computation.1_lowered:
.L_overlay_start_0:
0x88: {  	s2 =	sld [smem:$0x3FD9]  }
0x89: {  	s3 =	sld [smem:$0x3FFE];
	_ =	sdelay $0x1  }
0x8a: {  	s1 =	srdreg.scid  }
0x8b: {  	s0 =	sand.u32 $0x1, s1  }
0x8c: {  	s16 =	sshll.u32 s0, $0xA;
	s2 =	sadd.s32 s3, s2  }
0x8d: {  	s2 =	sadd.s32 s2, s16  }
0x8e: {  	[smem:$0x3FC1] =	sst s2  }
0x8f: {  	_ = 	snop  }
0x90: {  	(tm) =	ssettm $0x1  }
0x91: {  	s17 =	sld [smem:$0x3FFB];
	_ =	sdelay $0x3  }
0x92: {  	_ =	strace s17  }
0x93: {  	s2 =	sld [smem:$0x3FFC];
	_ =	sdelay $0x3  }
0x94: {  	_ =	strace s2  }
0x95: {  	s2 =	sld [smem:$0x3FFD];
	_ =	sdelay $0x3  }
0x96: {  	_ =	strace s2  }
0x97: {  	_ =	strace $0x8FFFFFFF  }
0x98: {  	s18 =	sld [smem:$0x3FDB];
	_ =	sdelay $0x1  }
0x99: {  	s19 =	simm.s32 $_scs_section_size  }
0x9a: {  	s4 =	simm.s32 $_size__tile_overlayer_lowered;
	s5 =	simm.s32 $_tile_overlayer_lowered  }
0x9b: {  	s22 =	simm.s32 $0x1BFF;
	s21 =	sshll.u32 s5, $0x1;
	s2 =	sadd.s32 s19, s18  }
0x9c: {  	s6 =	simm.s32 $0x0;
	s20 =	sshll.u32 s4, $0x1;
	s4 =	sadd.s32 s21, s2  }
0x9d: {  	[timem:s6], [sflag:s22] =	dma.local [hbm:s4], s20  }
0x9e: {  	_ =	swait.ge [sflag:s22], s20  }
0x9f: {  	s3 =	ssub.s32 $0x0, s20;
	[sflag:s22] =	ssyncset.done $0x0  }
0xa0: {  	[sflag:s22] =	ssyncadd.s32 s3;
	_ =	sdelay $0x1  }
0xa1: {  	s23 =	simm.s32 $0x1B8B  }
0xa2: {  	_ =	swait.ge [sflag:s23], $0x1  }
0xa3: {  	[sflag:s23] =	ssyncset.done $0x0  }
0xa4: {  	s25 =	simm.s32 $0x1B8E;
	s24 =	sld [smem:$0x3FFE];
	[sflag:s23] =	ssyncadd.s32 $0xFFFFFFFF  }
0xa5: {  	s26 =	simm.s32 $execute0_lowered;
	[smem:$0x3FD2] =	sst s25  }
0xa6: {  	s4 =	sshll.u32 s26, $0x1;
	_ =	strace $0x80000049;
	[dreg:$0x1] =	wrdreg $0xFFFFFFFF  }
0xa7: {  	s28 =	simm.s32 $_size_execute0_lowered;
	s2 =	sadd.s32 s2, s4;
	[dreg:$0x0] =	wrdreg $0x0  }
0xa8: {  	s4 =	sshll.u32 s28, $0x1;
	[dreg:$0x2] =	wrdreg s2  }
0xa9: {  	[dreg:$0x3] =	wrdreg s4  }
0xaa: {  	[dreg:$0x4] =	wrdreg $0xC0  }
0xab: {  	_ =	task [dreg:s6], $0x5FFFF  }
0xac: {  	[dreg:$0x1] =	wrdreg $0xFFFFFFFF  }
0xad: {  	[dreg:$0x0] =	wrdreg $0x60  }
0xae: {  	[dreg:$0x2] =	wrdreg s24  }
0xaf: {  	[dreg:$0x3] =	wrdreg $0x58000  }
0xb0: {  	[dreg:$0x4] =	wrdreg $0x194000  }
0xb1: {  	[dreg:$0x5] =	wrdreg $0x9  }
0xb2: {  	_ =	task.clear_ibuf [dreg:s6], $0x6FFFF;
	_ =	strace $0x90000049  }
0xb3: {  	s29 =	simm.s32 $0x9;
	_ =	strace $0x8000004B  }
0xb4: {  	_ =	swait.ge [sflag:s29], $0x1  }
0xb5: {  	[sflag:s29] =	ssyncadd.s32 $0xFFFFFFFF  }
0xb6: {  	_ =	strace $0x9000004B  }
0xb7: {  	_ =	sfence  }
0xb8: {  	s30 =	sld [smem:$0x0];
	_ =	sdelay $0x2  }
0xb9: {  	s31 =	sshll.u32 s1, $0xD;
	s1 =	sshrl.u32 s1, $0x2  }
0xba: {  	s3 =	sand.u32 $0x4000, s31;
	s1 =	sadd.s32 s1, s30  }
0xbb: {  	s0 =	sor.u32 s3, s0;
	s1 =	sshll.u32 s1, $0x11  }
0xbc: {  	s0 =	sor.u32 s1, s0  }
0xbd: {  	s0 =	sadd.s32 $0x8F2B, s0  }
0xbe: {  	[sflag:s0] =	ssyncadd.remote.s32 $0x1  }
0xbf: {  	_ =	sfence.sel $0xFFFF  }
0xc0: {  	[dreg:$0x0] =	wrdreg $0xFFFFFFFF;
	(pc) =	sbr.abs _section_cstart, $3  }
0xc1: {  	[dreg:$0x1] =	wrdreg $0xFFFFFFFF  }
0xc2: {  	_ =	task.clear_ibuf [dreg:s6], $0x2FFFF;
	_ =	strace $0x9FFFFFFF  }
0xc3: {  	(tm) =	ssettm $0x7FFFFFFF  }
tec
execute0_lowered:
.L_overlay_start_1:
0x0: {  	(tag) =	ssettag $0x1  }
0x1: {  	s5 =	rddreg [dreg:$0x0];
	s0 =	stileid.u32  }
0x2: {  	s2 =	rddreg [dreg:$0x1];
	s6 =	smul.u32 $0x2780, s0  }
0x3: {  	s3 =	rddreg [dreg:$0x2];
	s4 =	simm.s32 $0x0;
	s7 =	smul.u32 $0xA80, s0  }
0x4: {  	s8 =	srdreg.scid;
	s28 =	simm.s32 $0x0;
	s24 =	smul.u32 $0x4F000, s0  }
0x5: {  	[smem:$0x7FF] =	sst s4;
	s17 =	sadd.s32 $0xF400, s5;
	s26 =	smul.u32 $0x15000, s0  }
0x6: {  	s18 =	sadd.s32 $0x3400, s5;
	s11 =	sand.u32 $0x1, s8;
	s14 =	smul.u32 $0x6000, s0  }
0x7: {  	s19 =	sadd.s32 $0x4D400, s5;
	s29 =	sshll.u32 s0, $0x6;
	s22 =	smul.u32 $0x5000, s0  }
0x8: {  	_ =	strace $0x8000004A;
	s25 =	ssub.s32 $0x2, s11;
	s12 =	smul.u32 $0x1800, s11  }
0x9: {  	s13 =	smul.u32 $0xA0000, s11;
	s15 =	sshllo.u32 s11, $0x1;
	s6 =	sadd.s32 s6, s5  }
0xa: {  	s9 =	sadd.s32 s7, s5;
	s10 =	sshrl.u32 s25, $0x1;
	s23 =	smul.u32 $0xC00, s15  }
0xb: {  	s7 =	sshrl.u32 s24, $0x2;
	s30 =	sshrl.u32 s26, $0x2;
	s24 =	smul.u32 $0x14000, s0  }
0xc: {  	s16 =	sadd.s32 $0x3000, s14;
	s26 =	smul.u32 $0x50000, s15;
	s20 =	ssub.s32 s25, s10  }
0xd: {  	s21 =	sadd.s32 s7, s2;
	s5 =	sadd.s32 $0x1B400, s6;
	s6 =	sor.u32 $0x1C02, s29  }
0xe: {  	s7 =	sadd.s32 s30, s3;
	s31 =	sor.u32 s12, s14;
	s8 =	sadd.s32 $0x42C00, s9  }
0xf: {  	s12 =	sadd.s32 s12, s16;
	s13 =	sadd.s32 s22, s13;
	s10 =	sshrl.u32 s31, $0x3  }
0x10: {  	s12 =	sshrl.u32 s12, $0x3;
	s13 =	sshrl.u32 s13, $0x3;
	s14 =	sadd.s32 s14, s23  }
0x11: {  	s24 =	sshrl.u32 s24, $0x2;
	s23 =	sadd.s32 s16, s23;
	s22 =	sadd.s32 s22, s26  }
0x12: {  	s20 =	smax.u32 s20, $0x1;
	s21 =	sshrl.u32 s21, $0x3;
	s26 =	simm.s32 $0x1  }
0x13: {  	s9 =	sadd.s32 s17, s10;
	s10 =	sadd.s32 s18, s10;
	s11 =	sadd.s32 s17, s12  }
0x14: {  	s12 =	sadd.s32 s18, s12;
	s13 =	sadd.s32 s19, s13;
	s25 =	sshrl.u32 s14, $0x3  }
0x15: {  	s14 =	sadd.s32 s24, s3;
	s23 =	sshrl.u32 s23, $0x3;
	s22 =	sshrl.u32 s22, $0x3  }
0x16: {  	s24 =	simm.s32 $0x80;
	s15 =	sadd.s32 s17, s25;
	s16 =	sadd.s32 s18, s25  }
0x17: {  	s17 =	sadd.s32 s17, s23;
	s18 =	sadd.s32 s18, s23;
	s19 =	sadd.s32 s19, s22  }
0x18: {  	s22 =	simm.s32 $0x2;
	s23 =	simm.s32 $0xC00;
	s25 =	simm.s32 $0x1800  }
.LBB2_1:
0x19: {  	[spmem:s21], [sflag:s6] =	dma.local [hbm:s5], $0x2780  }
0x1a: {  	_ =	swait.ge [sflag:s22], $0x2780  }
0x1b: {  	[sflag:s22] =	ssyncset.done $0x0  }
0x1c: {  	s29 =	sshrl.u32 s7, $0x3;
	[sflag:s22] =	ssyncadd.s32 $0xFFFFD880  }
0x1d: {  	[spmem:s29], [sflag:s6] =	dma.local [hbm:s8], $0xA80  }
0x1e: {  	_ =	swait.ge [sflag:s22], $0xA80  }
0x1f: {  	[sflag:s22] =	ssyncset.done $0x0  }
0x20: {  	[sflag:s22] =	ssyncadd.s32 $0xFFFFF580  }
0x21: {  	[bflag:$0x0] =	sbarrier.arrive $0xFFFF  }
0x22: {  	[tilespmem:s4], [sflag:$0x2] =	stream.linear.gather [hbm4b:s9+s4], $0xC00, $0x38;
	[tilespmem:$0x1E800] =	vst v63  }
0x23: {  	_ =	swait.ge [sflag:s22], $0xC00  }
0x24: {  	[sflag:s22] =	ssyncset.done $0x0  }
0x25: {  	[sflag:s22] =	ssyncadd.s32 $0xFFFFF400  }
0x26: {  	[tilespmem:s23], [sflag:$0x2] =	stream.linear.gather [hbm4b:s10+s4], $0xC00, $0x38;
	[tilespmem:$0x1E800] =	vst v63  }
0x27: {  	_ =	swait.ge [sflag:s22], $0xC00  }
0x28: {  	[sflag:s22] =	ssyncset.done $0x0  }
0x29: {  	s30 =	simm.s32 $0x0;
	[sflag:s22] =	ssyncadd.s32 $0xFFFFF400  }
0x2a: {  	[tilespmem:s25], [sflag:$0x1] =	stream.indirect.gather [spmem:s2], $0x80, s30, s24, $0xb8;
	[tilespmem:$0x1E800] =	vst v63  }
0x2b: {  	_ =	swait.ge [sflag:s26], $0x4000  }
0x2c: {  	[sflag:s26] =	ssyncset.done $0x0  }
0x2d: {  	s30 =	simm.s32 $0xC00;
	[sflag:s26] =	ssyncadd.s32 $0xFFFFC000  }
0x2e: {  	[spmem:s3] =	stream.indirect.scatter.add.f32 [tilespmem:s25], [sflag:$0x2], $0x80, s30, s24, $0xb8;
	[tilespmem:$0x1E800] =	vst v63  }
0x2f: {  	_ =	swait.ge [sflag:s22], $0x4000  }
0x30: {  	s31 =	simm.s32 $0x400;
	s30 =	simm.s32 $0x200;
	[sflag:s22] =	ssyncset.done $0x0  }
.LBB2_2:
0x31: {  	s0 =	sshra.s32 s30, $0x2  }
0x32: {  	[sflag:s22] =	ssyncadd.s32 $0xFFFFC000;
	s30 =	smov.u32 s31;
	s1 =	sadd.s32 $0x200, s31  }
0x33: {  	[tilespmem:s25], [sflag:$0x1] =	stream.indirect.gather [spmem:s2], $0x80, s0, s24, $0xb8;
	[tilespmem:$0x1E800] =	vst v63  }
0x34: {  	p0 =	sne.s32 s31, $0x2E00;
	_ =	swait.ge [sflag:s26], $0x4000  }
.Ltmp0:
0x35: {  	[sflag:s26] =	ssyncset.done $0x0;
	(pc) =	sbr.rel @p0 .LBB2_2-.Ltmp0, $4  }
0x36: {  	s0 =	sadd.s32 $0xC00, s0;
	[sflag:s26] =	ssyncadd.s32 $0xFFFFC000  }
0x37: {  	[spmem:s3] =	stream.indirect.scatter.add.f32 [tilespmem:s25], [sflag:$0x2], $0x80, s0, s24, $0xb8;
	[tilespmem:$0x1E800] =	vst v63  }
0x38: {  	_ =	swait.ge [sflag:s22], $0x4000  }
0x39: {  	s31 =	smov.u32 s1;
	[sflag:s22] =	ssyncset.done $0x0  }
0x3a: {  	s0 =	sshra.s32 s30, $0x2;
	[sflag:s22] =	ssyncadd.s32 $0xFFFFC000  }
0x3b: {  	[tilespmem:s25], [sflag:$0x1] =	stream.indirect.gather [spmem:s2], $0x80, s0, s24, $0xb8;
	[tilespmem:$0x1E800] =	vst v63  }
0x3c: {  	_ =	swait.ge [sflag:s26], $0x4000  }
0x3d: {  	[sflag:s26] =	ssyncset.done $0x0  }
0x3e: {  	s0 =	sadd.s32 $0xC00, s0;
	[sflag:s26] =	ssyncadd.s32 $0xFFFFC000  }
0x3f: {  	[spmem:s3] =	stream.indirect.scatter.add.f32 [tilespmem:s25], [sflag:$0x2], $0x80, s0, s24, $0xb8;
	[tilespmem:$0x1E800] =	vst v63  }
0x40: {  	_ =	swait.ge [sflag:s22], $0x4000  }
0x41: {  	[sflag:s22] =	ssyncset.done $0x0  }
0x42: {  	s1 =	simm.s32 $0x0;
	[sflag:s22] =	ssyncadd.s32 $0xFFFFC000  }
0x43: {  	[tilespmem:s1], [sflag:$0x2] =	stream.linear.gather [hbm4b:s11+s1], $0xC00, $0x38;
	[tilespmem:$0x1E800] =	vst v63  }
0x44: {  	_ =	swait.ge [sflag:s22], $0xC00  }
0x45: {  	[sflag:s22] =	ssyncset.done $0x0  }
0x46: {  	[sflag:s22] =	ssyncadd.s32 $0xFFFFF400  }
0x47: {  	[tilespmem:s23], [sflag:$0x2] =	stream.linear.gather [hbm4b:s12+s1], $0xC00, $0x38;
	[tilespmem:$0x1E800] =	vst v63  }
0x48: {  	_ =	swait.ge [sflag:s22], $0xC00  }
0x49: {  	[sflag:s22] =	ssyncset.done $0x0  }
0x4a: {  	s1 =	simm.s32 $0x0;
	[sflag:s22] =	ssyncadd.s32 $0xFFFFF400  }
0x4b: {  	[tilespmem:s25], [sflag:$0x1] =	stream.indirect.gather [spmem:s2], $0x80, s1, s24, $0xb8;
	[tilespmem:$0x1E800] =	vst v63  }
0x4c: {  	_ =	swait.ge [sflag:s26], $0x4000  }
0x4d: {  	[sflag:s26] =	ssyncset.done $0x0  }
0x4e: {  	s1 =	simm.s32 $0xC00;
	[sflag:s26] =	ssyncadd.s32 $0xFFFFC000  }
0x4f: {  	[spmem:s3] =	stream.indirect.scatter.add.f32 [tilespmem:s25], [sflag:$0x2], $0x80, s1, s24, $0xb8;
	[tilespmem:$0x1E800] =	vst v63  }
0x50: {  	_ =	swait.ge [sflag:s22], $0x4000  }
0x51: {  	s30 =	simm.s32 $0x200;
	s31 =	simm.s32 $0x400;
	[sflag:s22] =	ssyncset.done $0x0  }
.LBB2_4:
0x52: {  	s0 =	sshra.s32 s30, $0x2  }
0x53: {  	[sflag:s22] =	ssyncadd.s32 $0xFFFFC000;
	s30 =	smov.u32 s31;
	s1 =	sadd.s32 $0x200, s31  }
0x54: {  	[tilespmem:s25], [sflag:$0x1] =	stream.indirect.gather [spmem:s2], $0x80, s0, s24, $0xb8;
	[tilespmem:$0x1E800] =	vst v63  }
0x55: {  	p0 =	sne.s32 s31, $0x2E00;
	_ =	swait.ge [sflag:s26], $0x4000  }
.Ltmp1:
0x56: {  	[sflag:s26] =	ssyncset.done $0x0;
	(pc) =	sbr.rel @p0 .LBB2_4-.Ltmp1, $4  }
0x57: {  	s0 =	sadd.s32 $0xC00, s0;
	[sflag:s26] =	ssyncadd.s32 $0xFFFFC000  }
0x58: {  	[spmem:s3] =	stream.indirect.scatter.add.f32 [tilespmem:s25], [sflag:$0x2], $0x80, s0, s24, $0xb8;
	[tilespmem:$0x1E800] =	vst v63  }
0x59: {  	_ =	swait.ge [sflag:s22], $0x4000  }
0x5a: {  	s31 =	smov.u32 s1;
	[sflag:s22] =	ssyncset.done $0x0  }
0x5b: {  	s0 =	sshra.s32 s30, $0x2;
	[sflag:s22] =	ssyncadd.s32 $0xFFFFC000  }
0x5c: {  	[tilespmem:s25], [sflag:$0x1] =	stream.indirect.gather [spmem:s2], $0x80, s0, s24, $0xb8;
	[tilespmem:$0x1E800] =	vst v63  }
0x5d: {  	_ =	swait.ge [sflag:s26], $0x4000  }
0x5e: {  	[sflag:s26] =	ssyncset.done $0x0  }
0x5f: {  	s0 =	sadd.s32 $0xC00, s0;
	[sflag:s26] =	ssyncadd.s32 $0xFFFFC000  }
0x60: {  	[spmem:s3] =	stream.indirect.scatter.add.f32 [tilespmem:s25], [sflag:$0x2], $0x80, s0, s24, $0xb8;
	[tilespmem:$0x1E800] =	vst v63  }
0x61: {  	_ =	swait.ge [sflag:s22], $0x4000  }
0x62: {  	[sflag:s22] =	ssyncset.done $0x0  }
0x63: {  	[sflag:s22] =	ssyncadd.s32 $0xFFFFC000  }
0x64: {  	s30 =	sshrl.u32 s14, $0x3;
	[bflag:$0x0] =	sbarrier.arrive $0xFFFF  }
0x65: {  	[hbm:s13], [sflag:s6] =	dma.local [spmem:s30], $0xA00  }
0x66: {  	_ =	swait.ge [sflag:s22], $0xA00  }
0x67: {  	[sflag:s22] =	ssyncset.done $0x0  }
0x68: {  	[sflag:s22] =	ssyncadd.s32 $0xFFFFF600  }
0x69: {  	[bflag:$0x0] =	sbarrier.arrive $0xFFFF  }
0x6a: {  	[spmem:s29], [sflag:s6] =	dma.local [hbm:s8], $0xA80  }
0x6b: {  	_ =	swait.ge [sflag:s22], $0xA80  }
0x6c: {  	[sflag:s22] =	ssyncset.done $0x0  }
0x6d: {  	[sflag:s22] =	ssyncadd.s32 $0xFFFFF580  }
0x6e: {  	s1 =	simm.s32 $0x0;
	[bflag:$0x0] =	sbarrier.arrive $0xFFFF  }
0x6f: {  	[tilespmem:s1], [sflag:$0x2] =	stream.linear.gather [hbm4b:s15+s1], $0xC00, $0x38;
	[tilespmem:$0x1E800] =	vst v63  }
0x70: {  	_ =	swait.ge [sflag:s22], $0xC00  }
0x71: {  	[sflag:s22] =	ssyncset.done $0x0  }
0x72: {  	[sflag:s22] =	ssyncadd.s32 $0xFFFFF400  }
0x73: {  	[tilespmem:s23], [sflag:$0x2] =	stream.linear.gather [hbm4b:s16+s1], $0xC00, $0x38;
	[tilespmem:$0x1E800] =	vst v63  }
0x74: {  	_ =	swait.ge [sflag:s22], $0xC00  }
0x75: {  	[sflag:s22] =	ssyncset.done $0x0  }
0x76: {  	s1 =	simm.s32 $0x0;
	[sflag:s22] =	ssyncadd.s32 $0xFFFFF400  }
0x77: {  	[tilespmem:s25], [sflag:$0x1] =	stream.indirect.gather [spmem:s2], $0x80, s1, s24, $0xb8;
	[tilespmem:$0x1E800] =	vst v63  }
0x78: {  	_ =	swait.ge [sflag:s26], $0x4000  }
0x79: {  	[sflag:s26] =	ssyncset.done $0x0  }
0x7a: {  	s1 =	simm.s32 $0xC00;
	[sflag:s26] =	ssyncadd.s32 $0xFFFFC000  }
0x7b: {  	[spmem:s3] =	stream.indirect.scatter.add.f32 [tilespmem:s25], [sflag:$0x2], $0x80, s1, s24, $0xb8;
	[tilespmem:$0x1E800] =	vst v63  }
0x7c: {  	_ =	swait.ge [sflag:s22], $0x4000  }
0x7d: {  	s31 =	simm.s32 $0x400;
	s29 =	simm.s32 $0x200;
	[sflag:s22] =	ssyncset.done $0x0  }
.LBB2_6:
0x7e: {  	s0 =	sshra.s32 s29, $0x2  }
0x7f: {  	[sflag:s22] =	ssyncadd.s32 $0xFFFFC000;
	s29 =	smov.u32 s31;
	s1 =	sadd.s32 $0x200, s31  }
0x80: {  	[tilespmem:s25], [sflag:$0x1] =	stream.indirect.gather [spmem:s2], $0x80, s0, s24, $0xb8;
	[tilespmem:$0x1E800] =	vst v63  }
0x81: {  	p0 =	sne.s32 s31, $0x2E00;
	_ =	swait.ge [sflag:s26], $0x4000  }
.Ltmp2:
0x82: {  	[sflag:s26] =	ssyncset.done $0x0;
	(pc) =	sbr.rel @p0 .LBB2_6-.Ltmp2, $4  }
0x83: {  	s0 =	sadd.s32 $0xC00, s0;
	[sflag:s26] =	ssyncadd.s32 $0xFFFFC000  }
0x84: {  	[spmem:s3] =	stream.indirect.scatter.add.f32 [tilespmem:s25], [sflag:$0x2], $0x80, s0, s24, $0xb8;
	[tilespmem:$0x1E800] =	vst v63  }
0x85: {  	_ =	swait.ge [sflag:s22], $0x4000  }
0x86: {  	s31 =	smov.u32 s1;
	[sflag:s22] =	ssyncset.done $0x0  }
0x87: {  	s0 =	sshra.s32 s29, $0x2;
	[sflag:s22] =	ssyncadd.s32 $0xFFFFC000  }
0x88: {  	[tilespmem:s25], [sflag:$0x1] =	stream.indirect.gather [spmem:s2], $0x80, s0, s24, $0xb8;
	[tilespmem:$0x1E800] =	vst v63  }
0x89: {  	_ =	swait.ge [sflag:s26], $0x4000  }
0x8a: {  	[sflag:s26] =	ssyncset.done $0x0  }
0x8b: {  	s0 =	sadd.s32 $0xC00, s0;
	[sflag:s26] =	ssyncadd.s32 $0xFFFFC000  }
0x8c: {  	[spmem:s3] =	stream.indirect.scatter.add.f32 [tilespmem:s25], [sflag:$0x2], $0x80, s0, s24, $0xb8;
	[tilespmem:$0x1E800] =	vst v63  }
0x8d: {  	_ =	swait.ge [sflag:s22], $0x4000  }
0x8e: {  	[sflag:s22] =	ssyncset.done $0x0  }
0x8f: {  	s1 =	simm.s32 $0x0;
	[sflag:s22] =	ssyncadd.s32 $0xFFFFC000  }
0x90: {  	[tilespmem:s1], [sflag:$0x2] =	stream.linear.gather [hbm4b:s17+s1], $0xC00, $0x38;
	[tilespmem:$0x1E800] =	vst v63  }
0x91: {  	_ =	swait.ge [sflag:s22], $0xC00  }
0x92: {  	[sflag:s22] =	ssyncset.done $0x0  }
0x93: {  	[sflag:s22] =	ssyncadd.s32 $0xFFFFF400  }
0x94: {  	[tilespmem:s23], [sflag:$0x2] =	stream.linear.gather [hbm4b:s18+s1], $0xC00, $0x38;
	[tilespmem:$0x1E800] =	vst v63  }
0x95: {  	_ =	swait.ge [sflag:s22], $0xC00  }
0x96: {  	[sflag:s22] =	ssyncset.done $0x0  }
0x97: {  	s1 =	simm.s32 $0x0;
	[sflag:s22] =	ssyncadd.s32 $0xFFFFF400  }
0x98: {  	[tilespmem:s25], [sflag:$0x1] =	stream.indirect.gather [spmem:s2], $0x80, s1, s24, $0xb8;
	[tilespmem:$0x1E800] =	vst v63  }
0x99: {  	_ =	swait.ge [sflag:s26], $0x4000  }
0x9a: {  	[sflag:s26] =	ssyncset.done $0x0  }
0x9b: {  	s1 =	simm.s32 $0xC00;
	[sflag:s26] =	ssyncadd.s32 $0xFFFFC000  }
0x9c: {  	[spmem:s3] =	stream.indirect.scatter.add.f32 [tilespmem:s25], [sflag:$0x2], $0x80, s1, s24, $0xb8;
	[tilespmem:$0x1E800] =	vst v63  }
0x9d: {  	_ =	swait.ge [sflag:s22], $0x4000  }
0x9e: {  	s29 =	simm.s32 $0x200;
	s31 =	simm.s32 $0x400;
	[sflag:s22] =	ssyncset.done $0x0  }
.LBB2_8:
0x9f: {  	s0 =	sshra.s32 s29, $0x2  }
0xa0: {  	[sflag:s22] =	ssyncadd.s32 $0xFFFFC000;
	s29 =	smov.u32 s31;
	s1 =	sadd.s32 $0x200, s31  }
0xa1: {  	[tilespmem:s25], [sflag:$0x1] =	stream.indirect.gather [spmem:s2], $0x80, s0, s24, $0xb8;
	[tilespmem:$0x1E800] =	vst v63  }
0xa2: {  	p0 =	sne.s32 s31, $0x2E00;
	_ =	swait.ge [sflag:s26], $0x4000  }
.Ltmp3:
0xa3: {  	[sflag:s26] =	ssyncset.done $0x0;
	(pc) =	sbr.rel @p0 .LBB2_8-.Ltmp3, $4  }
0xa4: {  	s0 =	sadd.s32 $0xC00, s0;
	[sflag:s26] =	ssyncadd.s32 $0xFFFFC000  }
0xa5: {  	[spmem:s3] =	stream.indirect.scatter.add.f32 [tilespmem:s25], [sflag:$0x2], $0x80, s0, s24, $0xb8;
	[tilespmem:$0x1E800] =	vst v63  }
0xa6: {  	_ =	swait.ge [sflag:s22], $0x4000  }
0xa7: {  	s31 =	smov.u32 s1;
	[sflag:s22] =	ssyncset.done $0x0  }
0xa8: {  	s0 =	sshra.s32 s29, $0x2;
	[sflag:s22] =	ssyncadd.s32 $0xFFFFC000  }
0xa9: {  	[tilespmem:s25], [sflag:$0x1] =	stream.indirect.gather [spmem:s2], $0x80, s0, s24, $0xb8;
	[tilespmem:$0x1E800] =	vst v63  }
0xaa: {  	_ =	swait.ge [sflag:s26], $0x4000  }
0xab: {  	[sflag:s26] =	ssyncset.done $0x0  }
0xac: {  	s0 =	sadd.s32 $0xC00, s0;
	[sflag:s26] =	ssyncadd.s32 $0xFFFFC000  }
0xad: {  	[spmem:s3] =	stream.indirect.scatter.add.f32 [tilespmem:s25], [sflag:$0x2], $0x80, s0, s24, $0xb8;
	[tilespmem:$0x1E800] =	vst v63  }
0xae: {  	_ =	swait.ge [sflag:s22], $0x4000  }
0xaf: {  	[sflag:s22] =	ssyncset.done $0x0  }
0xb0: {  	s28 =	sadd.s32 $0x1, s28;
	[sflag:s22] =	ssyncadd.s32 $0xFFFFC000  }
0xb1: {  	p0 =	sne.s32 s28, s20;
	[bflag:$0x0] =	sbarrier.arrive $0xFFFF  }
0xb2: {  	[hbm:s19], [sflag:s6] =	dma.local [spmem:s30], $0xA00  }
.Ltmp4:
0xb3: {  	_ =	swait.ge [sflag:s22], $0xA00;
	(pc) =	sbr.rel @p0 .LBB2_1-.Ltmp4, $3  }
0xb4: {  	[sflag:s22] =	ssyncset.done $0x0  }
0xb5: {  	[sflag:s22] =	ssyncadd.s32 $0xFFFFF600  }
0xb6: {  	[bflag:$0x0] =	sbarrier.arrive $0xFFFF;
	_ =	sdelay $0x1  }
0xb7: {  	_ =	sfence.sel $0x180000  }
0xb8: {  	[bflag:$0x0] =	sbarrier.arrive $0xFFFF  }
0xb9: {  	_ =	strace $0x9000004A  }
0xba: {  	s0 =	stileid.u32;
	[bflag:$0x2] =	sbarrier.arrive $0xFFFF  }
0xbb: {  	p0 =	sne.s32 s0, $0x0;
	s0 =	rddreg [dreg:$0x3]  }
0xbc: {  	s0 =	sadd.s32 @!p0 $0x100000, s0  }
0xbd: {  	[sflag:s0] =	ssyncadd.tile.s32 @!p0 $0x1;
	_ =	shalt  }
.Lfunc_end2:
_tile_overlayer_lowered:
.L_overlay_start_2:
0xbe: {  	(tag) =	ssettag $0x2  }
0xbf: {  	s0 =	rddreg [dreg:$0x0];
	s2 =	stileid.u32  }
0xc0: {  	s1 =	rddreg [dreg:$0x1];
	p0 =	sne.s32 s2, $0x0  }
0xc1: {  	s3 =	rddreg [dreg:$0x2];
	[bflag:$0x3] =	sbarrier.arrive $0xFFFF;
	s2 =	simm.s32 @!p0 $0x1C02  }
0xc2: {  	[timem:s3], [sflag:s2] =	dma.local @!p0 [hbm:s0], s1  }
0xc3: {  	s0 =	simm.s32 @!p0 $0x2  }
0xc4: {  	_ =	swait.ge @!p0 [sflag:s0], s1  }
0xc5: {  	s1 =	ssub.s32 @!p0 $0x0, s1;
	[sflag:s0] =	ssyncset.done @!p0 $0x0  }
0xc6: {  	[sflag:s0] =	ssyncadd.s32 @!p0 s1  }
0xc7: {  	[bflag:$0x3] =	sbarrier.arrive $0xFFFF  }
0xc8: {  	_ =	shalt  }

// kernel: kernel.14.cloned.1.call-start
scs
__scs_entry_jumppad:
0x0: {  	(pc) =	sbr.rel $0x88, $3  }
0x1: {  	(tag) =	ssettag $0x0;
	lr =	simm.s32 $0x1  }
0x2: {  	[smem:$0x3F9A] =	sst lr;
	_ =	strace $0xD0000000  }
0x3: {  	_ = 	snop  }
0x4: {  	_ = 	snop  }
0x5: {  	_ = 	snop  }
0x6: {  	_ = 	snop  }
0x7: {  	_ = 	snop  }
__scs_overlays_trampoline_lowered:
0x8: {  	[smem:$0x3FA9] =	sst s0  }
0x9: {  	[smem:$0x3FAA] =	sst s1  }
0xa: {  	[smem:$0x3FAB] =	sst s2  }
0xb: {  	[smem:$0x3FAC] =	sst s3  }
0xc: {  	[smem:$0x3FAD] =	sst s4  }
0xd: {  	[smem:$0x3FAE] =	sst s5  }
0xe: {  	[smem:$0x3FAF] =	sst s6  }
0xf: {  	[smem:$0x3FB0] =	sst s7  }
0x10: {  	[smem:$0x3FB1] =	sst s8  }
0x11: {  	[smem:$0x3FB2] =	sst s9;
	s0 =	simm.s32 @!p0 $0x0  }
0x12: {  	s1 =	sld [smem:$0x3F98];
	s0 =	simm.s32 @p0 $0x1  }
0x13: {  	[smem:$0x3FB3] =	sst s0;
	s0 =	simm.s32 @!p1 $0x0  }
0x14: {  	s2 =	sld [smem:$0x3F97];
	s0 =	simm.s32 @p1 $0x1  }
0x15: {  	[smem:$0x3FB4] =	sst s0;
	s0 =	simm.s32 @!p2 $0x0  }
0x16: {  	s3 =	sld [smem:$0x3FDB];
	s0 =	simm.s32 @p2 $0x1  }
0x17: {  	s4 =	simm.s32 $0x1BF5;
	[smem:$0x3FB6] =	sst s0  }
0x18: {  	s0 =	sld [smem:$0x3F99];
	_ =	swait.ge [sflag:s4], $0x0  }
0x19: {  	s7 =	sld [smem:$0x3F9A]  }
0x1a: {  	s8 =	sadd.s32 $0xFFFFE003, lr  }
0x1b: {  	s9 =	sadd.s32 $0xFFFFFEF7, lr;
	s5 =	simm.s32 $0xFFFFFFFF;
	p2 =	slt.u32 s8, $0xFFFFF086  }
0x1c: {  	p1 =	slt.u32 s9, $0xF7A;
	s5 =	simm.s32 @!p2 $0x0  }
0x1d: {  	s5 =	simm.s32 @p1 $0x1;
	p0 =	seq.s32 s7, s2  }
0x1e: {  	s7 =	smul.u32 @!p0 $0xF7A, s2;
	p2 =	seq.s32 @!p0 s5, $0x0  }
0x1f: {  	s9 =	smul.u32 $0xF7A, s1;
	s8 =	simm.s32 @!p0 $0x1BF5;
	p2 =	por !p2, p0  }
0x20: {  	[sflag:s8] =	ssyncset.s32 @!p0 $0xFFFFF086;
	s6 =	sadd.s32 @!p0 s3, s7;
	s7 =	simm.s32 @!p0 $0x108  }
0x21: {  	s3 =	sadd.s32 s3, s9;
	s6 =	sadd.s32 @!p0 $0x88, s6;
	s7 =	simm.s32 @p2 $0x1082  }
0x22: {  	[simem:s7], [sflag:s8] =	dma.local @!p0 [hbm:s6], $0xF7A  }
0x23: {  	s9 =	sor.u32 $0xD0000000, s2;
	s6 =	simm.s32 $0x108;
	_ =	swait.ge @!p0 [sflag:s8], $0x0  }
0x24: {  	s3 =	sadd.s32 $0x88, s3;
	s6 =	simm.s32 @!p1 $0x1082;
	[sflag:s4] =	ssyncset.s32 $0xFFFFF086  }
0x25: {  	[simem:s6], [sflag:s4] =	dma.local [hbm:s3], $0xF7A  }
0x26: {  	[smem:$0x3F9A] =	sst s1;
	(tag) =	ssettag s2;
	_ =	strace s9  }
0x27: {  	s1 =	sld [smem:$0x3FAA]  }
0x28: {  	s2 =	sld [smem:$0x3FAB]  }
0x29: {  	s4 =	sld [smem:$0x3FAD]  }
0x2a: {  	p0 =	seq.s32 s5, $0x0;
	s5 =	sld [smem:$0x3FAE]  }
0x2b: {  	s6 =	sld [smem:$0x3FAF]  }
0x2c: {  	s7 =	sld [smem:$0x3FB0]  }
0x2d: {  	s3 =	simm.s32 $0x108;
	s8 =	sld [smem:$0x3FB1]  }
0x2e: {  	s3 =	simm.s32 @!p0 $0x1082;
	s9 =	sld [smem:$0x3FB2]  }
0x2f: {  	lr =	sadd.s32 s0, s3;
	s0 =	sld [smem:$0x3FA9]  }
0x30: {  	s3 =	sld [smem:$0x3FAC]  }
0x31: {  	[smem:$0x3FB5] =	sst s10  }
0x32: {  	s10 =	sld [smem:$0x3FB3];
	_ =	sdelay $0x3  }
0x33: {  	p0 =	seq.s32 s10, $0x1;
	s10 =	sld [smem:$0x3FB5];
	_ =	sdelay $0x3  }
0x34: {  	[smem:$0x3FB5] =	sst s10  }
0x35: {  	s10 =	sld [smem:$0x3FB4];
	_ =	sdelay $0x3  }
0x36: {  	p1 =	seq.s32 s10, $0x1;
	s10 =	sld [smem:$0x3FB5];
	_ =	sdelay $0x3  }
0x37: {  	[smem:$0x3FB5] =	sst s10  }
0x38: {  	s10 =	sld [smem:$0x3FB6]  }
0x39: {  	_ = 	snop;
	(pc) =	sbr.ind lr, $3  }
0x3a: {  	_ = 	snop  }
0x3b: {  	_ = 	snop  }
0x3c: {  	p2 =	seq.s32 s10, $0x1;
	s10 =	sld [smem:$0x3FB5]  }
0x3d: {  	_ =	shalt  }
0x3e: {  	_ =	shalt  }
0x3f: {  	_ =	shalt  }
0x40: {  	_ =	shalt  }
0x41: {  	_ =	shalt  }
0x42: {  	_ =	shalt  }
0x43: {  	_ =	shalt  }
0x44: {  	_ =	shalt  }
0x45: {  	_ =	shalt  }
0x46: {  	_ =	shalt  }
0x47: {  	_ =	shalt  }
0x48: {  	_ =	shalt  }
0x49: {  	_ =	shalt  }
0x4a: {  	_ =	shalt  }
0x4b: {  	_ =	shalt  }
0x4c: {  	_ =	shalt  }
0x4d: {  	_ =	shalt  }
0x4e: {  	_ =	shalt  }
0x4f: {  	_ =	shalt  }
0x50: {  	_ =	shalt  }
0x51: {  	_ =	shalt  }
0x52: {  	_ =	shalt  }
0x53: {  	_ =	shalt  }
0x54: {  	_ =	shalt  }
0x55: {  	_ =	shalt  }
0x56: {  	_ =	shalt  }
0x57: {  	_ =	shalt  }
0x58: {  	_ =	shalt  }
0x59: {  	_ =	shalt  }
0x5a: {  	_ =	shalt  }
0x5b: {  	_ =	shalt  }
0x5c: {  	_ =	shalt  }
0x5d: {  	_ =	shalt  }
0x5e: {  	_ =	shalt  }
0x5f: {  	_ =	shalt  }
0x60: {  	_ =	shalt  }
0x61: {  	_ =	shalt  }
0x62: {  	_ =	shalt  }
0x63: {  	_ =	shalt  }
0x64: {  	_ =	shalt  }
0x65: {  	_ =	shalt  }
0x66: {  	_ =	shalt  }
0x67: {  	_ =	shalt  }
0x68: {  	_ =	shalt  }
0x69: {  	_ =	shalt  }
0x6a: {  	_ =	shalt  }
0x6b: {  	_ =	shalt  }
0x6c: {  	_ =	shalt  }
0x6d: {  	_ =	shalt  }
0x6e: {  	_ =	shalt  }
0x6f: {  	_ =	shalt  }
0x70: {  	_ =	shalt  }
0x71: {  	_ =	shalt  }
0x72: {  	_ =	shalt  }
0x73: {  	_ =	shalt  }
0x74: {  	_ =	shalt  }
0x75: {  	_ =	shalt  }
0x76: {  	_ =	shalt  }
0x77: {  	_ =	shalt  }
0x78: {  	_ =	shalt  }
0x79: {  	_ =	shalt  }
0x7a: {  	_ =	shalt  }
0x7b: {  	_ =	shalt  }
0x7c: {  	_ =	shalt  }
0x7d: {  	_ =	shalt  }
0x7e: {  	_ =	shalt  }
0x7f: {  	_ =	shalt  }
0x80: {  	_ =	shalt  }
0x81: {  	_ =	shalt  }
0x82: {  	_ =	shalt  }
0x83: {  	_ =	shalt  }
0x84: {  	_ =	shalt  }
0x85: {  	_ =	shalt  }
0x86: {  	_ =	shalt  }
0x87: {  	_ =	shalt  }
.Lfunc_end0:
.L_simem_size_0:
called_computation.2_lowered:
.L_overlay_start_0:
0x88: {  	s2 =	sld [smem:$0x3FD9]  }
0x89: {  	s3 =	sld [smem:$0x3FFE];
	_ =	sdelay $0x1  }
0x8a: {  	s1 =	srdreg.scid  }
0x8b: {  	s0 =	sand.u32 $0x1, s1  }
0x8c: {  	s16 =	sshll.u32 s0, $0xA;
	s2 =	sadd.s32 s3, s2  }
0x8d: {  	s2 =	sadd.s32 s2, s16  }
0x8e: {  	[smem:$0x3FC1] =	sst s2  }
0x8f: {  	_ = 	snop  }
0x90: {  	(tm) =	ssettm $0x1  }
0x91: {  	s17 =	sld [smem:$0x3FFB];
	_ =	sdelay $0x3  }
0x92: {  	_ =	strace s17  }
0x93: {  	s2 =	sld [smem:$0x3FFC];
	_ =	sdelay $0x3  }
0x94: {  	_ =	strace s2  }
0x95: {  	s2 =	sld [smem:$0x3FFD];
	_ =	sdelay $0x3  }
0x96: {  	_ =	strace s2  }
0x97: {  	_ =	strace $0x8FFFFFFF  }
0x98: {  	s18 =	sld [smem:$0x3FDB];
	_ =	sdelay $0x1  }
0x99: {  	s19 =	simm.s32 $_scs_section_size  }
0x9a: {  	s4 =	simm.s32 $_size__tile_overlayer_lowered;
	s5 =	simm.s32 $_tile_overlayer_lowered  }
0x9b: {  	s22 =	simm.s32 $0x1BFF;
	s21 =	sshll.u32 s5, $0x1;
	s2 =	sadd.s32 s19, s18  }
0x9c: {  	s6 =	simm.s32 $0x0;
	s20 =	sshll.u32 s4, $0x1;
	s4 =	sadd.s32 s21, s2  }
0x9d: {  	[timem:s6], [sflag:s22] =	dma.local [hbm:s4], s20  }
0x9e: {  	_ =	swait.ge [sflag:s22], s20  }
0x9f: {  	s3 =	ssub.s32 $0x0, s20;
	[sflag:s22] =	ssyncset.done $0x0  }
0xa0: {  	[sflag:s22] =	ssyncadd.s32 s3;
	_ =	sdelay $0x1  }
0xa1: {  	s23 =	simm.s32 $0x1B8B  }
0xa2: {  	_ =	swait.ge [sflag:s23], $0x1  }
0xa3: {  	[sflag:s23] =	ssyncset.done $0x0  }
0xa4: {  	s25 =	simm.s32 $0x1B8E;
	s24 =	sld [smem:$0x3FFE];
	[sflag:s23] =	ssyncadd.s32 $0xFFFFFFFF  }
0xa5: {  	s26 =	simm.s32 $execute0_lowered;
	[smem:$0x3FD2] =	sst s25  }
0xa6: {  	s4 =	sshll.u32 s26, $0x1;
	_ =	strace $0x8000004C;
	[dreg:$0x1] =	wrdreg $0xFFFFFFFF  }
0xa7: {  	s28 =	simm.s32 $_size_execute0_lowered;
	s2 =	sadd.s32 s2, s4;
	[dreg:$0x0] =	wrdreg $0x0  }
0xa8: {  	s4 =	sshll.u32 s28, $0x1;
	[dreg:$0x2] =	wrdreg s2  }
0xa9: {  	[dreg:$0x3] =	wrdreg s4  }
0xaa: {  	[dreg:$0x4] =	wrdreg $0xC0  }
0xab: {  	_ =	task [dreg:s6], $0x5FFFF  }
0xac: {  	[dreg:$0x1] =	wrdreg $0xFFFFFFFF  }
0xad: {  	[dreg:$0x0] =	wrdreg $0x60  }
0xae: {  	[dreg:$0x2] =	wrdreg s24  }
0xaf: {  	[dreg:$0x3] =	wrdreg $0x58000  }
0xb0: {  	[dreg:$0x4] =	wrdreg $0x194000  }
0xb1: {  	[dreg:$0x5] =	wrdreg $0x9  }
0xb2: {  	_ =	task.clear_ibuf [dreg:s6], $0x6FFFF;
	_ =	strace $0x9000004C  }
0xb3: {  	s29 =	simm.s32 $0x9;
	_ =	strace $0x8000004E  }
0xb4: {  	_ =	swait.ge [sflag:s29], $0x1  }
0xb5: {  	[sflag:s29] =	ssyncadd.s32 $0xFFFFFFFF  }
0xb6: {  	_ =	strace $0x9000004E  }
0xb7: {  	_ =	sfence  }
0xb8: {  	s30 =	sld [smem:$0x0];
	_ =	sdelay $0x2  }
0xb9: {  	s31 =	sshll.u32 s1, $0xD;
	s1 =	sshrl.u32 s1, $0x2  }
0xba: {  	s3 =	sand.u32 $0x4000, s31;
	s1 =	sadd.s32 s1, s30  }
0xbb: {  	s0 =	sor.u32 s3, s0;
	s1 =	sshll.u32 s1, $0x11  }
0xbc: {  	s0 =	sor.u32 s1, s0  }
0xbd: {  	s0 =	sadd.s32 $0x8F2B, s0  }
0xbe: {  	[sflag:s0] =	ssyncadd.remote.s32 $0x1  }
0xbf: {  	_ =	sfence.sel $0xFFFF  }
0xc0: {  	[dreg:$0x0] =	wrdreg $0xFFFFFFFF;
	(pc) =	sbr.abs _section_cstart, $3  }
0xc1: {  	[dreg:$0x1] =	wrdreg $0xFFFFFFFF  }
0xc2: {  	_ =	task.clear_ibuf [dreg:s6], $0x2FFFF;
	_ =	strace $0x9FFFFFFF  }
0xc3: {  	(tm) =	ssettm $0x7FFFFFFF  }
tec
execute0_lowered:
.L_overlay_start_1:
0x0: {  	(tag) =	ssettag $0x1  }
0x1: {  	s5 =	rddreg [dreg:$0x0];
	s0 =	stileid.u32  }
0x2: {  	s2 =	rddreg [dreg:$0x1];
	s6 =	smul.u32 $0x2780, s0  }
0x3: {  	s3 =	rddreg [dreg:$0x2];
	s4 =	simm.s32 $0x0;
	s7 =	smul.u32 $0xA80, s0  }
0x4: {  	s8 =	srdreg.scid;
	s28 =	simm.s32 $0x0;
	s24 =	smul.u32 $0x4F000, s0  }
0x5: {  	[smem:$0x7FF] =	sst s4;
	s17 =	sadd.s32 $0xF400, s5;
	s26 =	smul.u32 $0x15000, s0  }
0x6: {  	s18 =	sadd.s32 $0x3400, s5;
	s11 =	sand.u32 $0x1, s8;
	s14 =	smul.u32 $0x6000, s0  }
0x7: {  	s19 =	sadd.s32 $0x4D400, s5;
	s29 =	sshll.u32 s0, $0x6;
	s22 =	smul.u32 $0x5000, s0  }
0x8: {  	_ =	strace $0x8000004D;
	s25 =	ssub.s32 $0x2, s11;
	s12 =	smul.u32 $0x1800, s11  }
0x9: {  	s13 =	smul.u32 $0xA0000, s11;
	s15 =	sshllo.u32 s11, $0x1;
	s6 =	sadd.s32 s6, s5  }
0xa: {  	s9 =	sadd.s32 s7, s5;
	s10 =	sshrl.u32 s25, $0x1;
	s23 =	smul.u32 $0xC00, s15  }
0xb: {  	s7 =	sshrl.u32 s24, $0x2;
	s30 =	sshrl.u32 s26, $0x2;
	s24 =	smul.u32 $0x14000, s0  }
0xc: {  	s16 =	sadd.s32 $0x3000, s14;
	s26 =	smul.u32 $0x50000, s15;
	s20 =	ssub.s32 s25, s10  }
0xd: {  	s21 =	sadd.s32 s7, s2;
	s5 =	sadd.s32 $0x1B400, s6;
	s6 =	sor.u32 $0x1C02, s29  }
0xe: {  	s7 =	sadd.s32 s30, s3;
	s31 =	sor.u32 s12, s14;
	s8 =	sadd.s32 $0x42C00, s9  }
0xf: {  	s12 =	sadd.s32 s12, s16;
	s13 =	sadd.s32 s22, s13;
	s10 =	sshrl.u32 s31, $0x3  }
0x10: {  	s12 =	sshrl.u32 s12, $0x3;
	s13 =	sshrl.u32 s13, $0x3;
	s14 =	sadd.s32 s14, s23  }
0x11: {  	s24 =	sshrl.u32 s24, $0x2;
	s23 =	sadd.s32 s16, s23;
	s22 =	sadd.s32 s22, s26  }
0x12: {  	s20 =	smax.u32 s20, $0x1;
	s21 =	sshrl.u32 s21, $0x3;
	s26 =	simm.s32 $0x1  }
0x13: {  	s9 =	sadd.s32 s17, s10;
	s10 =	sadd.s32 s18, s10;
	s11 =	sadd.s32 s17, s12  }
0x14: {  	s12 =	sadd.s32 s18, s12;
	s13 =	sadd.s32 s19, s13;
	s25 =	sshrl.u32 s14, $0x3  }
0x15: {  	s14 =	sadd.s32 s24, s3;
	s23 =	sshrl.u32 s23, $0x3;
	s22 =	sshrl.u32 s22, $0x3  }
0x16: {  	s24 =	simm.s32 $0x80;
	s15 =	sadd.s32 s17, s25;
	s16 =	sadd.s32 s18, s25  }
0x17: {  	s17 =	sadd.s32 s17, s23;
	s18 =	sadd.s32 s18, s23;
	s19 =	sadd.s32 s19, s22  }
0x18: {  	s22 =	simm.s32 $0x2;
	s23 =	simm.s32 $0xC00;
	s25 =	simm.s32 $0x1800  }
.LBB2_1:
0x19: {  	[spmem:s21], [sflag:s6] =	dma.local [hbm:s5], $0x2780  }
0x1a: {  	_ =	swait.ge [sflag:s22], $0x2780  }
0x1b: {  	[sflag:s22] =	ssyncset.done $0x0  }
0x1c: {  	s29 =	sshrl.u32 s7, $0x3;
	[sflag:s22] =	ssyncadd.s32 $0xFFFFD880  }
0x1d: {  	[spmem:s29], [sflag:s6] =	dma.local [hbm:s8], $0xA80  }
0x1e: {  	_ =	swait.ge [sflag:s22], $0xA80  }
0x1f: {  	[sflag:s22] =	ssyncset.done $0x0  }
0x20: {  	[sflag:s22] =	ssyncadd.s32 $0xFFFFF580  }
0x21: {  	[bflag:$0x0] =	sbarrier.arrive $0xFFFF  }
0x22: {  	[tilespmem:s4], [sflag:$0x2] =	stream.linear.gather [hbm4b:s9+s4], $0xC00, $0x38;
	[tilespmem:$0x1E800] =	vst v63  }
0x23: {  	_ =	swait.ge [sflag:s22], $0xC00  }
0x24: {  	[sflag:s22] =	ssyncset.done $0x0  }
0x25: {  	[sflag:s22] =	ssyncadd.s32 $0xFFFFF400  }
0x26: {  	[tilespmem:s23], [sflag:$0x2] =	stream.linear.gather [hbm4b:s10+s4], $0xC00, $0x38;
	[tilespmem:$0x1E800] =	vst v63  }
0x27: {  	_ =	swait.ge [sflag:s22], $0xC00  }
0x28: {  	[sflag:s22] =	ssyncset.done $0x0  }
0x29: {  	s30 =	simm.s32 $0x0;
	[sflag:s22] =	ssyncadd.s32 $0xFFFFF400  }
0x2a: {  	[tilespmem:s25], [sflag:$0x1] =	stream.indirect.gather [spmem:s2], $0x80, s30, s24, $0xb8;
	[tilespmem:$0x1E800] =	vst v63  }
0x2b: {  	_ =	swait.ge [sflag:s26], $0x4000  }
0x2c: {  	[sflag:s26] =	ssyncset.done $0x0  }
0x2d: {  	s30 =	simm.s32 $0xC00;
	[sflag:s26] =	ssyncadd.s32 $0xFFFFC000  }
0x2e: {  	[spmem:s3] =	stream.indirect.scatter.add.f32 [tilespmem:s25], [sflag:$0x2], $0x80, s30, s24, $0xb8;
	[tilespmem:$0x1E800] =	vst v63  }
0x2f: {  	_ =	swait.ge [sflag:s22], $0x4000  }
0x30: {  	s31 =	simm.s32 $0x400;
	s30 =	simm.s32 $0x200;
	[sflag:s22] =	ssyncset.done $0x0  }
.LBB2_2:
0x31: {  	s0 =	sshra.s32 s30, $0x2  }
0x32: {  	[sflag:s22] =	ssyncadd.s32 $0xFFFFC000;
	s30 =	smov.u32 s31;
	s1 =	sadd.s32 $0x200, s31  }
0x33: {  	[tilespmem:s25], [sflag:$0x1] =	stream.indirect.gather [spmem:s2], $0x80, s0, s24, $0xb8;
	[tilespmem:$0x1E800] =	vst v63  }
0x34: {  	p0 =	sne.s32 s31, $0x2E00;
	_ =	swait.ge [sflag:s26], $0x4000  }
.Ltmp0:
0x35: {  	[sflag:s26] =	ssyncset.done $0x0;
	(pc) =	sbr.rel @p0 .LBB2_2-.Ltmp0, $4  }
0x36: {  	s0 =	sadd.s32 $0xC00, s0;
	[sflag:s26] =	ssyncadd.s32 $0xFFFFC000  }
0x37: {  	[spmem:s3] =	stream.indirect.scatter.add.f32 [tilespmem:s25], [sflag:$0x2], $0x80, s0, s24, $0xb8;
	[tilespmem:$0x1E800] =	vst v63  }
0x38: {  	_ =	swait.ge [sflag:s22], $0x4000  }
0x39: {  	s31 =	smov.u32 s1;
	[sflag:s22] =	ssyncset.done $0x0  }
0x3a: {  	s0 =	sshra.s32 s30, $0x2;
	[sflag:s22] =	ssyncadd.s32 $0xFFFFC000  }
0x3b: {  	[tilespmem:s25], [sflag:$0x1] =	stream.indirect.gather [spmem:s2], $0x80, s0, s24, $0xb8;
	[tilespmem:$0x1E800] =	vst v63  }
0x3c: {  	_ =	swait.ge [sflag:s26], $0x4000  }
0x3d: {  	[sflag:s26] =	ssyncset.done $0x0  }
0x3e: {  	s0 =	sadd.s32 $0xC00, s0;
	[sflag:s26] =	ssyncadd.s32 $0xFFFFC000  }
0x3f: {  	[spmem:s3] =	stream.indirect.scatter.add.f32 [tilespmem:s25], [sflag:$0x2], $0x80, s0, s24, $0xb8;
	[tilespmem:$0x1E800] =	vst v63  }
0x40: {  	_ =	swait.ge [sflag:s22], $0x4000  }
0x41: {  	[sflag:s22] =	ssyncset.done $0x0  }
0x42: {  	s1 =	simm.s32 $0x0;
	[sflag:s22] =	ssyncadd.s32 $0xFFFFC000  }
0x43: {  	[tilespmem:s1], [sflag:$0x2] =	stream.linear.gather [hbm4b:s11+s1], $0xC00, $0x38;
	[tilespmem:$0x1E800] =	vst v63  }
0x44: {  	_ =	swait.ge [sflag:s22], $0xC00  }
0x45: {  	[sflag:s22] =	ssyncset.done $0x0  }
0x46: {  	[sflag:s22] =	ssyncadd.s32 $0xFFFFF400  }
0x47: {  	[tilespmem:s23], [sflag:$0x2] =	stream.linear.gather [hbm4b:s12+s1], $0xC00, $0x38;
	[tilespmem:$0x1E800] =	vst v63  }
0x48: {  	_ =	swait.ge [sflag:s22], $0xC00  }
0x49: {  	[sflag:s22] =	ssyncset.done $0x0  }
0x4a: {  	s1 =	simm.s32 $0x0;
	[sflag:s22] =	ssyncadd.s32 $0xFFFFF400  }
0x4b: {  	[tilespmem:s25], [sflag:$0x1] =	stream.indirect.gather [spmem:s2], $0x80, s1, s24, $0xb8;
	[tilespmem:$0x1E800] =	vst v63  }
0x4c: {  	_ =	swait.ge [sflag:s26], $0x4000  }
0x4d: {  	[sflag:s26] =	ssyncset.done $0x0  }
0x4e: {  	s1 =	simm.s32 $0xC00;
	[sflag:s26] =	ssyncadd.s32 $0xFFFFC000  }
0x4f: {  	[spmem:s3] =	stream.indirect.scatter.add.f32 [tilespmem:s25], [sflag:$0x2], $0x80, s1, s24, $0xb8;
	[tilespmem:$0x1E800] =	vst v63  }
0x50: {  	_ =	swait.ge [sflag:s22], $0x4000  }
0x51: {  	s30 =	simm.s32 $0x200;
	s31 =	simm.s32 $0x400;
	[sflag:s22] =	ssyncset.done $0x0  }
.LBB2_4:
0x52: {  	s0 =	sshra.s32 s30, $0x2  }
0x53: {  	[sflag:s22] =	ssyncadd.s32 $0xFFFFC000;
	s30 =	smov.u32 s31;
	s1 =	sadd.s32 $0x200, s31  }
0x54: {  	[tilespmem:s25], [sflag:$0x1] =	stream.indirect.gather [spmem:s2], $0x80, s0, s24, $0xb8;
	[tilespmem:$0x1E800] =	vst v63  }
0x55: {  	p0 =	sne.s32 s31, $0x2E00;
	_ =	swait.ge [sflag:s26], $0x4000  }
.Ltmp1:
0x56: {  	[sflag:s26] =	ssyncset.done $0x0;
	(pc) =	sbr.rel @p0 .LBB2_4-.Ltmp1, $4  }
0x57: {  	s0 =	sadd.s32 $0xC00, s0;
	[sflag:s26] =	ssyncadd.s32 $0xFFFFC000  }
0x58: {  	[spmem:s3] =	stream.indirect.scatter.add.f32 [tilespmem:s25], [sflag:$0x2], $0x80, s0, s24, $0xb8;
	[tilespmem:$0x1E800] =	vst v63  }
0x59: {  	_ =	swait.ge [sflag:s22], $0x4000  }
0x5a: {  	s31 =	smov.u32 s1;
	[sflag:s22] =	ssyncset.done $0x0  }
0x5b: {  	s0 =	sshra.s32 s30, $0x2;
	[sflag:s22] =	ssyncadd.s32 $0xFFFFC000  }
0x5c: {  	[tilespmem:s25], [sflag:$0x1] =	stream.indirect.gather [spmem:s2], $0x80, s0, s24, $0xb8;
	[tilespmem:$0x1E800] =	vst v63  }
0x5d: {  	_ =	swait.ge [sflag:s26], $0x4000  }
0x5e: {  	[sflag:s26] =	ssyncset.done $0x0  }
0x5f: {  	s0 =	sadd.s32 $0xC00, s0;
	[sflag:s26] =	ssyncadd.s32 $0xFFFFC000  }
0x60: {  	[spmem:s3] =	stream.indirect.scatter.add.f32 [tilespmem:s25], [sflag:$0x2], $0x80, s0, s24, $0xb8;
	[tilespmem:$0x1E800] =	vst v63  }
0x61: {  	_ =	swait.ge [sflag:s22], $0x4000  }
0x62: {  	[sflag:s22] =	ssyncset.done $0x0  }
0x63: {  	[sflag:s22] =	ssyncadd.s32 $0xFFFFC000  }
0x64: {  	s30 =	sshrl.u32 s14, $0x3;
	[bflag:$0x0] =	sbarrier.arrive $0xFFFF  }
0x65: {  	[hbm:s13], [sflag:s6] =	dma.local [spmem:s30], $0xA00  }
0x66: {  	_ =	swait.ge [sflag:s22], $0xA00  }
0x67: {  	[sflag:s22] =	ssyncset.done $0x0  }
0x68: {  	[sflag:s22] =	ssyncadd.s32 $0xFFFFF600  }
0x69: {  	[bflag:$0x0] =	sbarrier.arrive $0xFFFF  }
0x6a: {  	[spmem:s29], [sflag:s6] =	dma.local [hbm:s8], $0xA80  }
0x6b: {  	_ =	swait.ge [sflag:s22], $0xA80  }
0x6c: {  	[sflag:s22] =	ssyncset.done $0x0  }
0x6d: {  	[sflag:s22] =	ssyncadd.s32 $0xFFFFF580  }
0x6e: {  	s1 =	simm.s32 $0x0;
	[bflag:$0x0] =	sbarrier.arrive $0xFFFF  }
0x6f: {  	[tilespmem:s1], [sflag:$0x2] =	stream.linear.gather [hbm4b:s15+s1], $0xC00, $0x38;
	[tilespmem:$0x1E800] =	vst v63  }
0x70: {  	_ =	swait.ge [sflag:s22], $0xC00  }
0x71: {  	[sflag:s22] =	ssyncset.done $0x0  }
0x72: {  	[sflag:s22] =	ssyncadd.s32 $0xFFFFF400  }
0x73: {  	[tilespmem:s23], [sflag:$0x2] =	stream.linear.gather [hbm4b:s16+s1], $0xC00, $0x38;
	[tilespmem:$0x1E800] =	vst v63  }
0x74: {  	_ =	swait.ge [sflag:s22], $0xC00  }
0x75: {  	[sflag:s22] =	ssyncset.done $0x0  }
0x76: {  	s1 =	simm.s32 $0x0;
	[sflag:s22] =	ssyncadd.s32 $0xFFFFF400  }
0x77: {  	[tilespmem:s25], [sflag:$0x1] =	stream.indirect.gather [spmem:s2], $0x80, s1, s24, $0xb8;
	[tilespmem:$0x1E800] =	vst v63  }
0x78: {  	_ =	swait.ge [sflag:s26], $0x4000  }
0x79: {  	[sflag:s26] =	ssyncset.done $0x0  }
0x7a: {  	s1 =	simm.s32 $0xC00;
	[sflag:s26] =	ssyncadd.s32 $0xFFFFC000  }
0x7b: {  	[spmem:s3] =	stream.indirect.scatter.add.f32 [tilespmem:s25], [sflag:$0x2], $0x80, s1, s24, $0xb8;
	[tilespmem:$0x1E800] =	vst v63  }
0x7c: {  	_ =	swait.ge [sflag:s22], $0x4000  }
0x7d: {  	s31 =	simm.s32 $0x400;
	s29 =	simm.s32 $0x200;
	[sflag:s22] =	ssyncset.done $0x0  }
.LBB2_6:
0x7e: {  	s0 =	sshra.s32 s29, $0x2  }
0x7f: {  	[sflag:s22] =	ssyncadd.s32 $0xFFFFC000;
	s29 =	smov.u32 s31;
	s1 =	sadd.s32 $0x200, s31  }
0x80: {  	[tilespmem:s25], [sflag:$0x1] =	stream.indirect.gather [spmem:s2], $0x80, s0, s24, $0xb8;
	[tilespmem:$0x1E800] =	vst v63  }
0x81: {  	p0 =	sne.s32 s31, $0x2E00;
	_ =	swait.ge [sflag:s26], $0x4000  }
.Ltmp2:
0x82: {  	[sflag:s26] =	ssyncset.done $0x0;
	(pc) =	sbr.rel @p0 .LBB2_6-.Ltmp2, $4  }
0x83: {  	s0 =	sadd.s32 $0xC00, s0;
	[sflag:s26] =	ssyncadd.s32 $0xFFFFC000  }
0x84: {  	[spmem:s3] =	stream.indirect.scatter.add.f32 [tilespmem:s25], [sflag:$0x2], $0x80, s0, s24, $0xb8;
	[tilespmem:$0x1E800] =	vst v63  }
0x85: {  	_ =	swait.ge [sflag:s22], $0x4000  }
0x86: {  	s31 =	smov.u32 s1;
	[sflag:s22] =	ssyncset.done $0x0  }
0x87: {  	s0 =	sshra.s32 s29, $0x2;
	[sflag:s22] =	ssyncadd.s32 $0xFFFFC000  }
0x88: {  	[tilespmem:s25], [sflag:$0x1] =	stream.indirect.gather [spmem:s2], $0x80, s0, s24, $0xb8;
	[tilespmem:$0x1E800] =	vst v63  }
0x89: {  	_ =	swait.ge [sflag:s26], $0x4000  }
0x8a: {  	[sflag:s26] =	ssyncset.done $0x0  }
0x8b: {  	s0 =	sadd.s32 $0xC00, s0;
	[sflag:s26] =	ssyncadd.s32 $0xFFFFC000  }
0x8c: {  	[spmem:s3] =	stream.indirect.scatter.add.f32 [tilespmem:s25], [sflag:$0x2], $0x80, s0, s24, $0xb8;
	[tilespmem:$0x1E800] =	vst v63  }
0x8d: {  	_ =	swait.ge [sflag:s22], $0x4000  }
0x8e: {  	[sflag:s22] =	ssyncset.done $0x0  }
0x8f: {  	s1 =	simm.s32 $0x0;
	[sflag:s22] =	ssyncadd.s32 $0xFFFFC000  }
0x90: {  	[tilespmem:s1], [sflag:$0x2] =	stream.linear.gather [hbm4b:s17+s1], $0xC00, $0x38;
	[tilespmem:$0x1E800] =	vst v63  }
0x91: {  	_ =	swait.ge [sflag:s22], $0xC00  }
0x92: {  	[sflag:s22] =	ssyncset.done $0x0  }
0x93: {  	[sflag:s22] =	ssyncadd.s32 $0xFFFFF400  }
0x94: {  	[tilespmem:s23], [sflag:$0x2] =	stream.linear.gather [hbm4b:s18+s1], $0xC00, $0x38;
	[tilespmem:$0x1E800] =	vst v63  }
0x95: {  	_ =	swait.ge [sflag:s22], $0xC00  }
0x96: {  	[sflag:s22] =	ssyncset.done $0x0  }
0x97: {  	s1 =	simm.s32 $0x0;
	[sflag:s22] =	ssyncadd.s32 $0xFFFFF400  }
0x98: {  	[tilespmem:s25], [sflag:$0x1] =	stream.indirect.gather [spmem:s2], $0x80, s1, s24, $0xb8;
	[tilespmem:$0x1E800] =	vst v63  }
0x99: {  	_ =	swait.ge [sflag:s26], $0x4000  }
0x9a: {  	[sflag:s26] =	ssyncset.done $0x0  }
0x9b: {  	s1 =	simm.s32 $0xC00;
	[sflag:s26] =	ssyncadd.s32 $0xFFFFC000  }
0x9c: {  	[spmem:s3] =	stream.indirect.scatter.add.f32 [tilespmem:s25], [sflag:$0x2], $0x80, s1, s24, $0xb8;
	[tilespmem:$0x1E800] =	vst v63  }
0x9d: {  	_ =	swait.ge [sflag:s22], $0x4000  }
0x9e: {  	s29 =	simm.s32 $0x200;
	s31 =	simm.s32 $0x400;
	[sflag:s22] =	ssyncset.done $0x0  }
.LBB2_8:
0x9f: {  	s0 =	sshra.s32 s29, $0x2  }
0xa0: {  	[sflag:s22] =	ssyncadd.s32 $0xFFFFC000;
	s29 =	smov.u32 s31;
	s1 =	sadd.s32 $0x200, s31  }
0xa1: {  	[tilespmem:s25], [sflag:$0x1] =	stream.indirect.gather [spmem:s2], $0x80, s0, s24, $0xb8;
	[tilespmem:$0x1E800] =	vst v63  }
0xa2: {  	p0 =	sne.s32 s31, $0x2E00;
	_ =	swait.ge [sflag:s26], $0x4000  }
.Ltmp3:
0xa3: {  	[sflag:s26] =	ssyncset.done $0x0;
	(pc) =	sbr.rel @p0 .LBB2_8-.Ltmp3, $4  }
0xa4: {  	s0 =	sadd.s32 $0xC00, s0;
	[sflag:s26] =	ssyncadd.s32 $0xFFFFC000  }
0xa5: {  	[spmem:s3] =	stream.indirect.scatter.add.f32 [tilespmem:s25], [sflag:$0x2], $0x80, s0, s24, $0xb8;
	[tilespmem:$0x1E800] =	vst v63  }
0xa6: {  	_ =	swait.ge [sflag:s22], $0x4000  }
0xa7: {  	s31 =	smov.u32 s1;
	[sflag:s22] =	ssyncset.done $0x0  }
0xa8: {  	s0 =	sshra.s32 s29, $0x2;
	[sflag:s22] =	ssyncadd.s32 $0xFFFFC000  }
0xa9: {  	[tilespmem:s25], [sflag:$0x1] =	stream.indirect.gather [spmem:s2], $0x80, s0, s24, $0xb8;
	[tilespmem:$0x1E800] =	vst v63  }
0xaa: {  	_ =	swait.ge [sflag:s26], $0x4000  }
0xab: {  	[sflag:s26] =	ssyncset.done $0x0  }
0xac: {  	s0 =	sadd.s32 $0xC00, s0;
	[sflag:s26] =	ssyncadd.s32 $0xFFFFC000  }
0xad: {  	[spmem:s3] =	stream.indirect.scatter.add.f32 [tilespmem:s25], [sflag:$0x2], $0x80, s0, s24, $0xb8;
	[tilespmem:$0x1E800] =	vst v63  }
0xae: {  	_ =	swait.ge [sflag:s22], $0x4000  }
0xaf: {  	[sflag:s22] =	ssyncset.done $0x0  }
0xb0: {  	s28 =	sadd.s32 $0x1, s28;
	[sflag:s22] =	ssyncadd.s32 $0xFFFFC000  }
0xb1: {  	p0 =	sne.s32 s28, s20;
	[bflag:$0x0] =	sbarrier.arrive $0xFFFF  }
0xb2: {  	[hbm:s19], [sflag:s6] =	dma.local [spmem:s30], $0xA00  }
.Ltmp4:
0xb3: {  	_ =	swait.ge [sflag:s22], $0xA00;
	(pc) =	sbr.rel @p0 .LBB2_1-.Ltmp4, $3  }
0xb4: {  	[sflag:s22] =	ssyncset.done $0x0  }
0xb5: {  	[sflag:s22] =	ssyncadd.s32 $0xFFFFF600  }
0xb6: {  	[bflag:$0x0] =	sbarrier.arrive $0xFFFF;
	_ =	sdelay $0x1  }
0xb7: {  	_ =	sfence.sel $0x180000  }
0xb8: {  	[bflag:$0x0] =	sbarrier.arrive $0xFFFF  }
0xb9: {  	_ =	strace $0x9000004D  }
0xba: {  	s0 =	stileid.u32;
	[bflag:$0x2] =	sbarrier.arrive $0xFFFF  }
0xbb: {  	p0 =	sne.s32 s0, $0x0;
	s0 =	rddreg [dreg:$0x3]  }
0xbc: {  	s0 =	sadd.s32 @!p0 $0x100000, s0  }
0xbd: {  	[sflag:s0] =	ssyncadd.tile.s32 @!p0 $0x1;
	_ =	shalt  }
.Lfunc_end2:
_tile_overlayer_lowered:
.L_overlay_start_2:
0xbe: {  	(tag) =	ssettag $0x2  }
0xbf: {  	s0 =	rddreg [dreg:$0x0];
	s2 =	stileid.u32  }
0xc0: {  	s1 =	rddreg [dreg:$0x1];
	p0 =	sne.s32 s2, $0x0  }
0xc1: {  	s3 =	rddreg [dreg:$0x2];
	[bflag:$0x3] =	sbarrier.arrive $0xFFFF;
	s2 =	simm.s32 @!p0 $0x1C02  }
0xc2: {  	[timem:s3], [sflag:s2] =	dma.local @!p0 [hbm:s0], s1  }
0xc3: {  	s0 =	simm.s32 @!p0 $0x2  }
0xc4: {  	_ =	swait.ge @!p0 [sflag:s0], s1  }
0xc5: {  	s1 =	ssub.s32 @!p0 $0x0, s1;
	[sflag:s0] =	ssyncset.done @!p0 $0x0  }
0xc6: {  	[sflag:s0] =	ssyncadd.s32 @!p0 s1  }
0xc7: {  	[bflag:$0x3] =	sbarrier.arrive $0xFFFF  }
0xc8: {  	_ =	shalt  }

// kernel: kernel.8.cloned.1.call-start
scs
__scs_entry_jumppad:
0x0: {  	(pc) =	sbr.rel $0x88, $3  }
0x1: {  	(tag) =	ssettag $0x0;
	lr =	simm.s32 $0x1  }
0x2: {  	[smem:$0x3F9A] =	sst lr;
	_ =	strace $0xD0000000  }
0x3: {  	_ = 	snop  }
0x4: {  	_ = 	snop  }
0x5: {  	_ = 	snop  }
0x6: {  	_ = 	snop  }
0x7: {  	_ = 	snop  }
__scs_overlays_trampoline_lowered:
0x8: {  	[smem:$0x3FA9] =	sst s0  }
0x9: {  	[smem:$0x3FAA] =	sst s1  }
0xa: {  	[smem:$0x3FAB] =	sst s2  }
0xb: {  	[smem:$0x3FAC] =	sst s3  }
0xc: {  	[smem:$0x3FAD] =	sst s4  }
0xd: {  	[smem:$0x3FAE] =	sst s5  }
0xe: {  	[smem:$0x3FAF] =	sst s6  }
0xf: {  	[smem:$0x3FB0] =	sst s7  }
0x10: {  	[smem:$0x3FB1] =	sst s8  }
0x11: {  	[smem:$0x3FB2] =	sst s9;
	s0 =	simm.s32 @!p0 $0x0  }
0x12: {  	s1 =	sld [smem:$0x3F98];
	s0 =	simm.s32 @p0 $0x1  }
0x13: {  	[smem:$0x3FB3] =	sst s0;
	s0 =	simm.s32 @!p1 $0x0  }
0x14: {  	s2 =	sld [smem:$0x3F97];
	s0 =	simm.s32 @p1 $0x1  }
0x15: {  	[smem:$0x3FB4] =	sst s0;
	s0 =	simm.s32 @!p2 $0x0  }
0x16: {  	s3 =	sld [smem:$0x3FDB];
	s0 =	simm.s32 @p2 $0x1  }
0x17: {  	s4 =	simm.s32 $0x1BF5;
	[smem:$0x3FB6] =	sst s0  }
0x18: {  	s0 =	sld [smem:$0x3F99];
	_ =	swait.ge [sflag:s4], $0x0  }
0x19: {  	s7 =	sld [smem:$0x3F9A]  }
0x1a: {  	s8 =	sadd.s32 $0xFFFFE003, lr  }
0x1b: {  	s9 =	sadd.s32 $0xFFFFFEF7, lr;
	s5 =	simm.s32 $0xFFFFFFFF;
	p2 =	slt.u32 s8, $0xFFFFF086  }
0x1c: {  	p1 =	slt.u32 s9, $0xF7A;
	s5 =	simm.s32 @!p2 $0x0  }
0x1d: {  	s5 =	simm.s32 @p1 $0x1;
	p0 =	seq.s32 s7, s2  }
0x1e: {  	s7 =	smul.u32 @!p0 $0xF7A, s2;
	p2 =	seq.s32 @!p0 s5, $0x0  }
0x1f: {  	s9 =	smul.u32 $0xF7A, s1;
	s8 =	simm.s32 @!p0 $0x1BF5;
	p2 =	por !p2, p0  }
0x20: {  	[sflag:s8] =	ssyncset.s32 @!p0 $0xFFFFF086;
	s6 =	sadd.s32 @!p0 s3, s7;
	s7 =	simm.s32 @!p0 $0x108  }
0x21: {  	s3 =	sadd.s32 s3, s9;
	s6 =	sadd.s32 @!p0 $0x88, s6;
	s7 =	simm.s32 @p2 $0x1082  }
0x22: {  	[simem:s7], [sflag:s8] =	dma.local @!p0 [hbm:s6], $0xF7A  }
0x23: {  	s9 =	sor.u32 $0xD0000000, s2;
	s6 =	simm.s32 $0x108;
	_ =	swait.ge @!p0 [sflag:s8], $0x0  }
0x24: {  	s3 =	sadd.s32 $0x88, s3;
	s6 =	simm.s32 @!p1 $0x1082;
	[sflag:s4] =	ssyncset.s32 $0xFFFFF086  }
0x25: {  	[simem:s6], [sflag:s4] =	dma.local [hbm:s3], $0xF7A  }
0x26: {  	[smem:$0x3F9A] =	sst s1;
	(tag) =	ssettag s2;
	_ =	strace s9  }
0x27: {  	s1 =	sld [smem:$0x3FAA]  }
0x28: {  	s2 =	sld [smem:$0x3FAB]  }
0x29: {  	s4 =	sld [smem:$0x3FAD]  }
0x2a: {  	p0 =	seq.s32 s5, $0x0;
	s5 =	sld [smem:$0x3FAE]  }
0x2b: {  	s6 =	sld [smem:$0x3FAF]  }
0x2c: {  	s7 =	sld [smem:$0x3FB0]  }
0x2d: {  	s3 =	simm.s32 $0x108;
	s8 =	sld [smem:$0x3FB1]  }
0x2e: {  	s3 =	simm.s32 @!p0 $0x1082;
	s9 =	sld [smem:$0x3FB2]  }
0x2f: {  	lr =	sadd.s32 s0, s3;
	s0 =	sld [smem:$0x3FA9]  }
0x30: {  	s3 =	sld [smem:$0x3FAC]  }
0x31: {  	[smem:$0x3FB5] =	sst s10  }
0x32: {  	s10 =	sld [smem:$0x3FB3];
	_ =	sdelay $0x3  }
0x33: {  	p0 =	seq.s32 s10, $0x1;
	s10 =	sld [smem:$0x3FB5];
	_ =	sdelay $0x3  }
0x34: {  	[smem:$0x3FB5] =	sst s10  }
0x35: {  	s10 =	sld [smem:$0x3FB4];
	_ =	sdelay $0x3  }
0x36: {  	p1 =	seq.s32 s10, $0x1;
	s10 =	sld [smem:$0x3FB5];
	_ =	sdelay $0x3  }
0x37: {  	[smem:$0x3FB5] =	sst s10  }
0x38: {  	s10 =	sld [smem:$0x3FB6]  }
0x39: {  	_ = 	snop;
	(pc) =	sbr.ind lr, $3  }
0x3a: {  	_ = 	snop  }
0x3b: {  	_ = 	snop  }
0x3c: {  	p2 =	seq.s32 s10, $0x1;
	s10 =	sld [smem:$0x3FB5]  }
0x3d: {  	_ =	shalt  }
0x3e: {  	_ =	shalt  }
0x3f: {  	_ =	shalt  }
0x40: {  	_ =	shalt  }
0x41: {  	_ =	shalt  }
0x42: {  	_ =	shalt  }
0x43: {  	_ =	shalt  }
0x44: {  	_ =	shalt  }
0x45: {  	_ =	shalt  }
0x46: {  	_ =	shalt  }
0x47: {  	_ =	shalt  }
0x48: {  	_ =	shalt  }
0x49: {  	_ =	shalt  }
0x4a: {  	_ =	shalt  }
0x4b: {  	_ =	shalt  }
0x4c: {  	_ =	shalt  }
0x4d: {  	_ =	shalt  }
0x4e: {  	_ =	shalt  }
0x4f: {  	_ =	shalt  }
0x50: {  	_ =	shalt  }
0x51: {  	_ =	shalt  }
0x52: {  	_ =	shalt  }
0x53: {  	_ =	shalt  }
0x54: {  	_ =	shalt  }
0x55: {  	_ =	shalt  }
0x56: {  	_ =	shalt  }
0x57: {  	_ =	shalt  }
0x58: {  	_ =	shalt  }
0x59: {  	_ =	shalt  }
0x5a: {  	_ =	shalt  }
0x5b: {  	_ =	shalt  }
0x5c: {  	_ =	shalt  }
0x5d: {  	_ =	shalt  }
0x5e: {  	_ =	shalt  }
0x5f: {  	_ =	shalt  }
0x60: {  	_ =	shalt  }
0x61: {  	_ =	shalt  }
0x62: {  	_ =	shalt  }
0x63: {  	_ =	shalt  }
0x64: {  	_ =	shalt  }
0x65: {  	_ =	shalt  }
0x66: {  	_ =	shalt  }
0x67: {  	_ =	shalt  }
0x68: {  	_ =	shalt  }
0x69: {  	_ =	shalt  }
0x6a: {  	_ =	shalt  }
0x6b: {  	_ =	shalt  }
0x6c: {  	_ =	shalt  }
0x6d: {  	_ =	shalt  }
0x6e: {  	_ =	shalt  }
0x6f: {  	_ =	shalt  }
0x70: {  	_ =	shalt  }
0x71: {  	_ =	shalt  }
0x72: {  	_ =	shalt  }
0x73: {  	_ =	shalt  }
0x74: {  	_ =	shalt  }
0x75: {  	_ =	shalt  }
0x76: {  	_ =	shalt  }
0x77: {  	_ =	shalt  }
0x78: {  	_ =	shalt  }
0x79: {  	_ =	shalt  }
0x7a: {  	_ =	shalt  }
0x7b: {  	_ =	shalt  }
0x7c: {  	_ =	shalt  }
0x7d: {  	_ =	shalt  }
0x7e: {  	_ =	shalt  }
0x7f: {  	_ =	shalt  }
0x80: {  	_ =	shalt  }
0x81: {  	_ =	shalt  }
0x82: {  	_ =	shalt  }
0x83: {  	_ =	shalt  }
0x84: {  	_ =	shalt  }
0x85: {  	_ =	shalt  }
0x86: {  	_ =	shalt  }
0x87: {  	_ =	shalt  }
.Lfunc_end0:
.L_simem_size_0:
called_computation_lowered:
.L_overlay_start_0:
0x88: {  	s2 =	sld [smem:$0x3FD9]  }
0x89: {  	s3 =	sld [smem:$0x3FFE];
	_ =	sdelay $0x1  }
0x8a: {  	s1 =	srdreg.scid  }
0x8b: {  	s0 =	sand.u32 $0x1, s1  }
0x8c: {  	s16 =	sshll.u32 s0, $0xA;
	s2 =	sadd.s32 s3, s2  }
0x8d: {  	s2 =	sadd.s32 s2, s16  }
0x8e: {  	[smem:$0x3FC1] =	sst s2  }
0x8f: {  	_ = 	snop  }
0x90: {  	(tm) =	ssettm $0x1  }
0x91: {  	s17 =	sld [smem:$0x3FFB];
	_ =	sdelay $0x3  }
0x92: {  	_ =	strace s17  }
0x93: {  	s2 =	sld [smem:$0x3FFC];
	_ =	sdelay $0x3  }
0x94: {  	_ =	strace s2  }
0x95: {  	s2 =	sld [smem:$0x3FFD];
	_ =	sdelay $0x3  }
0x96: {  	_ =	strace s2  }
0x97: {  	_ =	strace $0x8FFFFFFF  }
0x98: {  	s18 =	sld [smem:$0x3FDB];
	_ =	sdelay $0x1  }
0x99: {  	s19 =	simm.s32 $_scs_section_size  }
0x9a: {  	s4 =	simm.s32 $_size__tile_overlayer_lowered;
	s5 =	simm.s32 $_tile_overlayer_lowered  }
0x9b: {  	s22 =	simm.s32 $0x1BFF;
	s21 =	sshll.u32 s5, $0x1;
	s2 =	sadd.s32 s19, s18  }
0x9c: {  	s6 =	simm.s32 $0x0;
	s20 =	sshll.u32 s4, $0x1;
	s4 =	sadd.s32 s21, s2  }
0x9d: {  	[timem:s6], [sflag:s22] =	dma.local [hbm:s4], s20  }
0x9e: {  	_ =	swait.ge [sflag:s22], s20  }
0x9f: {  	s3 =	ssub.s32 $0x0, s20;
	[sflag:s22] =	ssyncset.done $0x0  }
0xa0: {  	[sflag:s22] =	ssyncadd.s32 s3;
	_ =	sdelay $0x1  }
0xa1: {  	s23 =	simm.s32 $0x1B8B  }
0xa2: {  	_ =	swait.ge [sflag:s23], $0x1  }
0xa3: {  	[sflag:s23] =	ssyncset.done $0x0  }
0xa4: {  	s25 =	simm.s32 $0x1B8E;
	s24 =	sld [smem:$0x3FFE];
	[sflag:s23] =	ssyncadd.s32 $0xFFFFFFFF  }
0xa5: {  	s26 =	simm.s32 $execute0_lowered;
	[smem:$0x3FD2] =	sst s25  }
0xa6: {  	s4 =	sshll.u32 s26, $0x1;
	_ =	strace $0x80000046;
	[dreg:$0x1] =	wrdreg $0xFFFFFFFF  }
0xa7: {  	s28 =	simm.s32 $_size_execute0_lowered;
	s2 =	sadd.s32 s2, s4;
	[dreg:$0x0] =	wrdreg $0x0  }
0xa8: {  	s4 =	sshll.u32 s28, $0x1;
	[dreg:$0x2] =	wrdreg s2  }
0xa9: {  	[dreg:$0x3] =	wrdreg s4  }
0xaa: {  	[dreg:$0x4] =	wrdreg $0xC0  }
0xab: {  	_ =	task [dreg:s6], $0x5FFFF  }
0xac: {  	[dreg:$0x1] =	wrdreg $0xFFFFFFFF  }
0xad: {  	[dreg:$0x0] =	wrdreg $0x60  }
0xae: {  	[dreg:$0x2] =	wrdreg s24  }
0xaf: {  	[dreg:$0x3] =	wrdreg $0x9  }
0xb0: {  	_ =	task.clear_ibuf [dreg:s6], $0x4FFFF;
	_ =	strace $0x90000046  }
0xb1: {  	s29 =	simm.s32 $0x9;
	_ =	strace $0x80000048  }
0xb2: {  	_ =	swait.ge [sflag:s29], $0x1  }
0xb3: {  	[sflag:s29] =	ssyncadd.s32 $0xFFFFFFFF  }
0xb4: {  	_ =	strace $0x90000048  }
0xb5: {  	_ =	sfence  }
0xb6: {  	s30 =	sld [smem:$0x0];
	_ =	sdelay $0x2  }
0xb7: {  	s31 =	sshll.u32 s1, $0xD;
	s1 =	sshrl.u32 s1, $0x2  }
0xb8: {  	s3 =	sand.u32 $0x4000, s31;
	s1 =	sadd.s32 s1, s30  }
0xb9: {  	s0 =	sor.u32 s3, s0;
	s1 =	sshll.u32 s1, $0x11  }
0xba: {  	s0 =	sor.u32 s1, s0  }
0xbb: {  	s0 =	sadd.s32 $0x8F2B, s0  }
0xbc: {  	[sflag:s0] =	ssyncadd.remote.s32 $0x1  }
0xbd: {  	_ =	sfence.sel $0xFFFF  }
0xbe: {  	[dreg:$0x0] =	wrdreg $0xFFFFFFFF;
	(pc) =	sbr.abs _section_cstart, $3  }
0xbf: {  	[dreg:$0x1] =	wrdreg $0xFFFFFFFF  }
0xc0: {  	_ =	task.clear_ibuf [dreg:s6], $0x2FFFF;
	_ =	strace $0x9FFFFFFF  }
0xc1: {  	(tm) =	ssettm $0x7FFFFFFF  }
tec
execute0_lowered:
.L_overlay_start_1:
0x0: {  	(tag) =	ssettag $0x1  }
0x1: {  	s0 =	srdreg.scid  }
0x2: {  	s4 =	rddreg [dreg:$0x0];
	s2 =	simm.s32 $0x0;
	s10 =	simm.s32 $0x2800  }
0x3: {  	s11 =	simm.s32 $0x5000;
	s12 =	simm.s32 $0x7780;
	s13 =	simm.s32 $0xA780  }
0x4: {  	s14 =	simm.s32 $0x80;
	s15 =	simm.s32 $0x400;
	s3 =	sand.u32 $0x1, s0  }
0x5: {  	s16 =	simm.s32 $0x0;
	s0 =	stileid.u32;
	s1 =	sshll.u32 s3, $0x4  }
0x6: {  	[smem:$0x7FF] =	sst s2;
	s8 =	sshll.u32 s0, $0x7;
	s1 =	sor.u32 s0, s1  }
0x7: {  	s3 =	ssub.s32 $0x2, s3;
	s5 =	smul.u32 $0x500, s1;
	s6 =	sshrl.u32 s1, $0x3  }
0x8: {  	s8 =	sand.u32 $0x380, s8;
	s31 =	sshrl.u32 s3, $0x1;
	s7 =	smul.u32 $0x13C00, s6  }
0x9: {  	s1 =	rddreg [dreg:$0x1];
	_ =	strace $0x80000047;
	s6 =	smul.u32 $0x18000, s6  }
0xa: {  	s9 =	ssub.s32 s3, s31;
	s5 =	sadd.s32 s5, s4;
	s7 =	sor.u32 s8, s7  }
0xb: {  	s6 =	sor.u32 s8, s6;
	s3 =	sadd.s32 $0xD400, s5;
	s8 =	smax.u32 s9, $0x1  }
0xc: {  	s9 =	simm.s32 $0x1;
	s7 =	sshrl.u32 s7, $0x3;
	s6 =	sshrl.u32 s6, $0x3  }
0xd: {  	v0 =	vimm.f32 $0.0e+00;
	s7 =	sadd.s32 s7, s4;
	s30 =	sadd.s32 s6, s4;
	s4 =	sadd.s32 $0x3400, s5  }
0xe: {  	v1 =	vimm.s32 $0x0;
	v2 =	vimm.s32 $0xA00;
	v3 =	vimm.f32 $1.000000000e+00;
	s5 =	sadd.s32 $0x17400, s7;
	s6 =	sadd.s32 $0x2D200, s30;
	s7 =	sadd.s32 $0x21200, s30  }
.LBB2_1:
0xf: {  	[tilespmem:s2], [sflag:$0x1] =	stream.linear.gather [hbm4b:s3+s2], $0x2800, $0x38;
	[tilespmem:$0xD780] =	vst v63  }
0x10: {  	_ =	swait.ge [sflag:s9], $0x2800  }
0x11: {  	[sflag:s9] =	ssyncset.done $0x0  }
0x12: {  	[sflag:s9] =	ssyncadd.s32 $0xFFFFD800  }
0x13: {  	[tilespmem:s10], [sflag:$0x1] =	stream.linear.gather [hbm4b:s4+s2], $0x2800, $0x38;
	[tilespmem:$0xD780] =	vst v63  }
0x14: {  	_ =	swait.ge [sflag:s9], $0x2800  }
0x15: {  	[sflag:s9] =	ssyncset.done $0x0  }
0x16: {  	s17 =	simm.s32 $0x40;
	s18 =	simm.s32 $0x0;
	[sflag:s9] =	ssyncadd.s32 $0xFFFFD800  }
.LBB2_2:
0x17: {  	p0 =	sne.s32 s17, $0x9DC0;
	[tilespmem:s18+$0x5000] =	vst v0;
	s18 =	smov.u32 s17;
	s17 =	sadd.s32 $0x40, s17  }
.Ltmp0:
0x18: {  	(pc) =	sbr.rel @p0 .LBB2_2-.Ltmp0, $2  }
0x19: {  	_ =	sdelay $0x2  }
0x1a: {  	s18 =	sshra.s32 s18, $0x2  }
0x1b: {  	[tilespmem:s18+$0x5000] =	vst v0;
	s17 =	simm.s32 $0x0;
	s18 =	simm.s32 $0x0  }
.LBB2_4:
0x1c: {  	p0 =	sne.s32 s18, $0xBFC0  }
.Ltmp1:
0x1d: {  	_ = 	snop;
	(pc) =	sbr.rel @p0 .LBB2_4-.Ltmp1, $4  }
0x1e: {  	_ = 	snop  }
0x1f: {  	s19 =	sshra.s32 s18, $0x2  }
0x20: {  	[tilespmem:s19+$0x7780] =	vst v1  }
0x21: {  	s18 =	sadd.s32 $0x40, s18;
	[tilespmem:s19+$0xA780] =	vst v2  }
0x22: {  	s20 =	simm.s32 $0x0  }
0x23: {  	v4 =	vld [tilespmem:s20+$0x2800];
	_ =	sdelay $0x4  }
0x24: {  	vm3 =	vlt.u32 v4, $0xA00  }
0x25: {  	v6 =	vsel vm3, $0x1, v1  }
0x26: {  	(xrf0) =	vadd.scan.msk.s32 $0xffff, v6;
	_ =	sdelay $0x5  }
0x27: {  	v60, _, _ =	vpop (xrf0)  }
0x28: {  	(v2sf) =	vpush v60, $0xF;
	_ =	sdelay $0x1  }
0x29: {  	v5 =	vadd.s32 $0xFFFFF600, v4  }
0x2a: {  	vm0 =	vlt.u32 v5, $0xA00  }
0x2b: {  	v7 =	vsel vm0, $0x1, v1;
	v6 =	vadd.s32 $0xFFFFEC00, v4  }
0x2c: {  	(xrf0) =	vadd.scan.msk.s32 $0xffff, v7;
	vm1 =	vlt.u32 v6, $0xA00;
	v7 =	vadd.s32 $0xFFFFE200, v4  }
0x2d: {  	v8 =	vsel vm1, $0x1, v1;
	vm2 =	vlt.u32 v7, $0xA00  }
0x2e: {  	v9 =	vmov s17;
	(xrf0) =	vadd.scan.msk.s32 $0xffff, v8;
	v11 =	vsel vm2, $0x1, v1  }
0x2f: {  	s18 =	simm.s32 $0xC00;
	v58 =	vadd.s32 $0xFFFFFFFF, v9;
	(xrf0) =	vadd.scan.msk.s32 $0xffff, v11  }
0x30: {  	s17 =	simm.s32 $0x1800;
	s19 =	simm.s32 $0x2400;
	v10 =	vmov s18;
	v8 =	vbroadcast v58, $0x0  }
0x31: {  	v59 =	vmov s17;
	v12 =	vmov s19;
	v10 =	vadd.s32 $0xFFFFFFFF, v10  }
0x32: {  	v9 =	vadd.s32 $0xFFFFFFFF, v59;
	v10 =	vbroadcast v10, $0x0;
	v8 =	vadd.s32 v60, v8;
	v61, _, _ =	vpop (xrf0)  }
0x33: {  	v62 =	vadd.s32 $0xFFFFFFFF, v12;
	vm4 =	vlt.u32 v8, $0x3000;
	(v2sf) =	vpush v61, $0xF  }
0x34: {  	v9 =	vbroadcast v9, $0x0;
	v10 =	vadd.s32 v61, v10;
	vm3 =	vmand vm3, vm4;
	v63, _, _ =	vpop (xrf0)  }
0x35: {  	v13 =	vld [tilespmem:s20+$0x0];
	v11 =	vbroadcast v62, $0x0;
	vm13 =	vlt.u32 v10, $0x3000;
	v14, _, _ =	vpop (xrf0);
	(v2sf) =	vpush v63, $0xF  }
0x36: {  	vm0 =	vmand vm0, vm13;
	v9 =	vadd.s32 v63, v9;
	s21 =	spop (v2sf);
	(v2sf) =	vpush v14, $0xF  }
0x37: {  	vm14 =	vlt.u32 v9, $0x3000  }
0x38: {  	v11 =	vadd.s32 v14, v11;
	vm1 =	vmand vm1, vm14  }
0x39: {  	[tilespmem:v4+s11+$0x0] =	vst.idx.add.f32.msk $0xffff, v3;
	vm15 =	vlt.u32 v11, $0x3000  }
0x3a: {  	vm2 =	vmand vm2, vm15;
	[tilespmem:v8+s12+$0x0] =	vst.idx.msk vm3, v13  }
0x3b: {  	[tilespmem:v8+s13+$0x0] =	vst.idx.msk vm3, v4  }
0x3c: {  	[tilespmem:v10+s12+$0x0] =	vst.idx.msk vm0, v13  }
0x3d: {  	[tilespmem:v10+s13+$0x0] =	vst.idx.msk vm0, v5  }
0x3e: {  	[tilespmem:v9+s12+$0x0] =	vst.idx.msk vm1, v13  }
0x3f: {  	[tilespmem:v9+s13+$0x0] =	vst.idx.msk vm1, v6  }
0x40: {  	[tilespmem:v11+s12+$0x0] =	vst.idx.msk vm2, v13  }
0x41: {  	s20 =	simm.s32 $0x10;
	[tilespmem:v11+s13+$0x0] =	vst.idx.msk vm2, v7  }
0x42: {  	s24 =	simm.s32 $0x80;
	v4 =	vld [tilespmem:s20+$0x2800];
	s21 =	sadd.s32 $0x0, s21;
	s23 =	spop (v2sf)  }
.LBB2_6:
0x43: {  	s18 =	sadd.s32 s18, s23  }
0x44: {  	s25 =	spop (v2sf);
	s23 =	smov.u32 s24;
	s22 =	sadd.s32 $0x40, s24  }
0x45: {  	p0 =	sne.s32 s24, $0x9FC0;
	v5 =	vmov s18;
	s17 =	sadd.s32 s17, s25;
	s24 =	spop (v2sf)  }
0x46: {  	v5 =	vadd.s32 $0xFFFFFFFF, v5;
	v6 =	vmov s17;
	s19 =	sadd.s32 s19, s24  }
0x47: {  	v6 =	vadd.s32 $0xFFFFFFFF, v6;
	v7 =	vmov s19  }
0x48: {  	vm3 =	vlt.u32 v4, $0xA00;
	v8 =	vadd.s32 $0xFFFFF600, v4;
	v9 =	vadd.s32 $0xFFFFEC00, v4  }
0x49: {  	v11 =	vadd.s32 $0xFFFFE200, v4;
	v10 =	vsel vm3, $0x1, v1;
	vm2 =	vlt.u32 v8, $0xA00  }
0x4a: {  	vm1 =	vlt.u32 v9, $0xA00;
	vm0 =	vlt.u32 v11, $0xA00;
	v12 =	vsel vm2, $0x1, v1;
	(xrf0) =	vadd.scan.msk.s32 $0xffff, v10  }
0x4b: {  	v7 =	vadd.s32 $0xFFFFFFFF, v7;
	v10 =	vsel vm1, $0x1, v1;
	v13 =	vsel vm0, $0x1, v1;
	(xrf0) =	vadd.scan.msk.s32 $0xffff, v12  }
0x4c: {  	(xrf0) =	vadd.scan.msk.s32 $0xffff, v10  }
0x4d: {  	v10 =	vmov s21;
	(xrf0) =	vadd.scan.msk.s32 $0xffff, v13  }
0x4e: {  	v10 =	vadd.s32 $0xFFFFFFFF, v10  }
0x4f: {  	v10 =	vbroadcast v10, $0x0  }
0x50: {  	v12, _, _ =	vpop (xrf0)  }
0x51: {  	v5 =	vbroadcast v5, $0x0;
	v10 =	vadd.s32 v12, v10;
	(v2sf) =	vpush v12, $0xF;
	v12, _, _ =	vpop (xrf0)  }
0x52: {  	v6 =	vbroadcast v6, $0x0;
	vm4 =	vlt.u32 v10, $0x3000;
	(v2sf) =	vpush v12, $0xF;
	v13, _, _ =	vpop (xrf0)  }
0x53: {  	v5 =	vadd.s32 v12, v5;
	vm3 =	vmand vm3, vm4;
	(v2sf) =	vpush v13, $0xF;
	v12, _, _ =	vpop (xrf0)  }
0x54: {  	vm4 =	vlt.u32 v5, $0x3000;
	v14 =	vld [tilespmem:s20+$0x0];
	(v2sf) =	vpush v12, $0xF  }
0x55: {  	v7 =	vbroadcast v7, $0x0;
	v6 =	vadd.s32 v13, v6;
	vm2 =	vmand vm2, vm4  }
0x56: {  	vm4 =	vlt.u32 v6, $0x3000  }
0x57: {  	v7 =	vadd.s32 v12, v7;
	vm1 =	vmand vm1, vm4  }
0x58: {  	vm4 =	vlt.u32 v7, $0x3000;
	[tilespmem:v4+s11+$0x0] =	vst.idx.add.f32.msk $0xffff, v3  }
0x59: {  	vm0 =	vmand vm0, vm4;
	[tilespmem:v10+s12+$0x0] =	vst.idx.msk vm3, v14  }
0x5a: {  	[tilespmem:v10+s13+$0x0] =	vst.idx.msk vm3, v4  }
0x5b: {  	[tilespmem:v5+s12+$0x0] =	vst.idx.msk vm2, v14  }
0x5c: {  	[tilespmem:v5+s13+$0x0] =	vst.idx.msk vm2, v8  }
.Ltmp2:
0x5d: {  	[tilespmem:v6+s12+$0x0] =	vst.idx.msk vm1, v14;
	(pc) =	sbr.rel @p0 .LBB2_6-.Ltmp2, $4  }
0x5e: {  	[tilespmem:v6+s13+$0x0] =	vst.idx.msk vm1, v9  }
0x5f: {  	[tilespmem:v7+s12+$0x0] =	vst.idx.msk vm0, v14  }
0x60: {  	s20 =	sshra.s32 s23, $0x2;
	[tilespmem:v7+s13+$0x0] =	vst.idx.msk vm0, v11;
	s23 =	spop (v2sf)  }
0x61: {  	s24 =	smov.u32 s22;
	v4 =	vld [tilespmem:s20+$0x2800];
	s21 =	sadd.s32 s21, s23;
	s23 =	spop (v2sf)  }
0x62: {  	_ =	sdelay $0x3  }
0x63: {  	vm3 =	vlt.u32 v4, $0xA00;
	v5 =	vadd.s32 $0xFFFFF600, v4  }
0x64: {  	v7 =	vsel vm3, $0x1, v1;
	vm2 =	vlt.u32 v5, $0xA00  }
0x65: {  	v6 =	vadd.s32 $0xFFFFEC00, v4;
	v9 =	vsel vm2, $0x1, v1;
	(xrf0) =	vadd.scan.msk.s32 $0xffff, v7  }
0x66: {  	v8 =	vadd.s32 $0xFFFFE200, v4;
	vm1 =	vlt.u32 v6, $0xA00;
	(xrf0) =	vadd.scan.msk.s32 $0xffff, v9  }
0x67: {  	vm0 =	vlt.u32 v8, $0xA00;
	v55 =	vsel vm1, $0x1, v1  }
0x68: {  	v56 =	vsel vm0, $0x1, v1;
	(xrf0) =	vadd.scan.msk.s32 $0xffff, v55  }
0x69: {  	v57 =	vmov s21;
	s18 =	sadd.s32 s18, s23;
	(xrf0) =	vadd.scan.msk.s32 $0xffff, v56  }
0x6a: {  	s24 =	spop (v2sf);
	v11 =	vmov s18;
	v7 =	vadd.s32 $0xFFFFFFFF, v57  }
0x6b: {  	s17 =	sadd.s32 s17, s24;
	v11 =	vadd.s32 $0xFFFFFFFF, v11;
	v7 =	vbroadcast v7, $0x0;
	v58, _, _ =	vpop (xrf0)  }
0x6c: {  	s25 =	spop (v2sf);
	v13 =	vmov s17;
	v59 =	vbroadcast v11, $0x0;
	(v2sf) =	vpush v58, $0xF;
	v10, _, _ =	vpop (xrf0)  }
0x6d: {  	s26 =	sadd.s32 s19, s25;
	v60 =	vadd.s32 $0xFFFFFFFF, v13;
	v7 =	vadd.s32 v58, v7;
	(v2sf) =	vpush v10, $0xF  }
0x6e: {  	v61 =	vmov s26;
	v11 =	vbroadcast v60, $0x0;
	v12, _, _ =	vpop (xrf0);
	vm4 =	vlt.u32 v7, $0x3000  }
0x6f: {  	v9 =	vadd.s32 v10, v59;
	(v2sf) =	vpush v12, $0xF;
	v14, _, _ =	vpop (xrf0);
	vm3 =	vmand vm3, vm4  }
0x70: {  	v63 =	vld [tilespmem:s20+$0x0];
	v62 =	vadd.s32 $0xFFFFFFFF, v61;
	vm13 =	vlt.u32 v9, $0x3000;
	(v2sf) =	vpush v14, $0xF  }
0x71: {  	v10 =	vbroadcast v62, $0x0;
	v11 =	vadd.s32 v12, v11;
	vm2 =	vmand vm2, vm13  }
0x72: {  	vm14 =	vlt.u32 v11, $0x3000  }
0x73: {  	v10 =	vadd.s32 v14, v10;
	vm1 =	vmand vm1, vm14  }
0x74: {  	[tilespmem:v4+s11+$0x0] =	vst.idx.add.f32.msk $0xffff, v3;
	vm15 =	vlt.u32 v10, $0x3000  }
0x75: {  	vm0 =	vmand vm0, vm15;
	[tilespmem:v7+s12+$0x0] =	vst.idx.msk vm3, v63  }
0x76: {  	[tilespmem:v7+s13+$0x0] =	vst.idx.msk vm3, v4  }
0x77: {  	[tilespmem:v9+s12+$0x0] =	vst.idx.msk vm2, v63  }
0x78: {  	[tilespmem:v9+s13+$0x0] =	vst.idx.msk vm2, v5  }
0x79: {  	[tilespmem:v11+s12+$0x0] =	vst.idx.msk vm1, v63  }
0x7a: {  	[tilespmem:v11+s13+$0x0] =	vst.idx.msk vm1, v6  }
0x7b: {  	[tilespmem:v10+s12+$0x0] =	vst.idx.msk vm0, v63;
	s28 =	spop (v2sf)  }
0x7c: {  	[tilespmem:v10+s13+$0x0] =	vst.idx.msk vm0, v8;
	s29 =	spop (v2sf)  }
0x7d: {  	[hbm4b:s5+s14] =	stream.strided.scatter [tilespmem:s11], [sflag:$0x1], $0x2780, s15, s14, $0x38;
	[tilespmem:$0xD780] =	vst v63  }
0x7e: {  	s30 =	spop (v2sf)  }
0x7f: {  	s31 =	spop (v2sf)  }
0x80: {  	_ =	swait.ge [sflag:s9], $0x2780  }
0x81: {  	[sflag:s9] =	ssyncset.done $0x0  }
0x82: {  	[sflag:s9] =	ssyncadd.s32 $0xFFFFD880  }
0x83: {  	[hbm4b:s6+s14] =	stream.strided.scatter [tilespmem:s12], [sflag:$0x1], $0x3000, s15, s14, $0x38;
	[tilespmem:$0xD780] =	vst v63  }
0x84: {  	s16 =	sadd.s32 $0x1, s16;
	_ =	swait.ge [sflag:s9], $0x3000  }
0x85: {  	p0 =	sne.s32 s16, s8;
	[sflag:s9] =	ssyncset.done $0x0  }
.Ltmp3:
0x86: {  	[sflag:s9] =	ssyncadd.s32 $0xFFFFD000;
	(pc) =	sbr.rel @p0 .LBB2_1-.Ltmp3, $4  }
0x87: {  	[hbm4b:s7+s14] =	stream.strided.scatter [tilespmem:s13], [sflag:$0x1], $0x3000, s15, s14, $0x38;
	[tilespmem:$0xD780] =	vst v63  }
0x88: {  	_ =	swait.ge [sflag:s9], $0x3000  }
0x89: {  	[sflag:s9] =	ssyncset.done $0x0  }
0x8a: {  	[sflag:s9] =	ssyncadd.s32 $0xFFFFD000  }
0x8b: {  	_ =	sfence.sel $0x180000  }
0x8c: {  	[bflag:$0x0] =	sbarrier.arrive $0xFFFF  }
0x8d: {  	p0 =	sne.s32 s0, $0x0;
	_ =	strace $0x90000047  }
0x8e: {  	s0 =	sadd.s32 @!p0 $0x100000, s1;
	[bflag:$0x2] =	sbarrier.arrive $0xFFFF  }
0x8f: {  	[sflag:s0] =	ssyncadd.tile.s32 @!p0 $0x1;
	_ =	shalt  }
.Lfunc_end2:
_tile_overlayer_lowered:
.L_overlay_start_2:
0x90: {  	(tag) =	ssettag $0x2  }
0x91: {  	s0 =	rddreg [dreg:$0x0];
	s2 =	stileid.u32  }
0x92: {  	s1 =	rddreg [dreg:$0x1];
	p0 =	sne.s32 s2, $0x0  }
0x93: {  	s3 =	rddreg [dreg:$0x2];
	[bflag:$0x3] =	sbarrier.arrive $0xFFFF;
	s2 =	simm.s32 @!p0 $0x1C01  }
0x94: {  	[timem:s3], [sflag:s2] =	dma.local @!p0 [hbm:s0], s1  }
0x95: {  	s0 =	simm.s32 @!p0 $0x1  }
0x96: {  	_ =	swait.ge @!p0 [sflag:s0], s1  }
0x97: {  	s1 =	ssub.s32 @!p0 $0x0, s1;
	[sflag:s0] =	ssyncset.done @!p0 $0x0  }
0x98: {  	[sflag:s0] =	ssyncadd.s32 @!p0 s1  }
0x99: {  	[bflag:$0x3] =	sbarrier.arrive $0xFFFF  }
0x9a: {  	_ =	shalt  }

</sc_bundles>
